<compile_context>
chip_gen: v7x
topology: tpu7x:2x2x1
jax: 0.10.2.dev20260603
libtpu: 0.0.44.dev20260713+nightly
codegen_flags: <defaults>
</compile_context>

<pallas_src>
import functools

import jax
import jax.numpy as jnp
from jax import lax
from jax.experimental import pallas as pl
from jax.experimental.pallas import tpu as pltpu
from jax.experimental.pallas import tpu_sc as plsc

_NC = 2
_NS = 16
_CH = 128


def _sc_aggregate(feature, edge_index, zrow):
    N, D = feature.shape
    E = edge_index.shape[1]
    NW = _NC * _NS
    rows_per_sub = ((N + _CH * _NS - 1) // (_CH * _NS)) * _CH
    NPAD = rows_per_sub * _NS

    G = -(-E // (_CH * NW))
    G = ((G + 3) // 4) * 4
    E_pad = G * NW * _CH

    _IB = 16
    NBLK = G // _IB
    BLK_E = _IB * _CH
    NREALB = E // BLK_E
    npad_rows = jnp.arange(E_pad - E, dtype=jnp.int32)
    pad_edges = jnp.concatenate(
        [edge_index[:, NREALB * BLK_E:],
         jnp.stack([npad_rows % jnp.int32(min(N, _CH)),
                    N + npad_rows % jnp.int32(NPAD - N)], axis=0)], axis=1)
    mesh = plsc.VectorSubcoreMesh(core_axis_name="c", subcore_axis_name="s")

    @functools.partial(
        pl.kernel,
        out_type=jax.ShapeDtypeStruct((_NC, NPAD, D), jnp.float32),
        mesh=mesh,
        scratch_types=[
            pltpu.VMEM((2, 2, _IB * _CH), jnp.int32),
            pltpu.VMEM((_CH, D), jnp.float32),
            pltpu.VMEM((_CH, D), jnp.float32),
            pltpu.VMEM_SHARED((NPAD, D), jnp.float32),
            [pltpu.SemaphoreType.DMA] * 2,
            [pltpu.SemaphoreType.DMA] * 2,
        ],
    )
    def agg_kernel(feat_hbm, edge_hbm, pad_hbm, zrow_hbm, out_hbm,
                   idx, rows0, rows1, acc, gsems, isems):
        c = lax.axis_index("c")
        s = lax.axis_index("s")
        w = c * _NS + s
        rows = (rows0, rows1)

        def idx_block_real(bi, slot):
            gb = w * NBLK + bi
            off = jnp.minimum(gb, NREALB - 1) * BLK_E
            return pltpu.make_async_copy(
                edge_hbm.at[:, pl.ds(off, BLK_E)], idx.at[slot],
                isems[slot])

        def idx_block_start(bi, slot):
            gb = w * NBLK + bi

            @pl.when(gb < NREALB)
            def _():
                idx_block_real(bi, slot).start()

            @pl.when(gb >= NREALB)
            def _():
                off = jnp.maximum(gb - NREALB, 0) * BLK_E
                pltpu.async_copy(
                    pad_hbm.at[:, pl.ds(off, BLK_E)], idx.at[slot],
                    isems[slot])

        idx_block_start(0, 0)
        pltpu.sync_copy(zrow_hbm, rows0)

        @pl.loop(0, rows_per_sub // _CH)
        def _(j):
            pltpu.sync_copy(
                rows0, acc.at[pl.ds(s * rows_per_sub + j * _CH, _CH), :])

        plsc.subcore_barrier()

        def launch(sl, u, b):
            pltpu.async_copy(
                feat_hbm.at[idx.at[sl, 0, pl.ds(u * _CH, _CH)]],
                rows[b], gsems[b])

        def finish(sl, u, b):
            pltpu.make_async_copy(
                feat_hbm.at[idx.at[sl, 0, pl.ds(u * _CH, _CH)]],
                rows[b], gsems[b]).wait()
            pltpu.sync_copy(
                rows[b], acc.at[idx.at[sl, 1, pl.ds(u * _CH, _CH)]],
                add=True)

        def steady(sl):
            @pl.loop(0, _IB - 2, step=2)
            def _(j):
                for b in range(2):
                    u = j + b
                    finish(sl, u, b)
                    launch(sl, u + 2, b)

        idx_block_real(0, 0).wait()
        launch(0, 0, 0)
        launch(0, 1, 1)
        for bi in range(NBLK):
            sl = bi % 2
            if bi + 1 < NBLK:
                idx_block_start(bi + 1, 1 - sl)
                steady(sl)
                idx_block_real(bi + 1, 1 - sl).wait()
                finish(sl, _IB - 2, 0)
                launch(1 - sl, 0, 0)
                finish(sl, _IB - 1, 1)
                launch(1 - sl, 1, 1)
            else:
                steady(sl)
                finish(sl, _IB - 2, 0)
                finish(sl, _IB - 1, 1)

        plsc.subcore_barrier()

        pltpu.sync_copy(
            acc.at[pl.ds(s * rows_per_sub, rows_per_sub), :],
            out_hbm.at[c, pl.ds(s * rows_per_sub, rows_per_sub), :])

    return agg_kernel(feature, edge_index, pad_edges, zrow)


def _tc_fused(feature, partials, W1, b1, W2, b2, gamma, beta):
    N, D = feature.shape

    dn = (((1,), (1,)), ((), ()))

    def body(f_ref, p_ref, w1_ref, b1_ref, w2_ref, b2_ref, g_ref, be_ref,
             o_ref):
        x = f_ref[...] + p_ref[0, pl.ds(0, N), :] + p_ref[1, pl.ds(0, N), :]
        h = lax.dot_general(x, w1_ref[...], dn,
                            preferred_element_type=jnp.float32,
                            precision=lax.Precision.HIGHEST) + b1_ref[...]
        h = jnp.maximum(h, 0.0)
        h = lax.dot_general(h, w2_ref[...], dn,
                            preferred_element_type=jnp.float32,
                            precision=lax.Precision.HIGHEST) + b2_ref[...]
        h = jnp.maximum(h, 0.0)
        mean = jnp.mean(h, axis=0, keepdims=True)
        var = jnp.mean(h * h, axis=0, keepdims=True) - mean * mean
        inv = lax.rsqrt(var + 1e-5)
        o_ref[...] = (h - mean) * inv * g_ref[...] + be_ref[...]

    return pl.pallas_call(
        body,
        out_shape=jax.ShapeDtypeStruct((N, D), jnp.float32),
    )(feature, partials, W1, b1, W2, b2, gamma, beta)


def kernel(feature, edge_index, W1, b1, W2, b2, gamma, beta):
    D = feature.shape[1]
    zrow = jnp.zeros((_CH, D), jnp.float32)
    partials = _sc_aggregate(feature, edge_index, zrow)
    return _tc_fused(feature, partials, W1, b1.reshape(1, D), W2,
                     b2.reshape(1, D), gamma.reshape(1, D),
                     beta.reshape(1, D))

# --- scband reference (transcript-rebuilt; emitter-appended) ---
"""Pipeline reference for scband-emily-gin-angle-87703232184760 (READ-ONLY COPY).

The authoritative reference and input builder live on the scoring server;
editing this copy changes nothing except your own understanding.
"""

import jax, jax.numpy as jnp
import numpy as np

N = 10000
E = 320000
D = 128


def setup_inputs(seed: int = 0) -> dict:
    key = jax.random.key(seed)
    ks = jax.random.split(key, 6)
    feature = jax.random.normal(ks[0], (N, D), dtype=jnp.float32)
    edge_index = jax.random.randint(ks[1], (2, E), 0, N, dtype=jnp.int32)
    s = 1.0 / np.sqrt(D)
    W1 = jax.random.normal(ks[2], (D, D), dtype=jnp.float32) * s
    b1 = jnp.zeros((D,), dtype=jnp.float32)
    W2 = jax.random.normal(ks[3], (D, D), dtype=jnp.float32) * s
    b2 = jnp.zeros((D,), dtype=jnp.float32)
    gamma = jnp.ones((D,), dtype=jnp.float32)
    beta = jnp.zeros((D,), dtype=jnp.float32)
    return {"feature": feature, "edge_index": edge_index, "W1": W1, "b1": b1, "W2": W2, "b2": b2, "gamma": gamma, "beta": beta}


def reference(feature, edge_index, W1, b1, W2, b2, gamma, beta):
    src = edge_index[0]
    dst = edge_index[1]
    # GINConv with eps=0: (1 + eps) * x + sum_{j in N(i)} x_j, then MLP
    agg = jnp.zeros_like(feature).at[dst].add(feature[src])
    h = feature + agg
    # nn_angle: Linear -> ReLU -> Linear
    h = jax.nn.relu(h @ W1.T + b1) @ W2.T + b2
    # outer ReLU
    h = jax.nn.relu(h)
    # BatchNorm1d (training mode: batch statistics, biased variance)
    mean = jnp.mean(h, axis=0)
    var = jnp.var(h, axis=0)
    out = (h - mean) / jnp.sqrt(var + 1e-5) * gamma + beta
    return out

if __name__ == "__main__":
    import jax
    _d = setup_inputs()
    print(jax.jit(kernel)(*tuple(_d.values())))

</pallas_src>

<mosaic_0001>
#map = affine_map<(d0, d1) -> (0, 0)>
#map1 = affine_map<(d0, d1) -> (0, 0, 0)>
module attributes {stable_mosaic.version = 14 : i64} {
  func.func @agg_kernel(%arg0: i32, %arg1: i32, %arg2: memref<10000x128xf32, #tpu.memory_space<hbm>>, %arg3: memref<2x320000xi32, #tpu.memory_space<hbm>>, %arg4: memref<2x8192xi32, #tpu.memory_space<hbm>>, %arg5: memref<128x128xf32, #tpu.memory_space<hbm>>, %arg6: memref<2x10240x128xf32, #tpu.memory_space<hbm>>, %arg7: memref<2x2x2048xi32, #tpu.memory_space<vmem>>, %arg8: memref<128x128xf32, #tpu.memory_space<vmem>>, %arg9: memref<128x128xf32, #tpu.memory_space<vmem>>, %arg10: memref<10240x128xf32, #tpu.memory_space<vmem_shared>>, %arg11: memref<!tpu.dma_semaphore, #tpu.memory_space<semaphore_mem>>, %arg12: memref<!tpu.dma_semaphore, #tpu.memory_space<semaphore_mem>>, %arg13: memref<!tpu.dma_semaphore, #tpu.memory_space<semaphore_mem>>, %arg14: memref<!tpu.dma_semaphore, #tpu.memory_space<semaphore_mem>>) attributes {dimension_semantics = [#tpu.dimension_semantics<core_parallel>, #tpu.dimension_semantics<subcore_parallel>], iteration_bounds = array<i64: 2, 16>, scalar_prefetch = 0 : i64, scratch_operands = 8 : i64, tpu.core_type = #tpu.core_type<sc_vector_subcore>, window_params = [{transform_indices = #map}, {transform_indices = #map}, {transform_indices = #map}, {transform_indices = #map}, {transform_indices = #map1}]} {
    %mul3A = arith.constant 16 : i32
    %mul3A_0 = arith.muli %arg0, %mul3A : i32
    %add3A = arith.addi %mul3A_0, %arg1 : i32
    %mul3A_1 = arith.constant 5 : i32
    %mul3A_2 = arith.muli %add3A, %mul3A_1 : i32
    %add3A_3 = arith.constant 0 : i32
    %add3A_4 = arith.addi %mul3A_2, %add3A_3 : i32
    %lt3A = arith.constant 156 : i32
    %lt3A_5 = arith.cmpi slt, %add3A_4, %lt3A : i32
    %convert_element_type3A = arith.extui %lt3A_5 : i1 to i32
    %cond3A = arith.constant 0 : i32
    %cond3A_6 = arith.cmpi ne, %convert_element_type3A, %cond3A : i32
    scf.if %cond3A_6 {
      %mul3A_382 = arith.constant 5 : i32
      %mul3A_383 = arith.muli %add3A, %mul3A_382 : i32
      %add3A_384 = arith.constant 0 : i32
      %add3A_385 = arith.addi %mul3A_383, %add3A_384 : i32
      %min3A_386 = arith.constant 155 : i32
      %min3A_387 = arith.minsi %add3A_385, %min3A_386 : i32
      %mul3A_388 = arith.constant 2048 : i32
      %mul3A_389 = arith.muli %min3A_387, %mul3A_388 : i32
      %dma_start3A_390 = arith.constant 0 : i32
      %dma_start3A_391 = arith.constant 0 : i32
      %dma_start3A_392 = arith.constant 0 : i32
      %dma_start3A_393 = tpu.memref_slice %arg7[%dma_start3A_390, %dma_start3A_391, %dma_start3A_392] : memref<2x2x2048xi32, #tpu.memory_space<vmem>> -> memref<1x2x2048xi32, #tpu.memory_space<vmem>>
      %dma_start3A_394 = tpu.memref_squeeze %dma_start3A_393 : memref<1x2x2048xi32, #tpu.memory_space<vmem>> -> memref<2x2048xi32, #tpu.memory_space<vmem>>
      %dma_start3A_395 = arith.constant 0 : i32
      %dma_start3A_396 = tpu.memref_slice %arg3[%dma_start3A_395, %mul3A_389] : memref<2x320000xi32, #tpu.memory_space<hbm>> -> memref<2x2048xi32, #tpu.memory_space<hbm>>
      %dma_start3A_397 = arith.constant 0 : i32
      %dma_start3A_398 = arith.constant 0 : i32
      %dma_start3A_399 = tpu.memref_slice %arg7[%dma_start3A_390, %dma_start3A_397, %dma_start3A_398] : memref<2x2x2048xi32, #tpu.memory_space<vmem>> -> memref<1x2x2048xi32, #tpu.memory_space<vmem>>
      %dma_start3A_400 = tpu.memref_squeeze %dma_start3A_399 : memref<1x2x2048xi32, #tpu.memory_space<vmem>> -> memref<2x2048xi32, #tpu.memory_space<vmem>>
      %dma_start3A_401 = arith.constant 0 : i32
      %dma_start3A_402 = tpu.memref_slice %arg3[%dma_start3A_401, %mul3A_389] : memref<2x320000xi32, #tpu.memory_space<hbm>> -> memref<2x2048xi32, #tpu.memory_space<hbm>>
      tpu.enqueue_dma source(%dma_start3A_402 : memref<2x2048xi32, #tpu.memory_space<hbm>>) target(%dma_start3A_400 : memref<2x2048xi32, #tpu.memory_space<vmem>>) target_semaphore(%arg13 : memref<!tpu.dma_semaphore, #tpu.memory_space<semaphore_mem>>)
    } else {
    }
    %ge3A = arith.constant 156 : i32
    %ge3A_7 = arith.cmpi sge, %add3A_4, %ge3A : i32
    %convert_element_type3A_8 = arith.extui %ge3A_7 : i1 to i32
    %cond3A_9 = arith.constant 0 : i32
    %cond3A_10 = arith.cmpi ne, %convert_element_type3A_8, %cond3A_9 : i32
    scf.if %cond3A_10 {
      %sub3A = arith.constant 156 : i32
      %sub3A_382 = arith.subi %add3A_4, %sub3A : i32
      %max3A = arith.constant 0 : i32
      %max3A_383 = arith.maxsi %sub3A_382, %max3A : i32
      %mul3A_384 = arith.constant 2048 : i32
      %mul3A_385 = arith.muli %max3A_383, %mul3A_384 : i32
      %dma_start3A_386 = arith.constant 0 : i32
      %dma_start3A_387 = arith.constant 0 : i32
      %dma_start3A_388 = arith.constant 0 : i32
      %dma_start3A_389 = tpu.memref_slice %arg7[%dma_start3A_386, %dma_start3A_387, %dma_start3A_388] : memref<2x2x2048xi32, #tpu.memory_space<vmem>> -> memref<1x2x2048xi32, #tpu.memory_space<vmem>>
      %dma_start3A_390 = tpu.memref_squeeze %dma_start3A_389 : memref<1x2x2048xi32, #tpu.memory_space<vmem>> -> memref<2x2048xi32, #tpu.memory_space<vmem>>
      %dma_start3A_391 = arith.constant 0 : i32
      %dma_start3A_392 = tpu.memref_slice %arg4[%dma_start3A_391, %mul3A_385] : memref<2x8192xi32, #tpu.memory_space<hbm>> -> memref<2x2048xi32, #tpu.memory_space<hbm>>
      %dma_start3A_393 = arith.constant 0 : i32
      %dma_start3A_394 = arith.constant 0 : i32
      %dma_start3A_395 = tpu.memref_slice %arg7[%dma_start3A_386, %dma_start3A_393, %dma_start3A_394] : memref<2x2x2048xi32, #tpu.memory_space<vmem>> -> memref<1x2x2048xi32, #tpu.memory_space<vmem>>
      %dma_start3A_396 = tpu.memref_squeeze %dma_start3A_395 : memref<1x2x2048xi32, #tpu.memory_space<vmem>> -> memref<2x2048xi32, #tpu.memory_space<vmem>>
      %dma_start3A_397 = arith.constant 0 : i32
      %dma_start3A_398 = tpu.memref_slice %arg4[%dma_start3A_397, %mul3A_385] : memref<2x8192xi32, #tpu.memory_space<hbm>> -> memref<2x2048xi32, #tpu.memory_space<hbm>>
      tpu.enqueue_dma source(%dma_start3A_398 : memref<2x2048xi32, #tpu.memory_space<hbm>>) target(%dma_start3A_396 : memref<2x2048xi32, #tpu.memory_space<vmem>>) target_semaphore(%arg13 : memref<!tpu.dma_semaphore, #tpu.memory_space<semaphore_mem>>)
    } else {
    }
    "tpu.region"() ({
      %run_scoped3A_382 = tpu.sem_alloc : memref<!tpu.dma_semaphore, #tpu.memory_space<semaphore_mem>>
      tpu.enqueue_dma source(%arg5 : memref<128x128xf32, #tpu.memory_space<hbm>>) target(%arg8 : memref<128x128xf32, #tpu.memory_space<vmem>>) target_semaphore(%run_scoped3A_382 : memref<!tpu.dma_semaphore, #tpu.memory_space<semaphore_mem>>)
      tpu.wait_dma2 semaphore(%run_scoped3A_382 : memref<!tpu.dma_semaphore, #tpu.memory_space<semaphore_mem>>) src(%arg5 : memref<128x128xf32, #tpu.memory_space<hbm>>) dst(%arg8 : memref<128x128xf32, #tpu.memory_space<vmem>>)
      tpu.yield
    }) : () -> ()
    %scan3A = arith.constant 0 : i32
    %scan3A_11 = arith.constant 5 : i32
    %scan3A_12 = arith.addi %scan3A, %scan3A_11 : i32
    %scan3A_13 = arith.constant 1 : i32
    scf.for %scan3A_382 = %scan3A to %scan3A_12 step %scan3A_13  : i32 {
      %mul3A_383 = arith.constant 1 : i32
      %mul3A_384 = arith.muli %scan3A_382, %mul3A_383 : i32
      %add3A_385 = arith.constant 0 : i32
      %add3A_386 = arith.addi %add3A_385, %mul3A_384 : i32
      %mul3A_387 = arith.constant 640 : i32
      %mul3A_388 = arith.muli %arg1, %mul3A_387 : i32
      %mul3A_389 = arith.constant 128 : i32
      %mul3A_390 = arith.muli %add3A_386, %mul3A_389 : i32
      %add3A_391 = arith.addi %mul3A_388, %mul3A_390 : i32
      "tpu.region"() ({
        %run_scoped3A_392 = tpu.sem_alloc : memref<!tpu.dma_semaphore, #tpu.memory_space<semaphore_mem>>
        %dma_start3A_393 = arith.constant 0 : i32
        %dma_start3A_394 = tpu.memref_slice %arg10[%add3A_391, %dma_start3A_393] : memref<10240x128xf32, #tpu.memory_space<vmem_shared>> -> memref<128x128xf32, #tpu.memory_space<vmem_shared>>
        %dma_start3A_395 = arith.constant 0 : i32
        %dma_start3A_396 = tpu.memref_slice %arg10[%add3A_391, %dma_start3A_395] : memref<10240x128xf32, #tpu.memory_space<vmem_shared>> -> memref<128x128xf32, #tpu.memory_space<vmem_shared>>
        tpu.enqueue_dma source(%arg8 : memref<128x128xf32, #tpu.memory_space<vmem>>) target(%dma_start3A_396 : memref<128x128xf32, #tpu.memory_space<vmem_shared>>) target_semaphore(%run_scoped3A_392 : memref<!tpu.dma_semaphore, #tpu.memory_space<semaphore_mem>>)
        %dma_wait3A_397 = arith.constant 0 : i32
        %dma_wait3A_398 = tpu.memref_slice %arg10[%add3A_391, %dma_wait3A_397] : memref<10240x128xf32, #tpu.memory_space<vmem_shared>> -> memref<128x128xf32, #tpu.memory_space<vmem_shared>>
        %dma_wait3A_399 = arith.constant 0 : i32
        %dma_wait3A_400 = tpu.memref_slice %arg10[%add3A_391, %dma_wait3A_399] : memref<10240x128xf32, #tpu.memory_space<vmem_shared>> -> memref<128x128xf32, #tpu.memory_space<vmem_shared>>
        tpu.wait_dma2 semaphore(%run_scoped3A_392 : memref<!tpu.dma_semaphore, #tpu.memory_space<semaphore_mem>>) src(%arg8 : memref<128x128xf32, #tpu.memory_space<vmem>>) dst(%dma_wait3A_400 : memref<128x128xf32, #tpu.memory_space<vmem_shared>>)
        tpu.yield
      }) : () -> ()
    }
    %scan3A_14 = arith.constant 5 : i32
    %barrier3A = arith.constant 0 : index
    tpu.barrier barrier_id(%barrier3A)
    %mul3A_15 = arith.constant 5 : i32
    %mul3A_16 = arith.muli %add3A, %mul3A_15 : i32
    %add3A_17 = arith.constant 0 : i32
    %add3A_18 = arith.addi %mul3A_16, %add3A_17 : i32
    %min3A = arith.constant 155 : i32
    %min3A_19 = arith.minsi %add3A_18, %min3A : i32
    %mul3A_20 = arith.constant 2048 : i32
    %mul3A_21 = arith.muli %min3A_19, %mul3A_20 : i32
    %dma_wait3A = arith.constant 0 : i32
    %dma_wait3A_22 = arith.constant 0 : i32
    %dma_wait3A_23 = arith.constant 0 : i32
    %dma_wait3A_24 = tpu.memref_slice %arg7[%dma_wait3A, %dma_wait3A_22, %dma_wait3A_23] : memref<2x2x2048xi32, #tpu.memory_space<vmem>> -> memref<1x2x2048xi32, #tpu.memory_space<vmem>>
    %dma_wait3A_25 = tpu.memref_squeeze %dma_wait3A_24 : memref<1x2x2048xi32, #tpu.memory_space<vmem>> -> memref<2x2048xi32, #tpu.memory_space<vmem>>
    %dma_wait3A_26 = arith.constant 0 : i32
    %dma_wait3A_27 = tpu.memref_slice %arg3[%dma_wait3A_26, %mul3A_21] : memref<2x320000xi32, #tpu.memory_space<hbm>> -> memref<2x2048xi32, #tpu.memory_space<hbm>>
    %dma_wait3A_28 = arith.constant 0 : i32
    %dma_wait3A_29 = arith.constant 0 : i32
    %dma_wait3A_30 = tpu.memref_slice %arg7[%dma_wait3A, %dma_wait3A_28, %dma_wait3A_29] : memref<2x2x2048xi32, #tpu.memory_space<vmem>> -> memref<1x2x2048xi32, #tpu.memory_space<vmem>>
    %dma_wait3A_31 = tpu.memref_squeeze %dma_wait3A_30 : memref<1x2x2048xi32, #tpu.memory_space<vmem>> -> memref<2x2048xi32, #tpu.memory_space<vmem>>
    %dma_wait3A_32 = arith.constant 0 : i32
    %dma_wait3A_33 = tpu.memref_slice %arg3[%dma_wait3A_32, %mul3A_21] : memref<2x320000xi32, #tpu.memory_space<hbm>> -> memref<2x2048xi32, #tpu.memory_space<hbm>>
    tpu.wait_dma2 semaphore(%arg13 : memref<!tpu.dma_semaphore, #tpu.memory_space<semaphore_mem>>) src(%dma_wait3A_33 : memref<2x2048xi32, #tpu.memory_space<hbm>>) dst(%dma_wait3A_31 : memref<2x2048xi32, #tpu.memory_space<vmem>>)
    %dma_start3A = arith.constant 0 : i32
    %dma_start3A_34 = arith.constant 0 : i32
    %dma_start3A_35 = arith.constant 0 : i32
    %dma_start3A_36 = tpu.memref_slice %arg7[%dma_start3A, %dma_start3A_34, %dma_start3A_35] : memref<2x2x2048xi32, #tpu.memory_space<vmem>> -> memref<1x1x128xi32, #tpu.memory_space<vmem>>
    %dma_start3A_37 = tpu.memref_squeeze %dma_start3A_36 : memref<1x1x128xi32, #tpu.memory_space<vmem>> -> memref<128xi32, #tpu.memory_space<vmem>>
    %dma_start3A_38 = arith.constant 0 : i32
    %dma_start3A_39 = arith.constant 0 : i32
    %dma_start3A_40 = tpu.memref_slice %arg2[%dma_start3A_38, %dma_start3A_39] : memref<10000x128xf32, #tpu.memory_space<hbm>> -> memref<10000x128xf32, #tpu.memory_space<hbm>>
    tpu.enqueue_indirect_dma source(%dma_start3A_40 : memref<10000x128xf32, #tpu.memory_space<hbm>>) target(%arg8 : memref<128x128xf32, #tpu.memory_space<vmem>>) offsets(%dma_start3A_37 : memref<128xi32, #tpu.memory_space<vmem>>) semaphore(%arg11 : memref<!tpu.dma_semaphore, #tpu.memory_space<semaphore_mem>>)
    %dma_start3A_41 = arith.constant 0 : i32
    %dma_start3A_42 = arith.constant 0 : i32
    %dma_start3A_43 = arith.constant 128 : i32
    %dma_start3A_44 = tpu.memref_slice %arg7[%dma_start3A_41, %dma_start3A_42, %dma_start3A_43] : memref<2x2x2048xi32, #tpu.memory_space<vmem>> -> memref<1x1x128xi32, #tpu.memory_space<vmem>>
    %dma_start3A_45 = tpu.memref_squeeze %dma_start3A_44 : memref<1x1x128xi32, #tpu.memory_space<vmem>> -> memref<128xi32, #tpu.memory_space<vmem>>
    %dma_start3A_46 = arith.constant 0 : i32
    %dma_start3A_47 = arith.constant 0 : i32
    %dma_start3A_48 = tpu.memref_slice %arg2[%dma_start3A_46, %dma_start3A_47] : memref<10000x128xf32, #tpu.memory_space<hbm>> -> memref<10000x128xf32, #tpu.memory_space<hbm>>
    tpu.enqueue_indirect_dma source(%dma_start3A_48 : memref<10000x128xf32, #tpu.memory_space<hbm>>) target(%arg9 : memref<128x128xf32, #tpu.memory_space<vmem>>) offsets(%dma_start3A_45 : memref<128xi32, #tpu.memory_space<vmem>>) semaphore(%arg12 : memref<!tpu.dma_semaphore, #tpu.memory_space<semaphore_mem>>)
    %mul3A_49 = arith.constant 5 : i32
    %mul3A_50 = arith.muli %add3A, %mul3A_49 : i32
    %add3A_51 = arith.constant 1 : i32
    %add3A_52 = arith.addi %mul3A_50, %add3A_51 : i32
    %lt3A_53 = arith.constant 156 : i32
    %lt3A_54 = arith.cmpi slt, %add3A_52, %lt3A_53 : i32
    %convert_element_type3A_55 = arith.extui %lt3A_54 : i1 to i32
    %cond3A_56 = arith.constant 0 : i32
    %cond3A_57 = arith.cmpi ne, %convert_element_type3A_55, %cond3A_56 : i32
    scf.if %cond3A_57 {
      %mul3A_382 = arith.constant 5 : i32
      %mul3A_383 = arith.muli %add3A, %mul3A_382 : i32
      %add3A_384 = arith.constant 1 : i32
      %add3A_385 = arith.addi %mul3A_383, %add3A_384 : i32
      %min3A_386 = arith.constant 155 : i32
      %min3A_387 = arith.minsi %add3A_385, %min3A_386 : i32
      %mul3A_388 = arith.constant 2048 : i32
      %mul3A_389 = arith.muli %min3A_387, %mul3A_388 : i32
      %dma_start3A_390 = arith.constant 1 : i32
      %dma_start3A_391 = arith.constant 0 : i32
      %dma_start3A_392 = arith.constant 0 : i32
      %dma_start3A_393 = tpu.memref_slice %arg7[%dma_start3A_390, %dma_start3A_391, %dma_start3A_392] : memref<2x2x2048xi32, #tpu.memory_space<vmem>> -> memref<1x2x2048xi32, #tpu.memory_space<vmem>>
      %dma_start3A_394 = tpu.memref_squeeze %dma_start3A_393 : memref<1x2x2048xi32, #tpu.memory_space<vmem>> -> memref<2x2048xi32, #tpu.memory_space<vmem>>
      %dma_start3A_395 = arith.constant 0 : i32
      %dma_start3A_396 = tpu.memref_slice %arg3[%dma_start3A_395, %mul3A_389] : memref<2x320000xi32, #tpu.memory_space<hbm>> -> memref<2x2048xi32, #tpu.memory_space<hbm>>
      %dma_start3A_397 = arith.constant 0 : i32
      %dma_start3A_398 = arith.constant 0 : i32
      %dma_start3A_399 = tpu.memref_slice %arg7[%dma_start3A_390, %dma_start3A_397, %dma_start3A_398] : memref<2x2x2048xi32, #tpu.memory_space<vmem>> -> memref<1x2x2048xi32, #tpu.memory_space<vmem>>
      %dma_start3A_400 = tpu.memref_squeeze %dma_start3A_399 : memref<1x2x2048xi32, #tpu.memory_space<vmem>> -> memref<2x2048xi32, #tpu.memory_space<vmem>>
      %dma_start3A_401 = arith.constant 0 : i32
      %dma_start3A_402 = tpu.memref_slice %arg3[%dma_start3A_401, %mul3A_389] : memref<2x320000xi32, #tpu.memory_space<hbm>> -> memref<2x2048xi32, #tpu.memory_space<hbm>>
      tpu.enqueue_dma source(%dma_start3A_402 : memref<2x2048xi32, #tpu.memory_space<hbm>>) target(%dma_start3A_400 : memref<2x2048xi32, #tpu.memory_space<vmem>>) target_semaphore(%arg14 : memref<!tpu.dma_semaphore, #tpu.memory_space<semaphore_mem>>)
    } else {
    }
    %ge3A_58 = arith.constant 156 : i32
    %ge3A_59 = arith.cmpi sge, %add3A_52, %ge3A_58 : i32
    %convert_element_type3A_60 = arith.extui %ge3A_59 : i1 to i32
    %cond3A_61 = arith.constant 0 : i32
    %cond3A_62 = arith.cmpi ne, %convert_element_type3A_60, %cond3A_61 : i32
    scf.if %cond3A_62 {
      %sub3A = arith.constant 156 : i32
      %sub3A_382 = arith.subi %add3A_52, %sub3A : i32
      %max3A = arith.constant 0 : i32
      %max3A_383 = arith.maxsi %sub3A_382, %max3A : i32
      %mul3A_384 = arith.constant 2048 : i32
      %mul3A_385 = arith.muli %max3A_383, %mul3A_384 : i32
      %dma_start3A_386 = arith.constant 1 : i32
      %dma_start3A_387 = arith.constant 0 : i32
      %dma_start3A_388 = arith.constant 0 : i32
      %dma_start3A_389 = tpu.memref_slice %arg7[%dma_start3A_386, %dma_start3A_387, %dma_start3A_388] : memref<2x2x2048xi32, #tpu.memory_space<vmem>> -> memref<1x2x2048xi32, #tpu.memory_space<vmem>>
      %dma_start3A_390 = tpu.memref_squeeze %dma_start3A_389 : memref<1x2x2048xi32, #tpu.memory_space<vmem>> -> memref<2x2048xi32, #tpu.memory_space<vmem>>
      %dma_start3A_391 = arith.constant 0 : i32
      %dma_start3A_392 = tpu.memref_slice %arg4[%dma_start3A_391, %mul3A_385] : memref<2x8192xi32, #tpu.memory_space<hbm>> -> memref<2x2048xi32, #tpu.memory_space<hbm>>
      %dma_start3A_393 = arith.constant 0 : i32
      %dma_start3A_394 = arith.constant 0 : i32
      %dma_start3A_395 = tpu.memref_slice %arg7[%dma_start3A_386, %dma_start3A_393, %dma_start3A_394] : memref<2x2x2048xi32, #tpu.memory_space<vmem>> -> memref<1x2x2048xi32, #tpu.memory_space<vmem>>
      %dma_start3A_396 = tpu.memref_squeeze %dma_start3A_395 : memref<1x2x2048xi32, #tpu.memory_space<vmem>> -> memref<2x2048xi32, #tpu.memory_space<vmem>>
      %dma_start3A_397 = arith.constant 0 : i32
      %dma_start3A_398 = tpu.memref_slice %arg4[%dma_start3A_397, %mul3A_385] : memref<2x8192xi32, #tpu.memory_space<hbm>> -> memref<2x2048xi32, #tpu.memory_space<hbm>>
      tpu.enqueue_dma source(%dma_start3A_398 : memref<2x2048xi32, #tpu.memory_space<hbm>>) target(%dma_start3A_396 : memref<2x2048xi32, #tpu.memory_space<vmem>>) target_semaphore(%arg14 : memref<!tpu.dma_semaphore, #tpu.memory_space<semaphore_mem>>)
    } else {
    }
    %scan3A_63 = arith.constant 0 : i32
    %scan3A_64 = arith.constant 7 : i32
    %scan3A_65 = arith.addi %scan3A_63, %scan3A_64 : i32
    %scan3A_66 = arith.constant 1 : i32
    scf.for %scan3A_382 = %scan3A_63 to %scan3A_65 step %scan3A_66  : i32 {
      %mul3A_383 = arith.constant 2 : i32
      %mul3A_384 = arith.muli %scan3A_382, %mul3A_383 : i32
      %add3A_385 = arith.constant 0 : i32
      %add3A_386 = arith.addi %add3A_385, %mul3A_384 : i32
      %add3A_387 = arith.constant 0 : i32
      %add3A_388 = arith.addi %add3A_386, %add3A_387 : i32
      %mul3A_389 = arith.constant 128 : i32
      %mul3A_390 = arith.muli %add3A_388, %mul3A_389 : i32
      %dma_wait3A_391 = arith.constant 0 : i32
      %dma_wait3A_392 = arith.constant 0 : i32
      %dma_wait3A_393 = tpu.memref_slice %arg7[%dma_wait3A_391, %dma_wait3A_392, %mul3A_390] : memref<2x2x2048xi32, #tpu.memory_space<vmem>> -> memref<1x1x128xi32, #tpu.memory_space<vmem>>
      %dma_wait3A_394 = tpu.memref_squeeze %dma_wait3A_393 : memref<1x1x128xi32, #tpu.memory_space<vmem>> -> memref<128xi32, #tpu.memory_space<vmem>>
      %dma_wait3A_395 = arith.constant 0 : i32
      %dma_wait3A_396 = arith.constant 0 : i32
      %dma_wait3A_397 = tpu.memref_slice %arg2[%dma_wait3A_395, %dma_wait3A_396] : memref<10000x128xf32, #tpu.memory_space<hbm>> -> memref<10000x128xf32, #tpu.memory_space<hbm>>
      tpu.wait_indirect_dma semaphore(%arg11 : memref<!tpu.dma_semaphore, #tpu.memory_space<semaphore_mem>>) src(%dma_wait3A_397 : memref<10000x128xf32, #tpu.memory_space<hbm>>) dst(%arg8 : memref<128x128xf32, #tpu.memory_space<vmem>>)
      %mul3A_398 = arith.constant 128 : i32
      %mul3A_399 = arith.muli %add3A_388, %mul3A_398 : i32
      %run_scoped3A_400 = arith.constant 0 : i32
      %run_scoped3A_401 = arith.constant 1 : i32
      "tpu.region"() ({
        %run_scoped3A_439 = tpu.sem_alloc : memref<!tpu.dma_semaphore, #tpu.memory_space<semaphore_mem>>
        %dma_start3A_440 = tpu.memref_slice %arg7[%run_scoped3A_400, %run_scoped3A_401, %mul3A_399] : memref<2x2x2048xi32, #tpu.memory_space<vmem>> -> memref<1x1x128xi32, #tpu.memory_space<vmem>>
        %dma_start3A_441 = tpu.memref_squeeze %dma_start3A_440 : memref<1x1x128xi32, #tpu.memory_space<vmem>> -> memref<128xi32, #tpu.memory_space<vmem>>
        %dma_start3A_442 = arith.constant 0 : i32
        %dma_start3A_443 = arith.constant 0 : i32
        %dma_start3A_444 = tpu.memref_slice %arg10[%dma_start3A_442, %dma_start3A_443] : memref<10240x128xf32, #tpu.memory_space<vmem_shared>> -> memref<10240x128xf32, #tpu.memory_space<vmem_shared>>
        tpu.enqueue_indirect_dma source(%arg8 : memref<128x128xf32, #tpu.memory_space<vmem>>) target(%dma_start3A_444 : memref<10240x128xf32, #tpu.memory_space<vmem_shared>>) offsets(%dma_start3A_441 : memref<128xi32, #tpu.memory_space<vmem>>) semaphore(%run_scoped3A_439 : memref<!tpu.dma_semaphore, #tpu.memory_space<semaphore_mem>>) {add = true}
        %dma_wait3A_445 = tpu.memref_slice %arg7[%run_scoped3A_400, %run_scoped3A_401, %mul3A_399] : memref<2x2x2048xi32, #tpu.memory_space<vmem>> -> memref<1x1x128xi32, #tpu.memory_space<vmem>>
        %dma_wait3A_446 = tpu.memref_squeeze %dma_wait3A_445 : memref<1x1x128xi32, #tpu.memory_space<vmem>> -> memref<128xi32, #tpu.memory_space<vmem>>
        %dma_wait3A_447 = arith.constant 0 : i32
        %dma_wait3A_448 = arith.constant 0 : i32
        %dma_wait3A_449 = tpu.memref_slice %arg10[%dma_wait3A_447, %dma_wait3A_448] : memref<10240x128xf32, #tpu.memory_space<vmem_shared>> -> memref<10240x128xf32, #tpu.memory_space<vmem_shared>>
        tpu.wait_indirect_dma semaphore(%run_scoped3A_439 : memref<!tpu.dma_semaphore, #tpu.memory_space<semaphore_mem>>) src(%arg8 : memref<128x128xf32, #tpu.memory_space<vmem>>) dst(%dma_wait3A_449 : memref<10240x128xf32, #tpu.memory_space<vmem_shared>>)
        tpu.yield
      }) : () -> ()
      %add3A_402 = arith.constant 2 : i32
      %add3A_403 = arith.addi %add3A_388, %add3A_402 : i32
      %mul3A_404 = arith.constant 128 : i32
      %mul3A_405 = arith.muli %add3A_403, %mul3A_404 : i32
      %dma_start3A_406 = arith.constant 0 : i32
      %dma_start3A_407 = arith.constant 0 : i32
      %dma_start3A_408 = tpu.memref_slice %arg7[%dma_start3A_406, %dma_start3A_407, %mul3A_405] : memref<2x2x2048xi32, #tpu.memory_space<vmem>> -> memref<1x1x128xi32, #tpu.memory_space<vmem>>
      %dma_start3A_409 = tpu.memref_squeeze %dma_start3A_408 : memref<1x1x128xi32, #tpu.memory_space<vmem>> -> memref<128xi32, #tpu.memory_space<vmem>>
      %dma_start3A_410 = arith.constant 0 : i32
      %dma_start3A_411 = arith.constant 0 : i32
      %dma_start3A_412 = tpu.memref_slice %arg2[%dma_start3A_410, %dma_start3A_411] : memref<10000x128xf32, #tpu.memory_space<hbm>> -> memref<10000x128xf32, #tpu.memory_space<hbm>>
      tpu.enqueue_indirect_dma source(%dma_start3A_412 : memref<10000x128xf32, #tpu.memory_space<hbm>>) target(%arg8 : memref<128x128xf32, #tpu.memory_space<vmem>>) offsets(%dma_start3A_409 : memref<128xi32, #tpu.memory_space<vmem>>) semaphore(%arg11 : memref<!tpu.dma_semaphore, #tpu.memory_space<semaphore_mem>>)
      %add3A_413 = arith.constant 1 : i32
      %add3A_414 = arith.addi %add3A_386, %add3A_413 : i32
      %mul3A_415 = arith.constant 128 : i32
      %mul3A_416 = arith.muli %add3A_414, %mul3A_415 : i32
      %dma_wait3A_417 = arith.constant 0 : i32
      %dma_wait3A_418 = arith.constant 0 : i32
      %dma_wait3A_419 = tpu.memref_slice %arg7[%dma_wait3A_417, %dma_wait3A_418, %mul3A_416] : memref<2x2x2048xi32, #tpu.memory_space<vmem>> -> memref<1x1x128xi32, #tpu.memory_space<vmem>>
      %dma_wait3A_420 = tpu.memref_squeeze %dma_wait3A_419 : memref<1x1x128xi32, #tpu.memory_space<vmem>> -> memref<128xi32, #tpu.memory_space<vmem>>
      %dma_wait3A_421 = arith.constant 0 : i32
      %dma_wait3A_422 = arith.constant 0 : i32
      %dma_wait3A_423 = tpu.memref_slice %arg2[%dma_wait3A_421, %dma_wait3A_422] : memref<10000x128xf32, #tpu.memory_space<hbm>> -> memref<10000x128xf32, #tpu.memory_space<hbm>>
      tpu.wait_indirect_dma semaphore(%arg12 : memref<!tpu.dma_semaphore, #tpu.memory_space<semaphore_mem>>) src(%dma_wait3A_423 : memref<10000x128xf32, #tpu.memory_space<hbm>>) dst(%arg9 : memref<128x128xf32, #tpu.memory_space<vmem>>)
      %mul3A_424 = arith.constant 128 : i32
      %mul3A_425 = arith.muli %add3A_414, %mul3A_424 : i32
      %run_scoped3A_426 = arith.constant 0 : i32
      %run_scoped3A_427 = arith.constant 1 : i32
      "tpu.region"() ({
        %run_scoped3A_439 = tpu.sem_alloc : memref<!tpu.dma_semaphore, #tpu.memory_space<semaphore_mem>>
        %dma_start3A_440 = tpu.memref_slice %arg7[%run_scoped3A_426, %run_scoped3A_427, %mul3A_425] : memref<2x2x2048xi32, #tpu.memory_space<vmem>> -> memref<1x1x128xi32, #tpu.memory_space<vmem>>
        %dma_start3A_441 = tpu.memref_squeeze %dma_start3A_440 : memref<1x1x128xi32, #tpu.memory_space<vmem>> -> memref<128xi32, #tpu.memory_space<vmem>>
        %dma_start3A_442 = arith.constant 0 : i32
        %dma_start3A_443 = arith.constant 0 : i32
        %dma_start3A_444 = tpu.memref_slice %arg10[%dma_start3A_442, %dma_start3A_443] : memref<10240x128xf32, #tpu.memory_space<vmem_shared>> -> memref<10240x128xf32, #tpu.memory_space<vmem_shared>>
        tpu.enqueue_indirect_dma source(%arg9 : memref<128x128xf32, #tpu.memory_space<vmem>>) target(%dma_start3A_444 : memref<10240x128xf32, #tpu.memory_space<vmem_shared>>) offsets(%dma_start3A_441 : memref<128xi32, #tpu.memory_space<vmem>>) semaphore(%run_scoped3A_439 : memref<!tpu.dma_semaphore, #tpu.memory_space<semaphore_mem>>) {add = true}
        %dma_wait3A_445 = tpu.memref_slice %arg7[%run_scoped3A_426, %run_scoped3A_427, %mul3A_425] : memref<2x2x2048xi32, #tpu.memory_space<vmem>> -> memref<1x1x128xi32, #tpu.memory_space<vmem>>
        %dma_wait3A_446 = tpu.memref_squeeze %dma_wait3A_445 : memref<1x1x128xi32, #tpu.memory_space<vmem>> -> memref<128xi32, #tpu.memory_space<vmem>>
        %dma_wait3A_447 = arith.constant 0 : i32
        %dma_wait3A_448 = arith.constant 0 : i32
        %dma_wait3A_449 = tpu.memref_slice %arg10[%dma_wait3A_447, %dma_wait3A_448] : memref<10240x128xf32, #tpu.memory_space<vmem_shared>> -> memref<10240x128xf32, #tpu.memory_space<vmem_shared>>
        tpu.wait_indirect_dma semaphore(%run_scoped3A_439 : memref<!tpu.dma_semaphore, #tpu.memory_space<semaphore_mem>>) src(%arg9 : memref<128x128xf32, #tpu.memory_space<vmem>>) dst(%dma_wait3A_449 : memref<10240x128xf32, #tpu.memory_space<vmem_shared>>)
        tpu.yield
      }) : () -> ()
      %add3A_428 = arith.constant 2 : i32
      %add3A_429 = arith.addi %add3A_414, %add3A_428 : i32
      %mul3A_430 = arith.constant 128 : i32
      %mul3A_431 = arith.muli %add3A_429, %mul3A_430 : i32
      %dma_start3A_432 = arith.constant 0 : i32
      %dma_start3A_433 = arith.constant 0 : i32
      %dma_start3A_434 = tpu.memref_slice %arg7[%dma_start3A_432, %dma_start3A_433, %mul3A_431] : memref<2x2x2048xi32, #tpu.memory_space<vmem>> -> memref<1x1x128xi32, #tpu.memory_space<vmem>>
      %dma_start3A_435 = tpu.memref_squeeze %dma_start3A_434 : memref<1x1x128xi32, #tpu.memory_space<vmem>> -> memref<128xi32, #tpu.memory_space<vmem>>
      %dma_start3A_436 = arith.constant 0 : i32
      %dma_start3A_437 = arith.constant 0 : i32
      %dma_start3A_438 = tpu.memref_slice %arg2[%dma_start3A_436, %dma_start3A_437] : memref<10000x128xf32, #tpu.memory_space<hbm>> -> memref<10000x128xf32, #tpu.memory_space<hbm>>
      tpu.enqueue_indirect_dma source(%dma_start3A_438 : memref<10000x128xf32, #tpu.memory_space<hbm>>) target(%arg9 : memref<128x128xf32, #tpu.memory_space<vmem>>) offsets(%dma_start3A_435 : memref<128xi32, #tpu.memory_space<vmem>>) semaphore(%arg12 : memref<!tpu.dma_semaphore, #tpu.memory_space<semaphore_mem>>)
    }
    %scan3A_67 = arith.constant 7 : i32
    %mul3A_68 = arith.constant 5 : i32
    %mul3A_69 = arith.muli %add3A, %mul3A_68 : i32
    %add3A_70 = arith.constant 1 : i32
    %add3A_71 = arith.addi %mul3A_69, %add3A_70 : i32
    %min3A_72 = arith.constant 155 : i32
    %min3A_73 = arith.minsi %add3A_71, %min3A_72 : i32
    %mul3A_74 = arith.constant 2048 : i32
    %mul3A_75 = arith.muli %min3A_73, %mul3A_74 : i32
    %dma_wait3A_76 = arith.constant 1 : i32
    %dma_wait3A_77 = arith.constant 0 : i32
    %dma_wait3A_78 = arith.constant 0 : i32
    %dma_wait3A_79 = tpu.memref_slice %arg7[%dma_wait3A_76, %dma_wait3A_77, %dma_wait3A_78] : memref<2x2x2048xi32, #tpu.memory_space<vmem>> -> memref<1x2x2048xi32, #tpu.memory_space<vmem>>
    %dma_wait3A_80 = tpu.memref_squeeze %dma_wait3A_79 : memref<1x2x2048xi32, #tpu.memory_space<vmem>> -> memref<2x2048xi32, #tpu.memory_space<vmem>>
    %dma_wait3A_81 = arith.constant 0 : i32
    %dma_wait3A_82 = tpu.memref_slice %arg3[%dma_wait3A_81, %mul3A_75] : memref<2x320000xi32, #tpu.memory_space<hbm>> -> memref<2x2048xi32, #tpu.memory_space<hbm>>
    %dma_wait3A_83 = arith.constant 0 : i32
    %dma_wait3A_84 = arith.constant 0 : i32
    %dma_wait3A_85 = tpu.memref_slice %arg7[%dma_wait3A_76, %dma_wait3A_83, %dma_wait3A_84] : memref<2x2x2048xi32, #tpu.memory_space<vmem>> -> memref<1x2x2048xi32, #tpu.memory_space<vmem>>
    %dma_wait3A_86 = tpu.memref_squeeze %dma_wait3A_85 : memref<1x2x2048xi32, #tpu.memory_space<vmem>> -> memref<2x2048xi32, #tpu.memory_space<vmem>>
    %dma_wait3A_87 = arith.constant 0 : i32
    %dma_wait3A_88 = tpu.memref_slice %arg3[%dma_wait3A_87, %mul3A_75] : memref<2x320000xi32, #tpu.memory_space<hbm>> -> memref<2x2048xi32, #tpu.memory_space<hbm>>
    tpu.wait_dma2 semaphore(%arg14 : memref<!tpu.dma_semaphore, #tpu.memory_space<semaphore_mem>>) src(%dma_wait3A_88 : memref<2x2048xi32, #tpu.memory_space<hbm>>) dst(%dma_wait3A_86 : memref<2x2048xi32, #tpu.memory_space<vmem>>)
    %dma_wait3A_89 = arith.constant 0 : i32
    %dma_wait3A_90 = arith.constant 0 : i32
    %dma_wait3A_91 = arith.constant 1792 : i32
    %dma_wait3A_92 = tpu.memref_slice %arg7[%dma_wait3A_89, %dma_wait3A_90, %dma_wait3A_91] : memref<2x2x2048xi32, #tpu.memory_space<vmem>> -> memref<1x1x128xi32, #tpu.memory_space<vmem>>
    %dma_wait3A_93 = tpu.memref_squeeze %dma_wait3A_92 : memref<1x1x128xi32, #tpu.memory_space<vmem>> -> memref<128xi32, #tpu.memory_space<vmem>>
    %dma_wait3A_94 = arith.constant 0 : i32
    %dma_wait3A_95 = arith.constant 0 : i32
    %dma_wait3A_96 = tpu.memref_slice %arg2[%dma_wait3A_94, %dma_wait3A_95] : memref<10000x128xf32, #tpu.memory_space<hbm>> -> memref<10000x128xf32, #tpu.memory_space<hbm>>
    tpu.wait_indirect_dma semaphore(%arg11 : memref<!tpu.dma_semaphore, #tpu.memory_space<semaphore_mem>>) src(%dma_wait3A_96 : memref<10000x128xf32, #tpu.memory_space<hbm>>) dst(%arg8 : memref<128x128xf32, #tpu.memory_space<vmem>>)
    %run_scoped3A = arith.constant 0 : i32
    %run_scoped3A_97 = arith.constant 1 : i32
    "tpu.region"() ({
      %run_scoped3A_382 = tpu.sem_alloc : memref<!tpu.dma_semaphore, #tpu.memory_space<semaphore_mem>>
      %dma_start3A_383 = arith.constant 1792 : i32
      %dma_start3A_384 = tpu.memref_slice %arg7[%run_scoped3A, %run_scoped3A_97, %dma_start3A_383] : memref<2x2x2048xi32, #tpu.memory_space<vmem>> -> memref<1x1x128xi32, #tpu.memory_space<vmem>>
      %dma_start3A_385 = tpu.memref_squeeze %dma_start3A_384 : memref<1x1x128xi32, #tpu.memory_space<vmem>> -> memref<128xi32, #tpu.memory_space<vmem>>
      %dma_start3A_386 = arith.constant 0 : i32
      %dma_start3A_387 = arith.constant 0 : i32
      %dma_start3A_388 = tpu.memref_slice %arg10[%dma_start3A_386, %dma_start3A_387] : memref<10240x128xf32, #tpu.memory_space<vmem_shared>> -> memref<10240x128xf32, #tpu.memory_space<vmem_shared>>
      tpu.enqueue_indirect_dma source(%arg8 : memref<128x128xf32, #tpu.memory_space<vmem>>) target(%dma_start3A_388 : memref<10240x128xf32, #tpu.memory_space<vmem_shared>>) offsets(%dma_start3A_385 : memref<128xi32, #tpu.memory_space<vmem>>) semaphore(%run_scoped3A_382 : memref<!tpu.dma_semaphore, #tpu.memory_space<semaphore_mem>>) {add = true}
      %dma_wait3A_389 = arith.constant 1792 : i32
      %dma_wait3A_390 = tpu.memref_slice %arg7[%run_scoped3A, %run_scoped3A_97, %dma_wait3A_389] : memref<2x2x2048xi32, #tpu.memory_space<vmem>> -> memref<1x1x128xi32, #tpu.memory_space<vmem>>
      %dma_wait3A_391 = tpu.memref_squeeze %dma_wait3A_390 : memref<1x1x128xi32, #tpu.memory_space<vmem>> -> memref<128xi32, #tpu.memory_space<vmem>>
      %dma_wait3A_392 = arith.constant 0 : i32
      %dma_wait3A_393 = arith.constant 0 : i32
      %dma_wait3A_394 = tpu.memref_slice %arg10[%dma_wait3A_392, %dma_wait3A_393] : memref<10240x128xf32, #tpu.memory_space<vmem_shared>> -> memref<10240x128xf32, #tpu.memory_space<vmem_shared>>
      tpu.wait_indirect_dma semaphore(%run_scoped3A_382 : memref<!tpu.dma_semaphore, #tpu.memory_space<semaphore_mem>>) src(%arg8 : memref<128x128xf32, #tpu.memory_space<vmem>>) dst(%dma_wait3A_394 : memref<10240x128xf32, #tpu.memory_space<vmem_shared>>)
      tpu.yield
    }) : () -> ()
    %dma_start3A_98 = arith.constant 1 : i32
    %dma_start3A_99 = arith.constant 0 : i32
    %dma_start3A_100 = arith.constant 0 : i32
    %dma_start3A_101 = tpu.memref_slice %arg7[%dma_start3A_98, %dma_start3A_99, %dma_start3A_100] : memref<2x2x2048xi32, #tpu.memory_space<vmem>> -> memref<1x1x128xi32, #tpu.memory_space<vmem>>
    %dma_start3A_102 = tpu.memref_squeeze %dma_start3A_101 : memref<1x1x128xi32, #tpu.memory_space<vmem>> -> memref<128xi32, #tpu.memory_space<vmem>>
    %dma_start3A_103 = arith.constant 0 : i32
    %dma_start3A_104 = arith.constant 0 : i32
    %dma_start3A_105 = tpu.memref_slice %arg2[%dma_start3A_103, %dma_start3A_104] : memref<10000x128xf32, #tpu.memory_space<hbm>> -> memref<10000x128xf32, #tpu.memory_space<hbm>>
    tpu.enqueue_indirect_dma source(%dma_start3A_105 : memref<10000x128xf32, #tpu.memory_space<hbm>>) target(%arg8 : memref<128x128xf32, #tpu.memory_space<vmem>>) offsets(%dma_start3A_102 : memref<128xi32, #tpu.memory_space<vmem>>) semaphore(%arg11 : memref<!tpu.dma_semaphore, #tpu.memory_space<semaphore_mem>>)
    %dma_wait3A_106 = arith.constant 0 : i32
    %dma_wait3A_107 = arith.constant 0 : i32
    %dma_wait3A_108 = arith.constant 1920 : i32
    %dma_wait3A_109 = tpu.memref_slice %arg7[%dma_wait3A_106, %dma_wait3A_107, %dma_wait3A_108] : memref<2x2x2048xi32, #tpu.memory_space<vmem>> -> memref<1x1x128xi32, #tpu.memory_space<vmem>>
    %dma_wait3A_110 = tpu.memref_squeeze %dma_wait3A_109 : memref<1x1x128xi32, #tpu.memory_space<vmem>> -> memref<128xi32, #tpu.memory_space<vmem>>
    %dma_wait3A_111 = arith.constant 0 : i32
    %dma_wait3A_112 = arith.constant 0 : i32
    %dma_wait3A_113 = tpu.memref_slice %arg2[%dma_wait3A_111, %dma_wait3A_112] : memref<10000x128xf32, #tpu.memory_space<hbm>> -> memref<10000x128xf32, #tpu.memory_space<hbm>>
    tpu.wait_indirect_dma semaphore(%arg12 : memref<!tpu.dma_semaphore, #tpu.memory_space<semaphore_mem>>) src(%dma_wait3A_113 : memref<10000x128xf32, #tpu.memory_space<hbm>>) dst(%arg9 : memref<128x128xf32, #tpu.memory_space<vmem>>)
    %run_scoped3A_114 = arith.constant 0 : i32
    %run_scoped3A_115 = arith.constant 1 : i32
    "tpu.region"() ({
      %run_scoped3A_382 = tpu.sem_alloc : memref<!tpu.dma_semaphore, #tpu.memory_space<semaphore_mem>>
      %dma_start3A_383 = arith.constant 1920 : i32
      %dma_start3A_384 = tpu.memref_slice %arg7[%run_scoped3A_114, %run_scoped3A_115, %dma_start3A_383] : memref<2x2x2048xi32, #tpu.memory_space<vmem>> -> memref<1x1x128xi32, #tpu.memory_space<vmem>>
      %dma_start3A_385 = tpu.memref_squeeze %dma_start3A_384 : memref<1x1x128xi32, #tpu.memory_space<vmem>> -> memref<128xi32, #tpu.memory_space<vmem>>
      %dma_start3A_386 = arith.constant 0 : i32
      %dma_start3A_387 = arith.constant 0 : i32
      %dma_start3A_388 = tpu.memref_slice %arg10[%dma_start3A_386, %dma_start3A_387] : memref<10240x128xf32, #tpu.memory_space<vmem_shared>> -> memref<10240x128xf32, #tpu.memory_space<vmem_shared>>
      tpu.enqueue_indirect_dma source(%arg9 : memref<128x128xf32, #tpu.memory_space<vmem>>) target(%dma_start3A_388 : memref<10240x128xf32, #tpu.memory_space<vmem_shared>>) offsets(%dma_start3A_385 : memref<128xi32, #tpu.memory_space<vmem>>) semaphore(%run_scoped3A_382 : memref<!tpu.dma_semaphore, #tpu.memory_space<semaphore_mem>>) {add = true}
      %dma_wait3A_389 = arith.constant 1920 : i32
      %dma_wait3A_390 = tpu.memref_slice %arg7[%run_scoped3A_114, %run_scoped3A_115, %dma_wait3A_389] : memref<2x2x2048xi32, #tpu.memory_space<vmem>> -> memref<1x1x128xi32, #tpu.memory_space<vmem>>
      %dma_wait3A_391 = tpu.memref_squeeze %dma_wait3A_390 : memref<1x1x128xi32, #tpu.memory_space<vmem>> -> memref<128xi32, #tpu.memory_space<vmem>>
      %dma_wait3A_392 = arith.constant 0 : i32
      %dma_wait3A_393 = arith.constant 0 : i32
      %dma_wait3A_394 = tpu.memref_slice %arg10[%dma_wait3A_392, %dma_wait3A_393] : memref<10240x128xf32, #tpu.memory_space<vmem_shared>> -> memref<10240x128xf32, #tpu.memory_space<vmem_shared>>
      tpu.wait_indirect_dma semaphore(%run_scoped3A_382 : memref<!tpu.dma_semaphore, #tpu.memory_space<semaphore_mem>>) src(%arg9 : memref<128x128xf32, #tpu.memory_space<vmem>>) dst(%dma_wait3A_394 : memref<10240x128xf32, #tpu.memory_space<vmem_shared>>)
      tpu.yield
    }) : () -> ()
    %dma_start3A_116 = arith.constant 1 : i32
    %dma_start3A_117 = arith.constant 0 : i32
    %dma_start3A_118 = arith.constant 128 : i32
    %dma_start3A_119 = tpu.memref_slice %arg7[%dma_start3A_116, %dma_start3A_117, %dma_start3A_118] : memref<2x2x2048xi32, #tpu.memory_space<vmem>> -> memref<1x1x128xi32, #tpu.memory_space<vmem>>
    %dma_start3A_120 = tpu.memref_squeeze %dma_start3A_119 : memref<1x1x128xi32, #tpu.memory_space<vmem>> -> memref<128xi32, #tpu.memory_space<vmem>>
    %dma_start3A_121 = arith.constant 0 : i32
    %dma_start3A_122 = arith.constant 0 : i32
    %dma_start3A_123 = tpu.memref_slice %arg2[%dma_start3A_121, %dma_start3A_122] : memref<10000x128xf32, #tpu.memory_space<hbm>> -> memref<10000x128xf32, #tpu.memory_space<hbm>>
    tpu.enqueue_indirect_dma source(%dma_start3A_123 : memref<10000x128xf32, #tpu.memory_space<hbm>>) target(%arg9 : memref<128x128xf32, #tpu.memory_space<vmem>>) offsets(%dma_start3A_120 : memref<128xi32, #tpu.memory_space<vmem>>) semaphore(%arg12 : memref<!tpu.dma_semaphore, #tpu.memory_space<semaphore_mem>>)
    %mul3A_124 = arith.constant 5 : i32
    %mul3A_125 = arith.muli %add3A, %mul3A_124 : i32
    %add3A_126 = arith.constant 2 : i32
    %add3A_127 = arith.addi %mul3A_125, %add3A_126 : i32
    %lt3A_128 = arith.constant 156 : i32
    %lt3A_129 = arith.cmpi slt, %add3A_127, %lt3A_128 : i32
    %convert_element_type3A_130 = arith.extui %lt3A_129 : i1 to i32
    %cond3A_131 = arith.constant 0 : i32
    %cond3A_132 = arith.cmpi ne, %convert_element_type3A_130, %cond3A_131 : i32
    scf.if %cond3A_132 {
      %mul3A_382 = arith.constant 5 : i32
      %mul3A_383 = arith.muli %add3A, %mul3A_382 : i32
      %add3A_384 = arith.constant 2 : i32
      %add3A_385 = arith.addi %mul3A_383, %add3A_384 : i32
      %min3A_386 = arith.constant 155 : i32
      %min3A_387 = arith.minsi %add3A_385, %min3A_386 : i32
      %mul3A_388 = arith.constant 2048 : i32
      %mul3A_389 = arith.muli %min3A_387, %mul3A_388 : i32
      %dma_start3A_390 = arith.constant 0 : i32
      %dma_start3A_391 = arith.constant 0 : i32
      %dma_start3A_392 = arith.constant 0 : i32
      %dma_start3A_393 = tpu.memref_slice %arg7[%dma_start3A_390, %dma_start3A_391, %dma_start3A_392] : memref<2x2x2048xi32, #tpu.memory_space<vmem>> -> memref<1x2x2048xi32, #tpu.memory_space<vmem>>
      %dma_start3A_394 = tpu.memref_squeeze %dma_start3A_393 : memref<1x2x2048xi32, #tpu.memory_space<vmem>> -> memref<2x2048xi32, #tpu.memory_space<vmem>>
      %dma_start3A_395 = arith.constant 0 : i32
      %dma_start3A_396 = tpu.memref_slice %arg3[%dma_start3A_395, %mul3A_389] : memref<2x320000xi32, #tpu.memory_space<hbm>> -> memref<2x2048xi32, #tpu.memory_space<hbm>>
      %dma_start3A_397 = arith.constant 0 : i32
      %dma_start3A_398 = arith.constant 0 : i32
      %dma_start3A_399 = tpu.memref_slice %arg7[%dma_start3A_390, %dma_start3A_397, %dma_start3A_398] : memref<2x2x2048xi32, #tpu.memory_space<vmem>> -> memref<1x2x2048xi32, #tpu.memory_space<vmem>>
      %dma_start3A_400 = tpu.memref_squeeze %dma_start3A_399 : memref<1x2x2048xi32, #tpu.memory_space<vmem>> -> memref<2x2048xi32, #tpu.memory_space<vmem>>
      %dma_start3A_401 = arith.constant 0 : i32
      %dma_start3A_402 = tpu.memref_slice %arg3[%dma_start3A_401, %mul3A_389] : memref<2x320000xi32, #tpu.memory_space<hbm>> -> memref<2x2048xi32, #tpu.memory_space<hbm>>
      tpu.enqueue_dma source(%dma_start3A_402 : memref<2x2048xi32, #tpu.memory_space<hbm>>) target(%dma_start3A_400 : memref<2x2048xi32, #tpu.memory_space<vmem>>) target_semaphore(%arg13 : memref<!tpu.dma_semaphore, #tpu.memory_space<semaphore_mem>>)
    } else {
    }
    %ge3A_133 = arith.constant 156 : i32
    %ge3A_134 = arith.cmpi sge, %add3A_127, %ge3A_133 : i32
    %convert_element_type3A_135 = arith.extui %ge3A_134 : i1 to i32
    %cond3A_136 = arith.constant 0 : i32
    %cond3A_137 = arith.cmpi ne, %convert_element_type3A_135, %cond3A_136 : i32
    scf.if %cond3A_137 {
      %sub3A = arith.constant 156 : i32
      %sub3A_382 = arith.subi %add3A_127, %sub3A : i32
      %max3A = arith.constant 0 : i32
      %max3A_383 = arith.maxsi %sub3A_382, %max3A : i32
      %mul3A_384 = arith.constant 2048 : i32
      %mul3A_385 = arith.muli %max3A_383, %mul3A_384 : i32
      %dma_start3A_386 = arith.constant 0 : i32
      %dma_start3A_387 = arith.constant 0 : i32
      %dma_start3A_388 = arith.constant 0 : i32
      %dma_start3A_389 = tpu.memref_slice %arg7[%dma_start3A_386, %dma_start3A_387, %dma_start3A_388] : memref<2x2x2048xi32, #tpu.memory_space<vmem>> -> memref<1x2x2048xi32, #tpu.memory_space<vmem>>
      %dma_start3A_390 = tpu.memref_squeeze %dma_start3A_389 : memref<1x2x2048xi32, #tpu.memory_space<vmem>> -> memref<2x2048xi32, #tpu.memory_space<vmem>>
      %dma_start3A_391 = arith.constant 0 : i32
      %dma_start3A_392 = tpu.memref_slice %arg4[%dma_start3A_391, %mul3A_385] : memref<2x8192xi32, #tpu.memory_space<hbm>> -> memref<2x2048xi32, #tpu.memory_space<hbm>>
      %dma_start3A_393 = arith.constant 0 : i32
      %dma_start3A_394 = arith.constant 0 : i32
      %dma_start3A_395 = tpu.memref_slice %arg7[%dma_start3A_386, %dma_start3A_393, %dma_start3A_394] : memref<2x2x2048xi32, #tpu.memory_space<vmem>> -> memref<1x2x2048xi32, #tpu.memory_space<vmem>>
      %dma_start3A_396 = tpu.memref_squeeze %dma_start3A_395 : memref<1x2x2048xi32, #tpu.memory_space<vmem>> -> memref<2x2048xi32, #tpu.memory_space<vmem>>
      %dma_start3A_397 = arith.constant 0 : i32
      %dma_start3A_398 = tpu.memref_slice %arg4[%dma_start3A_397, %mul3A_385] : memref<2x8192xi32, #tpu.memory_space<hbm>> -> memref<2x2048xi32, #tpu.memory_space<hbm>>
      tpu.enqueue_dma source(%dma_start3A_398 : memref<2x2048xi32, #tpu.memory_space<hbm>>) target(%dma_start3A_396 : memref<2x2048xi32, #tpu.memory_space<vmem>>) target_semaphore(%arg13 : memref<!tpu.dma_semaphore, #tpu.memory_space<semaphore_mem>>)
    } else {
    }
    %scan3A_138 = arith.constant 0 : i32
    %scan3A_139 = arith.constant 7 : i32
    %scan3A_140 = arith.addi %scan3A_138, %scan3A_139 : i32
    %scan3A_141 = arith.constant 1 : i32
    scf.for %scan3A_382 = %scan3A_138 to %scan3A_140 step %scan3A_141  : i32 {
      %mul3A_383 = arith.constant 2 : i32
      %mul3A_384 = arith.muli %scan3A_382, %mul3A_383 : i32
      %add3A_385 = arith.constant 0 : i32
      %add3A_386 = arith.addi %add3A_385, %mul3A_384 : i32
      %add3A_387 = arith.constant 0 : i32
      %add3A_388 = arith.addi %add3A_386, %add3A_387 : i32
      %mul3A_389 = arith.constant 128 : i32
      %mul3A_390 = arith.muli %add3A_388, %mul3A_389 : i32
      %dma_wait3A_391 = arith.constant 1 : i32
      %dma_wait3A_392 = arith.constant 0 : i32
      %dma_wait3A_393 = tpu.memref_slice %arg7[%dma_wait3A_391, %dma_wait3A_392, %mul3A_390] : memref<2x2x2048xi32, #tpu.memory_space<vmem>> -> memref<1x1x128xi32, #tpu.memory_space<vmem>>
      %dma_wait3A_394 = tpu.memref_squeeze %dma_wait3A_393 : memref<1x1x128xi32, #tpu.memory_space<vmem>> -> memref<128xi32, #tpu.memory_space<vmem>>
      %dma_wait3A_395 = arith.constant 0 : i32
      %dma_wait3A_396 = arith.constant 0 : i32
      %dma_wait3A_397 = tpu.memref_slice %arg2[%dma_wait3A_395, %dma_wait3A_396] : memref<10000x128xf32, #tpu.memory_space<hbm>> -> memref<10000x128xf32, #tpu.memory_space<hbm>>
      tpu.wait_indirect_dma semaphore(%arg11 : memref<!tpu.dma_semaphore, #tpu.memory_space<semaphore_mem>>) src(%dma_wait3A_397 : memref<10000x128xf32, #tpu.memory_space<hbm>>) dst(%arg8 : memref<128x128xf32, #tpu.memory_space<vmem>>)
      %mul3A_398 = arith.constant 128 : i32
      %mul3A_399 = arith.muli %add3A_388, %mul3A_398 : i32
      %run_scoped3A_400 = arith.constant 1 : i32
      %run_scoped3A_401 = arith.constant 1 : i32
      "tpu.region"() ({
        %run_scoped3A_439 = tpu.sem_alloc : memref<!tpu.dma_semaphore, #tpu.memory_space<semaphore_mem>>
        %dma_start3A_440 = tpu.memref_slice %arg7[%run_scoped3A_400, %run_scoped3A_401, %mul3A_399] : memref<2x2x2048xi32, #tpu.memory_space<vmem>> -> memref<1x1x128xi32, #tpu.memory_space<vmem>>
        %dma_start3A_441 = tpu.memref_squeeze %dma_start3A_440 : memref<1x1x128xi32, #tpu.memory_space<vmem>> -> memref<128xi32, #tpu.memory_space<vmem>>
        %dma_start3A_442 = arith.constant 0 : i32
        %dma_start3A_443 = arith.constant 0 : i32
        %dma_start3A_444 = tpu.memref_slice %arg10[%dma_start3A_442, %dma_start3A_443] : memref<10240x128xf32, #tpu.memory_space<vmem_shared>> -> memref<10240x128xf32, #tpu.memory_space<vmem_shared>>
        tpu.enqueue_indirect_dma source(%arg8 : memref<128x128xf32, #tpu.memory_space<vmem>>) target(%dma_start3A_444 : memref<10240x128xf32, #tpu.memory_space<vmem_shared>>) offsets(%dma_start3A_441 : memref<128xi32, #tpu.memory_space<vmem>>) semaphore(%run_scoped3A_439 : memref<!tpu.dma_semaphore, #tpu.memory_space<semaphore_mem>>) {add = true}
        %dma_wait3A_445 = tpu.memref_slice %arg7[%run_scoped3A_400, %run_scoped3A_401, %mul3A_399] : memref<2x2x2048xi32, #tpu.memory_space<vmem>> -> memref<1x1x128xi32, #tpu.memory_space<vmem>>
        %dma_wait3A_446 = tpu.memref_squeeze %dma_wait3A_445 : memref<1x1x128xi32, #tpu.memory_space<vmem>> -> memref<128xi32, #tpu.memory_space<vmem>>
        %dma_wait3A_447 = arith.constant 0 : i32
        %dma_wait3A_448 = arith.constant 0 : i32
        %dma_wait3A_449 = tpu.memref_slice %arg10[%dma_wait3A_447, %dma_wait3A_448] : memref<10240x128xf32, #tpu.memory_space<vmem_shared>> -> memref<10240x128xf32, #tpu.memory_space<vmem_shared>>
        tpu.wait_indirect_dma semaphore(%run_scoped3A_439 : memref<!tpu.dma_semaphore, #tpu.memory_space<semaphore_mem>>) src(%arg8 : memref<128x128xf32, #tpu.memory_space<vmem>>) dst(%dma_wait3A_449 : memref<10240x128xf32, #tpu.memory_space<vmem_shared>>)
        tpu.yield
      }) : () -> ()
      %add3A_402 = arith.constant 2 : i32
      %add3A_403 = arith.addi %add3A_388, %add3A_402 : i32
      %mul3A_404 = arith.constant 128 : i32
      %mul3A_405 = arith.muli %add3A_403, %mul3A_404 : i32
      %dma_start3A_406 = arith.constant 1 : i32
      %dma_start3A_407 = arith.constant 0 : i32
      %dma_start3A_408 = tpu.memref_slice %arg7[%dma_start3A_406, %dma_start3A_407, %mul3A_405] : memref<2x2x2048xi32, #tpu.memory_space<vmem>> -> memref<1x1x128xi32, #tpu.memory_space<vmem>>
      %dma_start3A_409 = tpu.memref_squeeze %dma_start3A_408 : memref<1x1x128xi32, #tpu.memory_space<vmem>> -> memref<128xi32, #tpu.memory_space<vmem>>
      %dma_start3A_410 = arith.constant 0 : i32
      %dma_start3A_411 = arith.constant 0 : i32
      %dma_start3A_412 = tpu.memref_slice %arg2[%dma_start3A_410, %dma_start3A_411] : memref<10000x128xf32, #tpu.memory_space<hbm>> -> memref<10000x128xf32, #tpu.memory_space<hbm>>
      tpu.enqueue_indirect_dma source(%dma_start3A_412 : memref<10000x128xf32, #tpu.memory_space<hbm>>) target(%arg8 : memref<128x128xf32, #tpu.memory_space<vmem>>) offsets(%dma_start3A_409 : memref<128xi32, #tpu.memory_space<vmem>>) semaphore(%arg11 : memref<!tpu.dma_semaphore, #tpu.memory_space<semaphore_mem>>)
      %add3A_413 = arith.constant 1 : i32
      %add3A_414 = arith.addi %add3A_386, %add3A_413 : i32
      %mul3A_415 = arith.constant 128 : i32
      %mul3A_416 = arith.muli %add3A_414, %mul3A_415 : i32
      %dma_wait3A_417 = arith.constant 1 : i32
      %dma_wait3A_418 = arith.constant 0 : i32
      %dma_wait3A_419 = tpu.memref_slice %arg7[%dma_wait3A_417, %dma_wait3A_418, %mul3A_416] : memref<2x2x2048xi32, #tpu.memory_space<vmem>> -> memref<1x1x128xi32, #tpu.memory_space<vmem>>
      %dma_wait3A_420 = tpu.memref_squeeze %dma_wait3A_419 : memref<1x1x128xi32, #tpu.memory_space<vmem>> -> memref<128xi32, #tpu.memory_space<vmem>>
      %dma_wait3A_421 = arith.constant 0 : i32
      %dma_wait3A_422 = arith.constant 0 : i32
      %dma_wait3A_423 = tpu.memref_slice %arg2[%dma_wait3A_421, %dma_wait3A_422] : memref<10000x128xf32, #tpu.memory_space<hbm>> -> memref<10000x128xf32, #tpu.memory_space<hbm>>
      tpu.wait_indirect_dma semaphore(%arg12 : memref<!tpu.dma_semaphore, #tpu.memory_space<semaphore_mem>>) src(%dma_wait3A_423 : memref<10000x128xf32, #tpu.memory_space<hbm>>) dst(%arg9 : memref<128x128xf32, #tpu.memory_space<vmem>>)
      %mul3A_424 = arith.constant 128 : i32
      %mul3A_425 = arith.muli %add3A_414, %mul3A_424 : i32
      %run_scoped3A_426 = arith.constant 1 : i32
      %run_scoped3A_427 = arith.constant 1 : i32
      "tpu.region"() ({
        %run_scoped3A_439 = tpu.sem_alloc : memref<!tpu.dma_semaphore, #tpu.memory_space<semaphore_mem>>
        %dma_start3A_440 = tpu.memref_slice %arg7[%run_scoped3A_426, %run_scoped3A_427, %mul3A_425] : memref<2x2x2048xi32, #tpu.memory_space<vmem>> -> memref<1x1x128xi32, #tpu.memory_space<vmem>>
        %dma_start3A_441 = tpu.memref_squeeze %dma_start3A_440 : memref<1x1x128xi32, #tpu.memory_space<vmem>> -> memref<128xi32, #tpu.memory_space<vmem>>
        %dma_start3A_442 = arith.constant 0 : i32
        %dma_start3A_443 = arith.constant 0 : i32
        %dma_start3A_444 = tpu.memref_slice %arg10[%dma_start3A_442, %dma_start3A_443] : memref<10240x128xf32, #tpu.memory_space<vmem_shared>> -> memref<10240x128xf32, #tpu.memory_space<vmem_shared>>
        tpu.enqueue_indirect_dma source(%arg9 : memref<128x128xf32, #tpu.memory_space<vmem>>) target(%dma_start3A_444 : memref<10240x128xf32, #tpu.memory_space<vmem_shared>>) offsets(%dma_start3A_441 : memref<128xi32, #tpu.memory_space<vmem>>) semaphore(%run_scoped3A_439 : memref<!tpu.dma_semaphore, #tpu.memory_space<semaphore_mem>>) {add = true}
        %dma_wait3A_445 = tpu.memref_slice %arg7[%run_scoped3A_426, %run_scoped3A_427, %mul3A_425] : memref<2x2x2048xi32, #tpu.memory_space<vmem>> -> memref<1x1x128xi32, #tpu.memory_space<vmem>>
        %dma_wait3A_446 = tpu.memref_squeeze %dma_wait3A_445 : memref<1x1x128xi32, #tpu.memory_space<vmem>> -> memref<128xi32, #tpu.memory_space<vmem>>
        %dma_wait3A_447 = arith.constant 0 : i32
        %dma_wait3A_448 = arith.constant 0 : i32
        %dma_wait3A_449 = tpu.memref_slice %arg10[%dma_wait3A_447, %dma_wait3A_448] : memref<10240x128xf32, #tpu.memory_space<vmem_shared>> -> memref<10240x128xf32, #tpu.memory_space<vmem_shared>>
        tpu.wait_indirect_dma semaphore(%run_scoped3A_439 : memref<!tpu.dma_semaphore, #tpu.memory_space<semaphore_mem>>) src(%arg9 : memref<128x128xf32, #tpu.memory_space<vmem>>) dst(%dma_wait3A_449 : memref<10240x128xf32, #tpu.memory_space<vmem_shared>>)
        tpu.yield
      }) : () -> ()
      %add3A_428 = arith.constant 2 : i32
      %add3A_429 = arith.addi %add3A_414, %add3A_428 : i32
      %mul3A_430 = arith.constant 128 : i32
      %mul3A_431 = arith.muli %add3A_429, %mul3A_430 : i32
      %dma_start3A_432 = arith.constant 1 : i32
      %dma_start3A_433 = arith.constant 0 : i32
      %dma_start3A_434 = tpu.memref_slice %arg7[%dma_start3A_432, %dma_start3A_433, %mul3A_431] : memref<2x2x2048xi32, #tpu.memory_space<vmem>> -> memref<1x1x128xi32, #tpu.memory_space<vmem>>
      %dma_start3A_435 = tpu.memref_squeeze %dma_start3A_434 : memref<1x1x128xi32, #tpu.memory_space<vmem>> -> memref<128xi32, #tpu.memory_space<vmem>>
      %dma_start3A_436 = arith.constant 0 : i32
      %dma_start3A_437 = arith.constant 0 : i32
      %dma_start3A_438 = tpu.memref_slice %arg2[%dma_start3A_436, %dma_start3A_437] : memref<10000x128xf32, #tpu.memory_space<hbm>> -> memref<10000x128xf32, #tpu.memory_space<hbm>>
      tpu.enqueue_indirect_dma source(%dma_start3A_438 : memref<10000x128xf32, #tpu.memory_space<hbm>>) target(%arg9 : memref<128x128xf32, #tpu.memory_space<vmem>>) offsets(%dma_start3A_435 : memref<128xi32, #tpu.memory_space<vmem>>) semaphore(%arg12 : memref<!tpu.dma_semaphore, #tpu.memory_space<semaphore_mem>>)
    }
    %scan3A_142 = arith.constant 7 : i32
    %mul3A_143 = arith.constant 5 : i32
    %mul3A_144 = arith.muli %add3A, %mul3A_143 : i32
    %add3A_145 = arith.constant 2 : i32
    %add3A_146 = arith.addi %mul3A_144, %add3A_145 : i32
    %min3A_147 = arith.constant 155 : i32
    %min3A_148 = arith.minsi %add3A_146, %min3A_147 : i32
    %mul3A_149 = arith.constant 2048 : i32
    %mul3A_150 = arith.muli %min3A_148, %mul3A_149 : i32
    %dma_wait3A_151 = arith.constant 0 : i32
    %dma_wait3A_152 = arith.constant 0 : i32
    %dma_wait3A_153 = arith.constant 0 : i32
    %dma_wait3A_154 = tpu.memref_slice %arg7[%dma_wait3A_151, %dma_wait3A_152, %dma_wait3A_153] : memref<2x2x2048xi32, #tpu.memory_space<vmem>> -> memref<1x2x2048xi32, #tpu.memory_space<vmem>>
    %dma_wait3A_155 = tpu.memref_squeeze %dma_wait3A_154 : memref<1x2x2048xi32, #tpu.memory_space<vmem>> -> memref<2x2048xi32, #tpu.memory_space<vmem>>
    %dma_wait3A_156 = arith.constant 0 : i32
    %dma_wait3A_157 = tpu.memref_slice %arg3[%dma_wait3A_156, %mul3A_150] : memref<2x320000xi32, #tpu.memory_space<hbm>> -> memref<2x2048xi32, #tpu.memory_space<hbm>>
    %dma_wait3A_158 = arith.constant 0 : i32
    %dma_wait3A_159 = arith.constant 0 : i32
    %dma_wait3A_160 = tpu.memref_slice %arg7[%dma_wait3A_151, %dma_wait3A_158, %dma_wait3A_159] : memref<2x2x2048xi32, #tpu.memory_space<vmem>> -> memref<1x2x2048xi32, #tpu.memory_space<vmem>>
    %dma_wait3A_161 = tpu.memref_squeeze %dma_wait3A_160 : memref<1x2x2048xi32, #tpu.memory_space<vmem>> -> memref<2x2048xi32, #tpu.memory_space<vmem>>
    %dma_wait3A_162 = arith.constant 0 : i32
    %dma_wait3A_163 = tpu.memref_slice %arg3[%dma_wait3A_162, %mul3A_150] : memref<2x320000xi32, #tpu.memory_space<hbm>> -> memref<2x2048xi32, #tpu.memory_space<hbm>>
    tpu.wait_dma2 semaphore(%arg13 : memref<!tpu.dma_semaphore, #tpu.memory_space<semaphore_mem>>) src(%dma_wait3A_163 : memref<2x2048xi32, #tpu.memory_space<hbm>>) dst(%dma_wait3A_161 : memref<2x2048xi32, #tpu.memory_space<vmem>>)
    %dma_wait3A_164 = arith.constant 1 : i32
    %dma_wait3A_165 = arith.constant 0 : i32
    %dma_wait3A_166 = arith.constant 1792 : i32
    %dma_wait3A_167 = tpu.memref_slice %arg7[%dma_wait3A_164, %dma_wait3A_165, %dma_wait3A_166] : memref<2x2x2048xi32, #tpu.memory_space<vmem>> -> memref<1x1x128xi32, #tpu.memory_space<vmem>>
    %dma_wait3A_168 = tpu.memref_squeeze %dma_wait3A_167 : memref<1x1x128xi32, #tpu.memory_space<vmem>> -> memref<128xi32, #tpu.memory_space<vmem>>
    %dma_wait3A_169 = arith.constant 0 : i32
    %dma_wait3A_170 = arith.constant 0 : i32
    %dma_wait3A_171 = tpu.memref_slice %arg2[%dma_wait3A_169, %dma_wait3A_170] : memref<10000x128xf32, #tpu.memory_space<hbm>> -> memref<10000x128xf32, #tpu.memory_space<hbm>>
    tpu.wait_indirect_dma semaphore(%arg11 : memref<!tpu.dma_semaphore, #tpu.memory_space<semaphore_mem>>) src(%dma_wait3A_171 : memref<10000x128xf32, #tpu.memory_space<hbm>>) dst(%arg8 : memref<128x128xf32, #tpu.memory_space<vmem>>)
    %run_scoped3A_172 = arith.constant 1 : i32
    %run_scoped3A_173 = arith.constant 1 : i32
    "tpu.region"() ({
      %run_scoped3A_382 = tpu.sem_alloc : memref<!tpu.dma_semaphore, #tpu.memory_space<semaphore_mem>>
      %dma_start3A_383 = arith.constant 1792 : i32
      %dma_start3A_384 = tpu.memref_slice %arg7[%run_scoped3A_172, %run_scoped3A_173, %dma_start3A_383] : memref<2x2x2048xi32, #tpu.memory_space<vmem>> -> memref<1x1x128xi32, #tpu.memory_space<vmem>>
      %dma_start3A_385 = tpu.memref_squeeze %dma_start3A_384 : memref<1x1x128xi32, #tpu.memory_space<vmem>> -> memref<128xi32, #tpu.memory_space<vmem>>
      %dma_start3A_386 = arith.constant 0 : i32
      %dma_start3A_387 = arith.constant 0 : i32
      %dma_start3A_388 = tpu.memref_slice %arg10[%dma_start3A_386, %dma_start3A_387] : memref<10240x128xf32, #tpu.memory_space<vmem_shared>> -> memref<10240x128xf32, #tpu.memory_space<vmem_shared>>
      tpu.enqueue_indirect_dma source(%arg8 : memref<128x128xf32, #tpu.memory_space<vmem>>) target(%dma_start3A_388 : memref<10240x128xf32, #tpu.memory_space<vmem_shared>>) offsets(%dma_start3A_385 : memref<128xi32, #tpu.memory_space<vmem>>) semaphore(%run_scoped3A_382 : memref<!tpu.dma_semaphore, #tpu.memory_space<semaphore_mem>>) {add = true}
      %dma_wait3A_389 = arith.constant 1792 : i32
      %dma_wait3A_390 = tpu.memref_slice %arg7[%run_scoped3A_172, %run_scoped3A_173, %dma_wait3A_389] : memref<2x2x2048xi32, #tpu.memory_space<vmem>> -> memref<1x1x128xi32, #tpu.memory_space<vmem>>
      %dma_wait3A_391 = tpu.memref_squeeze %dma_wait3A_390 : memref<1x1x128xi32, #tpu.memory_space<vmem>> -> memref<128xi32, #tpu.memory_space<vmem>>
      %dma_wait3A_392 = arith.constant 0 : i32
      %dma_wait3A_393 = arith.constant 0 : i32
      %dma_wait3A_394 = tpu.memref_slice %arg10[%dma_wait3A_392, %dma_wait3A_393] : memref<10240x128xf32, #tpu.memory_space<vmem_shared>> -> memref<10240x128xf32, #tpu.memory_space<vmem_shared>>
      tpu.wait_indirect_dma semaphore(%run_scoped3A_382 : memref<!tpu.dma_semaphore, #tpu.memory_space<semaphore_mem>>) src(%arg8 : memref<128x128xf32, #tpu.memory_space<vmem>>) dst(%dma_wait3A_394 : memref<10240x128xf32, #tpu.memory_space<vmem_shared>>)
      tpu.yield
    }) : () -> ()
    %dma_start3A_174 = arith.constant 0 : i32
    %dma_start3A_175 = arith.constant 0 : i32
    %dma_start3A_176 = arith.constant 0 : i32
    %dma_start3A_177 = tpu.memref_slice %arg7[%dma_start3A_174, %dma_start3A_175, %dma_start3A_176] : memref<2x2x2048xi32, #tpu.memory_space<vmem>> -> memref<1x1x128xi32, #tpu.memory_space<vmem>>
    %dma_start3A_178 = tpu.memref_squeeze %dma_start3A_177 : memref<1x1x128xi32, #tpu.memory_space<vmem>> -> memref<128xi32, #tpu.memory_space<vmem>>
    %dma_start3A_179 = arith.constant 0 : i32
    %dma_start3A_180 = arith.constant 0 : i32
    %dma_start3A_181 = tpu.memref_slice %arg2[%dma_start3A_179, %dma_start3A_180] : memref<10000x128xf32, #tpu.memory_space<hbm>> -> memref<10000x128xf32, #tpu.memory_space<hbm>>
    tpu.enqueue_indirect_dma source(%dma_start3A_181 : memref<10000x128xf32, #tpu.memory_space<hbm>>) target(%arg8 : memref<128x128xf32, #tpu.memory_space<vmem>>) offsets(%dma_start3A_178 : memref<128xi32, #tpu.memory_space<vmem>>) semaphore(%arg11 : memref<!tpu.dma_semaphore, #tpu.memory_space<semaphore_mem>>)
    %dma_wait3A_182 = arith.constant 1 : i32
    %dma_wait3A_183 = arith.constant 0 : i32
    %dma_wait3A_184 = arith.constant 1920 : i32
    %dma_wait3A_185 = tpu.memref_slice %arg7[%dma_wait3A_182, %dma_wait3A_183, %dma_wait3A_184] : memref<2x2x2048xi32, #tpu.memory_space<vmem>> -> memref<1x1x128xi32, #tpu.memory_space<vmem>>
    %dma_wait3A_186 = tpu.memref_squeeze %dma_wait3A_185 : memref<1x1x128xi32, #tpu.memory_space<vmem>> -> memref<128xi32, #tpu.memory_space<vmem>>
    %dma_wait3A_187 = arith.constant 0 : i32
    %dma_wait3A_188 = arith.constant 0 : i32
    %dma_wait3A_189 = tpu.memref_slice %arg2[%dma_wait3A_187, %dma_wait3A_188] : memref<10000x128xf32, #tpu.memory_space<hbm>> -> memref<10000x128xf32, #tpu.memory_space<hbm>>
    tpu.wait_indirect_dma semaphore(%arg12 : memref<!tpu.dma_semaphore, #tpu.memory_space<semaphore_mem>>) src(%dma_wait3A_189 : memref<10000x128xf32, #tpu.memory_space<hbm>>) dst(%arg9 : memref<128x128xf32, #tpu.memory_space<vmem>>)
    %run_scoped3A_190 = arith.constant 1 : i32
    %run_scoped3A_191 = arith.constant 1 : i32
    "tpu.region"() ({
      %run_scoped3A_382 = tpu.sem_alloc : memref<!tpu.dma_semaphore, #tpu.memory_space<semaphore_mem>>
      %dma_start3A_383 = arith.constant 1920 : i32
      %dma_start3A_384 = tpu.memref_slice %arg7[%run_scoped3A_190, %run_scoped3A_191, %dma_start3A_383] : memref<2x2x2048xi32, #tpu.memory_space<vmem>> -> memref<1x1x128xi32, #tpu.memory_space<vmem>>
      %dma_start3A_385 = tpu.memref_squeeze %dma_start3A_384 : memref<1x1x128xi32, #tpu.memory_space<vmem>> -> memref<128xi32, #tpu.memory_space<vmem>>
      %dma_start3A_386 = arith.constant 0 : i32
      %dma_start3A_387 = arith.constant 0 : i32
      %dma_start3A_388 = tpu.memref_slice %arg10[%dma_start3A_386, %dma_start3A_387] : memref<10240x128xf32, #tpu.memory_space<vmem_shared>> -> memref<10240x128xf32, #tpu.memory_space<vmem_shared>>
      tpu.enqueue_indirect_dma source(%arg9 : memref<128x128xf32, #tpu.memory_space<vmem>>) target(%dma_start3A_388 : memref<10240x128xf32, #tpu.memory_space<vmem_shared>>) offsets(%dma_start3A_385 : memref<128xi32, #tpu.memory_space<vmem>>) semaphore(%run_scoped3A_382 : memref<!tpu.dma_semaphore, #tpu.memory_space<semaphore_mem>>) {add = true}
      %dma_wait3A_389 = arith.constant 1920 : i32
      %dma_wait3A_390 = tpu.memref_slice %arg7[%run_scoped3A_190, %run_scoped3A_191, %dma_wait3A_389] : memref<2x2x2048xi32, #tpu.memory_space<vmem>> -> memref<1x1x128xi32, #tpu.memory_space<vmem>>
      %dma_wait3A_391 = tpu.memref_squeeze %dma_wait3A_390 : memref<1x1x128xi32, #tpu.memory_space<vmem>> -> memref<128xi32, #tpu.memory_space<vmem>>
      %dma_wait3A_392 = arith.constant 0 : i32
      %dma_wait3A_393 = arith.constant 0 : i32
      %dma_wait3A_394 = tpu.memref_slice %arg10[%dma_wait3A_392, %dma_wait3A_393] : memref<10240x128xf32, #tpu.memory_space<vmem_shared>> -> memref<10240x128xf32, #tpu.memory_space<vmem_shared>>
      tpu.wait_indirect_dma semaphore(%run_scoped3A_382 : memref<!tpu.dma_semaphore, #tpu.memory_space<semaphore_mem>>) src(%arg9 : memref<128x128xf32, #tpu.memory_space<vmem>>) dst(%dma_wait3A_394 : memref<10240x128xf32, #tpu.memory_space<vmem_shared>>)
      tpu.yield
    }) : () -> ()
    %dma_start3A_192 = arith.constant 0 : i32
    %dma_start3A_193 = arith.constant 0 : i32
    %dma_start3A_194 = arith.constant 128 : i32
    %dma_start3A_195 = tpu.memref_slice %arg7[%dma_start3A_192, %dma_start3A_193, %dma_start3A_194] : memref<2x2x2048xi32, #tpu.memory_space<vmem>> -> memref<1x1x128xi32, #tpu.memory_space<vmem>>
    %dma_start3A_196 = tpu.memref_squeeze %dma_start3A_195 : memref<1x1x128xi32, #tpu.memory_space<vmem>> -> memref<128xi32, #tpu.memory_space<vmem>>
    %dma_start3A_197 = arith.constant 0 : i32
    %dma_start3A_198 = arith.constant 0 : i32
    %dma_start3A_199 = tpu.memref_slice %arg2[%dma_start3A_197, %dma_start3A_198] : memref<10000x128xf32, #tpu.memory_space<hbm>> -> memref<10000x128xf32, #tpu.memory_space<hbm>>
    tpu.enqueue_indirect_dma source(%dma_start3A_199 : memref<10000x128xf32, #tpu.memory_space<hbm>>) target(%arg9 : memref<128x128xf32, #tpu.memory_space<vmem>>) offsets(%dma_start3A_196 : memref<128xi32, #tpu.memory_space<vmem>>) semaphore(%arg12 : memref<!tpu.dma_semaphore, #tpu.memory_space<semaphore_mem>>)
    %mul3A_200 = arith.constant 5 : i32
    %mul3A_201 = arith.muli %add3A, %mul3A_200 : i32
    %add3A_202 = arith.constant 3 : i32
    %add3A_203 = arith.addi %mul3A_201, %add3A_202 : i32
    %lt3A_204 = arith.constant 156 : i32
    %lt3A_205 = arith.cmpi slt, %add3A_203, %lt3A_204 : i32
    %convert_element_type3A_206 = arith.extui %lt3A_205 : i1 to i32
    %cond3A_207 = arith.constant 0 : i32
    %cond3A_208 = arith.cmpi ne, %convert_element_type3A_206, %cond3A_207 : i32
    scf.if %cond3A_208 {
      %mul3A_382 = arith.constant 5 : i32
      %mul3A_383 = arith.muli %add3A, %mul3A_382 : i32
      %add3A_384 = arith.constant 3 : i32
      %add3A_385 = arith.addi %mul3A_383, %add3A_384 : i32
      %min3A_386 = arith.constant 155 : i32
      %min3A_387 = arith.minsi %add3A_385, %min3A_386 : i32
      %mul3A_388 = arith.constant 2048 : i32
      %mul3A_389 = arith.muli %min3A_387, %mul3A_388 : i32
      %dma_start3A_390 = arith.constant 1 : i32
      %dma_start3A_391 = arith.constant 0 : i32
      %dma_start3A_392 = arith.constant 0 : i32
      %dma_start3A_393 = tpu.memref_slice %arg7[%dma_start3A_390, %dma_start3A_391, %dma_start3A_392] : memref<2x2x2048xi32, #tpu.memory_space<vmem>> -> memref<1x2x2048xi32, #tpu.memory_space<vmem>>
      %dma_start3A_394 = tpu.memref_squeeze %dma_start3A_393 : memref<1x2x2048xi32, #tpu.memory_space<vmem>> -> memref<2x2048xi32, #tpu.memory_space<vmem>>
      %dma_start3A_395 = arith.constant 0 : i32
      %dma_start3A_396 = tpu.memref_slice %arg3[%dma_start3A_395, %mul3A_389] : memref<2x320000xi32, #tpu.memory_space<hbm>> -> memref<2x2048xi32, #tpu.memory_space<hbm>>
      %dma_start3A_397 = arith.constant 0 : i32
      %dma_start3A_398 = arith.constant 0 : i32
      %dma_start3A_399 = tpu.memref_slice %arg7[%dma_start3A_390, %dma_start3A_397, %dma_start3A_398] : memref<2x2x2048xi32, #tpu.memory_space<vmem>> -> memref<1x2x2048xi32, #tpu.memory_space<vmem>>
      %dma_start3A_400 = tpu.memref_squeeze %dma_start3A_399 : memref<1x2x2048xi32, #tpu.memory_space<vmem>> -> memref<2x2048xi32, #tpu.memory_space<vmem>>
      %dma_start3A_401 = arith.constant 0 : i32
      %dma_start3A_402 = tpu.memref_slice %arg3[%dma_start3A_401, %mul3A_389] : memref<2x320000xi32, #tpu.memory_space<hbm>> -> memref<2x2048xi32, #tpu.memory_space<hbm>>
      tpu.enqueue_dma source(%dma_start3A_402 : memref<2x2048xi32, #tpu.memory_space<hbm>>) target(%dma_start3A_400 : memref<2x2048xi32, #tpu.memory_space<vmem>>) target_semaphore(%arg14 : memref<!tpu.dma_semaphore, #tpu.memory_space<semaphore_mem>>)
    } else {
    }
    %ge3A_209 = arith.constant 156 : i32
    %ge3A_210 = arith.cmpi sge, %add3A_203, %ge3A_209 : i32
    %convert_element_type3A_211 = arith.extui %ge3A_210 : i1 to i32
    %cond3A_212 = arith.constant 0 : i32
    %cond3A_213 = arith.cmpi ne, %convert_element_type3A_211, %cond3A_212 : i32
    scf.if %cond3A_213 {
      %sub3A = arith.constant 156 : i32
      %sub3A_382 = arith.subi %add3A_203, %sub3A : i32
      %max3A = arith.constant 0 : i32
      %max3A_383 = arith.maxsi %sub3A_382, %max3A : i32
      %mul3A_384 = arith.constant 2048 : i32
      %mul3A_385 = arith.muli %max3A_383, %mul3A_384 : i32
      %dma_start3A_386 = arith.constant 1 : i32
      %dma_start3A_387 = arith.constant 0 : i32
      %dma_start3A_388 = arith.constant 0 : i32
      %dma_start3A_389 = tpu.memref_slice %arg7[%dma_start3A_386, %dma_start3A_387, %dma_start3A_388] : memref<2x2x2048xi32, #tpu.memory_space<vmem>> -> memref<1x2x2048xi32, #tpu.memory_space<vmem>>
      %dma_start3A_390 = tpu.memref_squeeze %dma_start3A_389 : memref<1x2x2048xi32, #tpu.memory_space<vmem>> -> memref<2x2048xi32, #tpu.memory_space<vmem>>
      %dma_start3A_391 = arith.constant 0 : i32
      %dma_start3A_392 = tpu.memref_slice %arg4[%dma_start3A_391, %mul3A_385] : memref<2x8192xi32, #tpu.memory_space<hbm>> -> memref<2x2048xi32, #tpu.memory_space<hbm>>
      %dma_start3A_393 = arith.constant 0 : i32
      %dma_start3A_394 = arith.constant 0 : i32
      %dma_start3A_395 = tpu.memref_slice %arg7[%dma_start3A_386, %dma_start3A_393, %dma_start3A_394] : memref<2x2x2048xi32, #tpu.memory_space<vmem>> -> memref<1x2x2048xi32, #tpu.memory_space<vmem>>
      %dma_start3A_396 = tpu.memref_squeeze %dma_start3A_395 : memref<1x2x2048xi32, #tpu.memory_space<vmem>> -> memref<2x2048xi32, #tpu.memory_space<vmem>>
      %dma_start3A_397 = arith.constant 0 : i32
      %dma_start3A_398 = tpu.memref_slice %arg4[%dma_start3A_397, %mul3A_385] : memref<2x8192xi32, #tpu.memory_space<hbm>> -> memref<2x2048xi32, #tpu.memory_space<hbm>>
      tpu.enqueue_dma source(%dma_start3A_398 : memref<2x2048xi32, #tpu.memory_space<hbm>>) target(%dma_start3A_396 : memref<2x2048xi32, #tpu.memory_space<vmem>>) target_semaphore(%arg14 : memref<!tpu.dma_semaphore, #tpu.memory_space<semaphore_mem>>)
    } else {
    }
    %scan3A_214 = arith.constant 0 : i32
    %scan3A_215 = arith.constant 7 : i32
    %scan3A_216 = arith.addi %scan3A_214, %scan3A_215 : i32
    %scan3A_217 = arith.constant 1 : i32
    scf.for %scan3A_382 = %scan3A_214 to %scan3A_216 step %scan3A_217  : i32 {
      %mul3A_383 = arith.constant 2 : i32
      %mul3A_384 = arith.muli %scan3A_382, %mul3A_383 : i32
      %add3A_385 = arith.constant 0 : i32
      %add3A_386 = arith.addi %add3A_385, %mul3A_384 : i32
      %add3A_387 = arith.constant 0 : i32
      %add3A_388 = arith.addi %add3A_386, %add3A_387 : i32
      %mul3A_389 = arith.constant 128 : i32
      %mul3A_390 = arith.muli %add3A_388, %mul3A_389 : i32
      %dma_wait3A_391 = arith.constant 0 : i32
      %dma_wait3A_392 = arith.constant 0 : i32
      %dma_wait3A_393 = tpu.memref_slice %arg7[%dma_wait3A_391, %dma_wait3A_392, %mul3A_390] : memref<2x2x2048xi32, #tpu.memory_space<vmem>> -> memref<1x1x128xi32, #tpu.memory_space<vmem>>
      %dma_wait3A_394 = tpu.memref_squeeze %dma_wait3A_393 : memref<1x1x128xi32, #tpu.memory_space<vmem>> -> memref<128xi32, #tpu.memory_space<vmem>>
      %dma_wait3A_395 = arith.constant 0 : i32
      %dma_wait3A_396 = arith.constant 0 : i32
      %dma_wait3A_397 = tpu.memref_slice %arg2[%dma_wait3A_395, %dma_wait3A_396] : memref<10000x128xf32, #tpu.memory_space<hbm>> -> memref<10000x128xf32, #tpu.memory_space<hbm>>
      tpu.wait_indirect_dma semaphore(%arg11 : memref<!tpu.dma_semaphore, #tpu.memory_space<semaphore_mem>>) src(%dma_wait3A_397 : memref<10000x128xf32, #tpu.memory_space<hbm>>) dst(%arg8 : memref<128x128xf32, #tpu.memory_space<vmem>>)
      %mul3A_398 = arith.constant 128 : i32
      %mul3A_399 = arith.muli %add3A_388, %mul3A_398 : i32
      %run_scoped3A_400 = arith.constant 0 : i32
      %run_scoped3A_401 = arith.constant 1 : i32
      "tpu.region"() ({
        %run_scoped3A_439 = tpu.sem_alloc : memref<!tpu.dma_semaphore, #tpu.memory_space<semaphore_mem>>
        %dma_start3A_440 = tpu.memref_slice %arg7[%run_scoped3A_400, %run_scoped3A_401, %mul3A_399] : memref<2x2x2048xi32, #tpu.memory_space<vmem>> -> memref<1x1x128xi32, #tpu.memory_space<vmem>>
        %dma_start3A_441 = tpu.memref_squeeze %dma_start3A_440 : memref<1x1x128xi32, #tpu.memory_space<vmem>> -> memref<128xi32, #tpu.memory_space<vmem>>
        %dma_start3A_442 = arith.constant 0 : i32
        %dma_start3A_443 = arith.constant 0 : i32
        %dma_start3A_444 = tpu.memref_slice %arg10[%dma_start3A_442, %dma_start3A_443] : memref<10240x128xf32, #tpu.memory_space<vmem_shared>> -> memref<10240x128xf32, #tpu.memory_space<vmem_shared>>
        tpu.enqueue_indirect_dma source(%arg8 : memref<128x128xf32, #tpu.memory_space<vmem>>) target(%dma_start3A_444 : memref<10240x128xf32, #tpu.memory_space<vmem_shared>>) offsets(%dma_start3A_441 : memref<128xi32, #tpu.memory_space<vmem>>) semaphore(%run_scoped3A_439 : memref<!tpu.dma_semaphore, #tpu.memory_space<semaphore_mem>>) {add = true}
        %dma_wait3A_445 = tpu.memref_slice %arg7[%run_scoped3A_400, %run_scoped3A_401, %mul3A_399] : memref<2x2x2048xi32, #tpu.memory_space<vmem>> -> memref<1x1x128xi32, #tpu.memory_space<vmem>>
        %dma_wait3A_446 = tpu.memref_squeeze %dma_wait3A_445 : memref<1x1x128xi32, #tpu.memory_space<vmem>> -> memref<128xi32, #tpu.memory_space<vmem>>
        %dma_wait3A_447 = arith.constant 0 : i32
        %dma_wait3A_448 = arith.constant 0 : i32
        %dma_wait3A_449 = tpu.memref_slice %arg10[%dma_wait3A_447, %dma_wait3A_448] : memref<10240x128xf32, #tpu.memory_space<vmem_shared>> -> memref<10240x128xf32, #tpu.memory_space<vmem_shared>>
        tpu.wait_indirect_dma semaphore(%run_scoped3A_439 : memref<!tpu.dma_semaphore, #tpu.memory_space<semaphore_mem>>) src(%arg8 : memref<128x128xf32, #tpu.memory_space<vmem>>) dst(%dma_wait3A_449 : memref<10240x128xf32, #tpu.memory_space<vmem_shared>>)
        tpu.yield
      }) : () -> ()
      %add3A_402 = arith.constant 2 : i32
      %add3A_403 = arith.addi %add3A_388, %add3A_402 : i32
      %mul3A_404 = arith.constant 128 : i32
      %mul3A_405 = arith.muli %add3A_403, %mul3A_404 : i32
      %dma_start3A_406 = arith.constant 0 : i32
      %dma_start3A_407 = arith.constant 0 : i32
      %dma_start3A_408 = tpu.memref_slice %arg7[%dma_start3A_406, %dma_start3A_407, %mul3A_405] : memref<2x2x2048xi32, #tpu.memory_space<vmem>> -> memref<1x1x128xi32, #tpu.memory_space<vmem>>
      %dma_start3A_409 = tpu.memref_squeeze %dma_start3A_408 : memref<1x1x128xi32, #tpu.memory_space<vmem>> -> memref<128xi32, #tpu.memory_space<vmem>>
      %dma_start3A_410 = arith.constant 0 : i32
      %dma_start3A_411 = arith.constant 0 : i32
      %dma_start3A_412 = tpu.memref_slice %arg2[%dma_start3A_410, %dma_start3A_411] : memref<10000x128xf32, #tpu.memory_space<hbm>> -> memref<10000x128xf32, #tpu.memory_space<hbm>>
      tpu.enqueue_indirect_dma source(%dma_start3A_412 : memref<10000x128xf32, #tpu.memory_space<hbm>>) target(%arg8 : memref<128x128xf32, #tpu.memory_space<vmem>>) offsets(%dma_start3A_409 : memref<128xi32, #tpu.memory_space<vmem>>) semaphore(%arg11 : memref<!tpu.dma_semaphore, #tpu.memory_space<semaphore_mem>>)
      %add3A_413 = arith.constant 1 : i32
      %add3A_414 = arith.addi %add3A_386, %add3A_413 : i32
      %mul3A_415 = arith.constant 128 : i32
      %mul3A_416 = arith.muli %add3A_414, %mul3A_415 : i32
      %dma_wait3A_417 = arith.constant 0 : i32
      %dma_wait3A_418 = arith.constant 0 : i32
      %dma_wait3A_419 = tpu.memref_slice %arg7[%dma_wait3A_417, %dma_wait3A_418, %mul3A_416] : memref<2x2x2048xi32, #tpu.memory_space<vmem>> -> memref<1x1x128xi32, #tpu.memory_space<vmem>>
      %dma_wait3A_420 = tpu.memref_squeeze %dma_wait3A_419 : memref<1x1x128xi32, #tpu.memory_space<vmem>> -> memref<128xi32, #tpu.memory_space<vmem>>
      %dma_wait3A_421 = arith.constant 0 : i32
      %dma_wait3A_422 = arith.constant 0 : i32
      %dma_wait3A_423 = tpu.memref_slice %arg2[%dma_wait3A_421, %dma_wait3A_422] : memref<10000x128xf32, #tpu.memory_space<hbm>> -> memref<10000x128xf32, #tpu.memory_space<hbm>>
      tpu.wait_indirect_dma semaphore(%arg12 : memref<!tpu.dma_semaphore, #tpu.memory_space<semaphore_mem>>) src(%dma_wait3A_423 : memref<10000x128xf32, #tpu.memory_space<hbm>>) dst(%arg9 : memref<128x128xf32, #tpu.memory_space<vmem>>)
      %mul3A_424 = arith.constant 128 : i32
      %mul3A_425 = arith.muli %add3A_414, %mul3A_424 : i32
      %run_scoped3A_426 = arith.constant 0 : i32
      %run_scoped3A_427 = arith.constant 1 : i32
      "tpu.region"() ({
        %run_scoped3A_439 = tpu.sem_alloc : memref<!tpu.dma_semaphore, #tpu.memory_space<semaphore_mem>>
        %dma_start3A_440 = tpu.memref_slice %arg7[%run_scoped3A_426, %run_scoped3A_427, %mul3A_425] : memref<2x2x2048xi32, #tpu.memory_space<vmem>> -> memref<1x1x128xi32, #tpu.memory_space<vmem>>
        %dma_start3A_441 = tpu.memref_squeeze %dma_start3A_440 : memref<1x1x128xi32, #tpu.memory_space<vmem>> -> memref<128xi32, #tpu.memory_space<vmem>>
        %dma_start3A_442 = arith.constant 0 : i32
        %dma_start3A_443 = arith.constant 0 : i32
        %dma_start3A_444 = tpu.memref_slice %arg10[%dma_start3A_442, %dma_start3A_443] : memref<10240x128xf32, #tpu.memory_space<vmem_shared>> -> memref<10240x128xf32, #tpu.memory_space<vmem_shared>>
        tpu.enqueue_indirect_dma source(%arg9 : memref<128x128xf32, #tpu.memory_space<vmem>>) target(%dma_start3A_444 : memref<10240x128xf32, #tpu.memory_space<vmem_shared>>) offsets(%dma_start3A_441 : memref<128xi32, #tpu.memory_space<vmem>>) semaphore(%run_scoped3A_439 : memref<!tpu.dma_semaphore, #tpu.memory_space<semaphore_mem>>) {add = true}
        %dma_wait3A_445 = tpu.memref_slice %arg7[%run_scoped3A_426, %run_scoped3A_427, %mul3A_425] : memref<2x2x2048xi32, #tpu.memory_space<vmem>> -> memref<1x1x128xi32, #tpu.memory_space<vmem>>
        %dma_wait3A_446 = tpu.memref_squeeze %dma_wait3A_445 : memref<1x1x128xi32, #tpu.memory_space<vmem>> -> memref<128xi32, #tpu.memory_space<vmem>>
        %dma_wait3A_447 = arith.constant 0 : i32
        %dma_wait3A_448 = arith.constant 0 : i32
        %dma_wait3A_449 = tpu.memref_slice %arg10[%dma_wait3A_447, %dma_wait3A_448] : memref<10240x128xf32, #tpu.memory_space<vmem_shared>> -> memref<10240x128xf32, #tpu.memory_space<vmem_shared>>
        tpu.wait_indirect_dma semaphore(%run_scoped3A_439 : memref<!tpu.dma_semaphore, #tpu.memory_space<semaphore_mem>>) src(%arg9 : memref<128x128xf32, #tpu.memory_space<vmem>>) dst(%dma_wait3A_449 : memref<10240x128xf32, #tpu.memory_space<vmem_shared>>)
        tpu.yield
      }) : () -> ()
      %add3A_428 = arith.constant 2 : i32
      %add3A_429 = arith.addi %add3A_414, %add3A_428 : i32
      %mul3A_430 = arith.constant 128 : i32
      %mul3A_431 = arith.muli %add3A_429, %mul3A_430 : i32
      %dma_start3A_432 = arith.constant 0 : i32
      %dma_start3A_433 = arith.constant 0 : i32
      %dma_start3A_434 = tpu.memref_slice %arg7[%dma_start3A_432, %dma_start3A_433, %mul3A_431] : memref<2x2x2048xi32, #tpu.memory_space<vmem>> -> memref<1x1x128xi32, #tpu.memory_space<vmem>>
      %dma_start3A_435 = tpu.memref_squeeze %dma_start3A_434 : memref<1x1x128xi32, #tpu.memory_space<vmem>> -> memref<128xi32, #tpu.memory_space<vmem>>
      %dma_start3A_436 = arith.constant 0 : i32
      %dma_start3A_437 = arith.constant 0 : i32
      %dma_start3A_438 = tpu.memref_slice %arg2[%dma_start3A_436, %dma_start3A_437] : memref<10000x128xf32, #tpu.memory_space<hbm>> -> memref<10000x128xf32, #tpu.memory_space<hbm>>
      tpu.enqueue_indirect_dma source(%dma_start3A_438 : memref<10000x128xf32, #tpu.memory_space<hbm>>) target(%arg9 : memref<128x128xf32, #tpu.memory_space<vmem>>) offsets(%dma_start3A_435 : memref<128xi32, #tpu.memory_space<vmem>>) semaphore(%arg12 : memref<!tpu.dma_semaphore, #tpu.memory_space<semaphore_mem>>)
    }
    %scan3A_218 = arith.constant 7 : i32
    %mul3A_219 = arith.constant 5 : i32
    %mul3A_220 = arith.muli %add3A, %mul3A_219 : i32
    %add3A_221 = arith.constant 3 : i32
    %add3A_222 = arith.addi %mul3A_220, %add3A_221 : i32
    %min3A_223 = arith.constant 155 : i32
    %min3A_224 = arith.minsi %add3A_222, %min3A_223 : i32
    %mul3A_225 = arith.constant 2048 : i32
    %mul3A_226 = arith.muli %min3A_224, %mul3A_225 : i32
    %dma_wait3A_227 = arith.constant 1 : i32
    %dma_wait3A_228 = arith.constant 0 : i32
    %dma_wait3A_229 = arith.constant 0 : i32
    %dma_wait3A_230 = tpu.memref_slice %arg7[%dma_wait3A_227, %dma_wait3A_228, %dma_wait3A_229] : memref<2x2x2048xi32, #tpu.memory_space<vmem>> -> memref<1x2x2048xi32, #tpu.memory_space<vmem>>
    %dma_wait3A_231 = tpu.memref_squeeze %dma_wait3A_230 : memref<1x2x2048xi32, #tpu.memory_space<vmem>> -> memref<2x2048xi32, #tpu.memory_space<vmem>>
    %dma_wait3A_232 = arith.constant 0 : i32
    %dma_wait3A_233 = tpu.memref_slice %arg3[%dma_wait3A_232, %mul3A_226] : memref<2x320000xi32, #tpu.memory_space<hbm>> -> memref<2x2048xi32, #tpu.memory_space<hbm>>
    %dma_wait3A_234 = arith.constant 0 : i32
    %dma_wait3A_235 = arith.constant 0 : i32
    %dma_wait3A_236 = tpu.memref_slice %arg7[%dma_wait3A_227, %dma_wait3A_234, %dma_wait3A_235] : memref<2x2x2048xi32, #tpu.memory_space<vmem>> -> memref<1x2x2048xi32, #tpu.memory_space<vmem>>
    %dma_wait3A_237 = tpu.memref_squeeze %dma_wait3A_236 : memref<1x2x2048xi32, #tpu.memory_space<vmem>> -> memref<2x2048xi32, #tpu.memory_space<vmem>>
    %dma_wait3A_238 = arith.constant 0 : i32
    %dma_wait3A_239 = tpu.memref_slice %arg3[%dma_wait3A_238, %mul3A_226] : memref<2x320000xi32, #tpu.memory_space<hbm>> -> memref<2x2048xi32, #tpu.memory_space<hbm>>
    tpu.wait_dma2 semaphore(%arg14 : memref<!tpu.dma_semaphore, #tpu.memory_space<semaphore_mem>>) src(%dma_wait3A_239 : memref<2x2048xi32, #tpu.memory_space<hbm>>) dst(%dma_wait3A_237 : memref<2x2048xi32, #tpu.memory_space<vmem>>)
    %dma_wait3A_240 = arith.constant 0 : i32
    %dma_wait3A_241 = arith.constant 0 : i32
    %dma_wait3A_242 = arith.constant 1792 : i32
    %dma_wait3A_243 = tpu.memref_slice %arg7[%dma_wait3A_240, %dma_wait3A_241, %dma_wait3A_242] : memref<2x2x2048xi32, #tpu.memory_space<vmem>> -> memref<1x1x128xi32, #tpu.memory_space<vmem>>
    %dma_wait3A_244 = tpu.memref_squeeze %dma_wait3A_243 : memref<1x1x128xi32, #tpu.memory_space<vmem>> -> memref<128xi32, #tpu.memory_space<vmem>>
    %dma_wait3A_245 = arith.constant 0 : i32
    %dma_wait3A_246 = arith.constant 0 : i32
    %dma_wait3A_247 = tpu.memref_slice %arg2[%dma_wait3A_245, %dma_wait3A_246] : memref<10000x128xf32, #tpu.memory_space<hbm>> -> memref<10000x128xf32, #tpu.memory_space<hbm>>
    tpu.wait_indirect_dma semaphore(%arg11 : memref<!tpu.dma_semaphore, #tpu.memory_space<semaphore_mem>>) src(%dma_wait3A_247 : memref<10000x128xf32, #tpu.memory_space<hbm>>) dst(%arg8 : memref<128x128xf32, #tpu.memory_space<vmem>>)
    %run_scoped3A_248 = arith.constant 0 : i32
    %run_scoped3A_249 = arith.constant 1 : i32
    "tpu.region"() ({
      %run_scoped3A_382 = tpu.sem_alloc : memref<!tpu.dma_semaphore, #tpu.memory_space<semaphore_mem>>
      %dma_start3A_383 = arith.constant 1792 : i32
      %dma_start3A_384 = tpu.memref_slice %arg7[%run_scoped3A_248, %run_scoped3A_249, %dma_start3A_383] : memref<2x2x2048xi32, #tpu.memory_space<vmem>> -> memref<1x1x128xi32, #tpu.memory_space<vmem>>
      %dma_start3A_385 = tpu.memref_squeeze %dma_start3A_384 : memref<1x1x128xi32, #tpu.memory_space<vmem>> -> memref<128xi32, #tpu.memory_space<vmem>>
      %dma_start3A_386 = arith.constant 0 : i32
      %dma_start3A_387 = arith.constant 0 : i32
      %dma_start3A_388 = tpu.memref_slice %arg10[%dma_start3A_386, %dma_start3A_387] : memref<10240x128xf32, #tpu.memory_space<vmem_shared>> -> memref<10240x128xf32, #tpu.memory_space<vmem_shared>>
      tpu.enqueue_indirect_dma source(%arg8 : memref<128x128xf32, #tpu.memory_space<vmem>>) target(%dma_start3A_388 : memref<10240x128xf32, #tpu.memory_space<vmem_shared>>) offsets(%dma_start3A_385 : memref<128xi32, #tpu.memory_space<vmem>>) semaphore(%run_scoped3A_382 : memref<!tpu.dma_semaphore, #tpu.memory_space<semaphore_mem>>) {add = true}
      %dma_wait3A_389 = arith.constant 1792 : i32
      %dma_wait3A_390 = tpu.memref_slice %arg7[%run_scoped3A_248, %run_scoped3A_249, %dma_wait3A_389] : memref<2x2x2048xi32, #tpu.memory_space<vmem>> -> memref<1x1x128xi32, #tpu.memory_space<vmem>>
      %dma_wait3A_391 = tpu.memref_squeeze %dma_wait3A_390 : memref<1x1x128xi32, #tpu.memory_space<vmem>> -> memref<128xi32, #tpu.memory_space<vmem>>
      %dma_wait3A_392 = arith.constant 0 : i32
      %dma_wait3A_393 = arith.constant 0 : i32
      %dma_wait3A_394 = tpu.memref_slice %arg10[%dma_wait3A_392, %dma_wait3A_393] : memref<10240x128xf32, #tpu.memory_space<vmem_shared>> -> memref<10240x128xf32, #tpu.memory_space<vmem_shared>>
      tpu.wait_indirect_dma semaphore(%run_scoped3A_382 : memref<!tpu.dma_semaphore, #tpu.memory_space<semaphore_mem>>) src(%arg8 : memref<128x128xf32, #tpu.memory_space<vmem>>) dst(%dma_wait3A_394 : memref<10240x128xf32, #tpu.memory_space<vmem_shared>>)
      tpu.yield
    }) : () -> ()
    %dma_start3A_250 = arith.constant 1 : i32
    %dma_start3A_251 = arith.constant 0 : i32
    %dma_start3A_252 = arith.constant 0 : i32
    %dma_start3A_253 = tpu.memref_slice %arg7[%dma_start3A_250, %dma_start3A_251, %dma_start3A_252] : memref<2x2x2048xi32, #tpu.memory_space<vmem>> -> memref<1x1x128xi32, #tpu.memory_space<vmem>>
    %dma_start3A_254 = tpu.memref_squeeze %dma_start3A_253 : memref<1x1x128xi32, #tpu.memory_space<vmem>> -> memref<128xi32, #tpu.memory_space<vmem>>
    %dma_start3A_255 = arith.constant 0 : i32
    %dma_start3A_256 = arith.constant 0 : i32
    %dma_start3A_257 = tpu.memref_slice %arg2[%dma_start3A_255, %dma_start3A_256] : memref<10000x128xf32, #tpu.memory_space<hbm>> -> memref<10000x128xf32, #tpu.memory_space<hbm>>
    tpu.enqueue_indirect_dma source(%dma_start3A_257 : memref<10000x128xf32, #tpu.memory_space<hbm>>) target(%arg8 : memref<128x128xf32, #tpu.memory_space<vmem>>) offsets(%dma_start3A_254 : memref<128xi32, #tpu.memory_space<vmem>>) semaphore(%arg11 : memref<!tpu.dma_semaphore, #tpu.memory_space<semaphore_mem>>)
    %dma_wait3A_258 = arith.constant 0 : i32
    %dma_wait3A_259 = arith.constant 0 : i32
    %dma_wait3A_260 = arith.constant 1920 : i32
    %dma_wait3A_261 = tpu.memref_slice %arg7[%dma_wait3A_258, %dma_wait3A_259, %dma_wait3A_260] : memref<2x2x2048xi32, #tpu.memory_space<vmem>> -> memref<1x1x128xi32, #tpu.memory_space<vmem>>
    %dma_wait3A_262 = tpu.memref_squeeze %dma_wait3A_261 : memref<1x1x128xi32, #tpu.memory_space<vmem>> -> memref<128xi32, #tpu.memory_space<vmem>>
    %dma_wait3A_263 = arith.constant 0 : i32
    %dma_wait3A_264 = arith.constant 0 : i32
    %dma_wait3A_265 = tpu.memref_slice %arg2[%dma_wait3A_263, %dma_wait3A_264] : memref<10000x128xf32, #tpu.memory_space<hbm>> -> memref<10000x128xf32, #tpu.memory_space<hbm>>
    tpu.wait_indirect_dma semaphore(%arg12 : memref<!tpu.dma_semaphore, #tpu.memory_space<semaphore_mem>>) src(%dma_wait3A_265 : memref<10000x128xf32, #tpu.memory_space<hbm>>) dst(%arg9 : memref<128x128xf32, #tpu.memory_space<vmem>>)
    %run_scoped3A_266 = arith.constant 0 : i32
    %run_scoped3A_267 = arith.constant 1 : i32
    "tpu.region"() ({
      %run_scoped3A_382 = tpu.sem_alloc : memref<!tpu.dma_semaphore, #tpu.memory_space<semaphore_mem>>
      %dma_start3A_383 = arith.constant 1920 : i32
      %dma_start3A_384 = tpu.memref_slice %arg7[%run_scoped3A_266, %run_scoped3A_267, %dma_start3A_383] : memref<2x2x2048xi32, #tpu.memory_space<vmem>> -> memref<1x1x128xi32, #tpu.memory_space<vmem>>
      %dma_start3A_385 = tpu.memref_squeeze %dma_start3A_384 : memref<1x1x128xi32, #tpu.memory_space<vmem>> -> memref<128xi32, #tpu.memory_space<vmem>>
      %dma_start3A_386 = arith.constant 0 : i32
      %dma_start3A_387 = arith.constant 0 : i32
      %dma_start3A_388 = tpu.memref_slice %arg10[%dma_start3A_386, %dma_start3A_387] : memref<10240x128xf32, #tpu.memory_space<vmem_shared>> -> memref<10240x128xf32, #tpu.memory_space<vmem_shared>>
      tpu.enqueue_indirect_dma source(%arg9 : memref<128x128xf32, #tpu.memory_space<vmem>>) target(%dma_start3A_388 : memref<10240x128xf32, #tpu.memory_space<vmem_shared>>) offsets(%dma_start3A_385 : memref<128xi32, #tpu.memory_space<vmem>>) semaphore(%run_scoped3A_382 : memref<!tpu.dma_semaphore, #tpu.memory_space<semaphore_mem>>) {add = true}
      %dma_wait3A_389 = arith.constant 1920 : i32
      %dma_wait3A_390 = tpu.memref_slice %arg7[%run_scoped3A_266, %run_scoped3A_267, %dma_wait3A_389] : memref<2x2x2048xi32, #tpu.memory_space<vmem>> -> memref<1x1x128xi32, #tpu.memory_space<vmem>>
      %dma_wait3A_391 = tpu.memref_squeeze %dma_wait3A_390 : memref<1x1x128xi32, #tpu.memory_space<vmem>> -> memref<128xi32, #tpu.memory_space<vmem>>
      %dma_wait3A_392 = arith.constant 0 : i32
      %dma_wait3A_393 = arith.constant 0 : i32
      %dma_wait3A_394 = tpu.memref_slice %arg10[%dma_wait3A_392, %dma_wait3A_393] : memref<10240x128xf32, #tpu.memory_space<vmem_shared>> -> memref<10240x128xf32, #tpu.memory_space<vmem_shared>>
      tpu.wait_indirect_dma semaphore(%run_scoped3A_382 : memref<!tpu.dma_semaphore, #tpu.memory_space<semaphore_mem>>) src(%arg9 : memref<128x128xf32, #tpu.memory_space<vmem>>) dst(%dma_wait3A_394 : memref<10240x128xf32, #tpu.memory_space<vmem_shared>>)
      tpu.yield
    }) : () -> ()
    %dma_start3A_268 = arith.constant 1 : i32
    %dma_start3A_269 = arith.constant 0 : i32
    %dma_start3A_270 = arith.constant 128 : i32
    %dma_start3A_271 = tpu.memref_slice %arg7[%dma_start3A_268, %dma_start3A_269, %dma_start3A_270] : memref<2x2x2048xi32, #tpu.memory_space<vmem>> -> memref<1x1x128xi32, #tpu.memory_space<vmem>>
    %dma_start3A_272 = tpu.memref_squeeze %dma_start3A_271 : memref<1x1x128xi32, #tpu.memory_space<vmem>> -> memref<128xi32, #tpu.memory_space<vmem>>
    %dma_start3A_273 = arith.constant 0 : i32
    %dma_start3A_274 = arith.constant 0 : i32
    %dma_start3A_275 = tpu.memref_slice %arg2[%dma_start3A_273, %dma_start3A_274] : memref<10000x128xf32, #tpu.memory_space<hbm>> -> memref<10000x128xf32, #tpu.memory_space<hbm>>
    tpu.enqueue_indirect_dma source(%dma_start3A_275 : memref<10000x128xf32, #tpu.memory_space<hbm>>) target(%arg9 : memref<128x128xf32, #tpu.memory_space<vmem>>) offsets(%dma_start3A_272 : memref<128xi32, #tpu.memory_space<vmem>>) semaphore(%arg12 : memref<!tpu.dma_semaphore, #tpu.memory_space<semaphore_mem>>)
    %mul3A_276 = arith.constant 5 : i32
    %mul3A_277 = arith.muli %add3A, %mul3A_276 : i32
    %add3A_278 = arith.constant 4 : i32
    %add3A_279 = arith.addi %mul3A_277, %add3A_278 : i32
    %lt3A_280 = arith.constant 156 : i32
    %lt3A_281 = arith.cmpi slt, %add3A_279, %lt3A_280 : i32
    %convert_element_type3A_282 = arith.extui %lt3A_281 : i1 to i32
    %cond3A_283 = arith.constant 0 : i32
    %cond3A_284 = arith.cmpi ne, %convert_element_type3A_282, %cond3A_283 : i32
    scf.if %cond3A_284 {
      %mul3A_382 = arith.constant 5 : i32
      %mul3A_383 = arith.muli %add3A, %mul3A_382 : i32
      %add3A_384 = arith.constant 4 : i32
      %add3A_385 = arith.addi %mul3A_383, %add3A_384 : i32
      %min3A_386 = arith.constant 155 : i32
      %min3A_387 = arith.minsi %add3A_385, %min3A_386 : i32
      %mul3A_388 = arith.constant 2048 : i32
      %mul3A_389 = arith.muli %min3A_387, %mul3A_388 : i32
      %dma_start3A_390 = arith.constant 0 : i32
      %dma_start3A_391 = arith.constant 0 : i32
      %dma_start3A_392 = arith.constant 0 : i32
      %dma_start3A_393 = tpu.memref_slice %arg7[%dma_start3A_390, %dma_start3A_391, %dma_start3A_392] : memref<2x2x2048xi32, #tpu.memory_space<vmem>> -> memref<1x2x2048xi32, #tpu.memory_space<vmem>>
      %dma_start3A_394 = tpu.memref_squeeze %dma_start3A_393 : memref<1x2x2048xi32, #tpu.memory_space<vmem>> -> memref<2x2048xi32, #tpu.memory_space<vmem>>
      %dma_start3A_395 = arith.constant 0 : i32
      %dma_start3A_396 = tpu.memref_slice %arg3[%dma_start3A_395, %mul3A_389] : memref<2x320000xi32, #tpu.memory_space<hbm>> -> memref<2x2048xi32, #tpu.memory_space<hbm>>
      %dma_start3A_397 = arith.constant 0 : i32
      %dma_start3A_398 = arith.constant 0 : i32
      %dma_start3A_399 = tpu.memref_slice %arg7[%dma_start3A_390, %dma_start3A_397, %dma_start3A_398] : memref<2x2x2048xi32, #tpu.memory_space<vmem>> -> memref<1x2x2048xi32, #tpu.memory_space<vmem>>
      %dma_start3A_400 = tpu.memref_squeeze %dma_start3A_399 : memref<1x2x2048xi32, #tpu.memory_space<vmem>> -> memref<2x2048xi32, #tpu.memory_space<vmem>>
      %dma_start3A_401 = arith.constant 0 : i32
      %dma_start3A_402 = tpu.memref_slice %arg3[%dma_start3A_401, %mul3A_389] : memref<2x320000xi32, #tpu.memory_space<hbm>> -> memref<2x2048xi32, #tpu.memory_space<hbm>>
      tpu.enqueue_dma source(%dma_start3A_402 : memref<2x2048xi32, #tpu.memory_space<hbm>>) target(%dma_start3A_400 : memref<2x2048xi32, #tpu.memory_space<vmem>>) target_semaphore(%arg13 : memref<!tpu.dma_semaphore, #tpu.memory_space<semaphore_mem>>)
    } else {
    }
    %ge3A_285 = arith.constant 156 : i32
    %ge3A_286 = arith.cmpi sge, %add3A_279, %ge3A_285 : i32
    %convert_element_type3A_287 = arith.extui %ge3A_286 : i1 to i32
    %cond3A_288 = arith.constant 0 : i32
    %cond3A_289 = arith.cmpi ne, %convert_element_type3A_287, %cond3A_288 : i32
    scf.if %cond3A_289 {
      %sub3A = arith.constant 156 : i32
      %sub3A_382 = arith.subi %add3A_279, %sub3A : i32
      %max3A = arith.constant 0 : i32
      %max3A_383 = arith.maxsi %sub3A_382, %max3A : i32
      %mul3A_384 = arith.constant 2048 : i32
      %mul3A_385 = arith.muli %max3A_383, %mul3A_384 : i32
      %dma_start3A_386 = arith.constant 0 : i32
      %dma_start3A_387 = arith.constant 0 : i32
      %dma_start3A_388 = arith.constant 0 : i32
      %dma_start3A_389 = tpu.memref_slice %arg7[%dma_start3A_386, %dma_start3A_387, %dma_start3A_388] : memref<2x2x2048xi32, #tpu.memory_space<vmem>> -> memref<1x2x2048xi32, #tpu.memory_space<vmem>>
      %dma_start3A_390 = tpu.memref_squeeze %dma_start3A_389 : memref<1x2x2048xi32, #tpu.memory_space<vmem>> -> memref<2x2048xi32, #tpu.memory_space<vmem>>
      %dma_start3A_391 = arith.constant 0 : i32
      %dma_start3A_392 = tpu.memref_slice %arg4[%dma_start3A_391, %mul3A_385] : memref<2x8192xi32, #tpu.memory_space<hbm>> -> memref<2x2048xi32, #tpu.memory_space<hbm>>
      %dma_start3A_393 = arith.constant 0 : i32
      %dma_start3A_394 = arith.constant 0 : i32
      %dma_start3A_395 = tpu.memref_slice %arg7[%dma_start3A_386, %dma_start3A_393, %dma_start3A_394] : memref<2x2x2048xi32, #tpu.memory_space<vmem>> -> memref<1x2x2048xi32, #tpu.memory_space<vmem>>
      %dma_start3A_396 = tpu.memref_squeeze %dma_start3A_395 : memref<1x2x2048xi32, #tpu.memory_space<vmem>> -> memref<2x2048xi32, #tpu.memory_space<vmem>>
      %dma_start3A_397 = arith.constant 0 : i32
      %dma_start3A_398 = tpu.memref_slice %arg4[%dma_start3A_397, %mul3A_385] : memref<2x8192xi32, #tpu.memory_space<hbm>> -> memref<2x2048xi32, #tpu.memory_space<hbm>>
      tpu.enqueue_dma source(%dma_start3A_398 : memref<2x2048xi32, #tpu.memory_space<hbm>>) target(%dma_start3A_396 : memref<2x2048xi32, #tpu.memory_space<vmem>>) target_semaphore(%arg13 : memref<!tpu.dma_semaphore, #tpu.memory_space<semaphore_mem>>)
    } else {
    }
    %scan3A_290 = arith.constant 0 : i32
    %scan3A_291 = arith.constant 7 : i32
    %scan3A_292 = arith.addi %scan3A_290, %scan3A_291 : i32
    %scan3A_293 = arith.constant 1 : i32
    scf.for %scan3A_382 = %scan3A_290 to %scan3A_292 step %scan3A_293  : i32 {
      %mul3A_383 = arith.constant 2 : i32
      %mul3A_384 = arith.muli %scan3A_382, %mul3A_383 : i32
      %add3A_385 = arith.constant 0 : i32
      %add3A_386 = arith.addi %add3A_385, %mul3A_384 : i32
      %add3A_387 = arith.constant 0 : i32
      %add3A_388 = arith.addi %add3A_386, %add3A_387 : i32
      %mul3A_389 = arith.constant 128 : i32
      %mul3A_390 = arith.muli %add3A_388, %mul3A_389 : i32
      %dma_wait3A_391 = arith.constant 1 : i32
      %dma_wait3A_392 = arith.constant 0 : i32
      %dma_wait3A_393 = tpu.memref_slice %arg7[%dma_wait3A_391, %dma_wait3A_392, %mul3A_390] : memref<2x2x2048xi32, #tpu.memory_space<vmem>> -> memref<1x1x128xi32, #tpu.memory_space<vmem>>
      %dma_wait3A_394 = tpu.memref_squeeze %dma_wait3A_393 : memref<1x1x128xi32, #tpu.memory_space<vmem>> -> memref<128xi32, #tpu.memory_space<vmem>>
      %dma_wait3A_395 = arith.constant 0 : i32
      %dma_wait3A_396 = arith.constant 0 : i32
      %dma_wait3A_397 = tpu.memref_slice %arg2[%dma_wait3A_395, %dma_wait3A_396] : memref<10000x128xf32, #tpu.memory_space<hbm>> -> memref<10000x128xf32, #tpu.memory_space<hbm>>
      tpu.wait_indirect_dma semaphore(%arg11 : memref<!tpu.dma_semaphore, #tpu.memory_space<semaphore_mem>>) src(%dma_wait3A_397 : memref<10000x128xf32, #tpu.memory_space<hbm>>) dst(%arg8 : memref<128x128xf32, #tpu.memory_space<vmem>>)
      %mul3A_398 = arith.constant 128 : i32
      %mul3A_399 = arith.muli %add3A_388, %mul3A_398 : i32
      %run_scoped3A_400 = arith.constant 1 : i32
      %run_scoped3A_401 = arith.constant 1 : i32
      "tpu.region"() ({
        %run_scoped3A_439 = tpu.sem_alloc : memref<!tpu.dma_semaphore, #tpu.memory_space<semaphore_mem>>
        %dma_start3A_440 = tpu.memref_slice %arg7[%run_scoped3A_400, %run_scoped3A_401, %mul3A_399] : memref<2x2x2048xi32, #tpu.memory_space<vmem>> -> memref<1x1x128xi32, #tpu.memory_space<vmem>>
        %dma_start3A_441 = tpu.memref_squeeze %dma_start3A_440 : memref<1x1x128xi32, #tpu.memory_space<vmem>> -> memref<128xi32, #tpu.memory_space<vmem>>
        %dma_start3A_442 = arith.constant 0 : i32
        %dma_start3A_443 = arith.constant 0 : i32
        %dma_start3A_444 = tpu.memref_slice %arg10[%dma_start3A_442, %dma_start3A_443] : memref<10240x128xf32, #tpu.memory_space<vmem_shared>> -> memref<10240x128xf32, #tpu.memory_space<vmem_shared>>
        tpu.enqueue_indirect_dma source(%arg8 : memref<128x128xf32, #tpu.memory_space<vmem>>) target(%dma_start3A_444 : memref<10240x128xf32, #tpu.memory_space<vmem_shared>>) offsets(%dma_start3A_441 : memref<128xi32, #tpu.memory_space<vmem>>) semaphore(%run_scoped3A_439 : memref<!tpu.dma_semaphore, #tpu.memory_space<semaphore_mem>>) {add = true}
        %dma_wait3A_445 = tpu.memref_slice %arg7[%run_scoped3A_400, %run_scoped3A_401, %mul3A_399] : memref<2x2x2048xi32, #tpu.memory_space<vmem>> -> memref<1x1x128xi32, #tpu.memory_space<vmem>>
        %dma_wait3A_446 = tpu.memref_squeeze %dma_wait3A_445 : memref<1x1x128xi32, #tpu.memory_space<vmem>> -> memref<128xi32, #tpu.memory_space<vmem>>
        %dma_wait3A_447 = arith.constant 0 : i32
        %dma_wait3A_448 = arith.constant 0 : i32
        %dma_wait3A_449 = tpu.memref_slice %arg10[%dma_wait3A_447, %dma_wait3A_448] : memref<10240x128xf32, #tpu.memory_space<vmem_shared>> -> memref<10240x128xf32, #tpu.memory_space<vmem_shared>>
        tpu.wait_indirect_dma semaphore(%run_scoped3A_439 : memref<!tpu.dma_semaphore, #tpu.memory_space<semaphore_mem>>) src(%arg8 : memref<128x128xf32, #tpu.memory_space<vmem>>) dst(%dma_wait3A_449 : memref<10240x128xf32, #tpu.memory_space<vmem_shared>>)
        tpu.yield
      }) : () -> ()
      %add3A_402 = arith.constant 2 : i32
      %add3A_403 = arith.addi %add3A_388, %add3A_402 : i32
      %mul3A_404 = arith.constant 128 : i32
      %mul3A_405 = arith.muli %add3A_403, %mul3A_404 : i32
      %dma_start3A_406 = arith.constant 1 : i32
      %dma_start3A_407 = arith.constant 0 : i32
      %dma_start3A_408 = tpu.memref_slice %arg7[%dma_start3A_406, %dma_start3A_407, %mul3A_405] : memref<2x2x2048xi32, #tpu.memory_space<vmem>> -> memref<1x1x128xi32, #tpu.memory_space<vmem>>
      %dma_start3A_409 = tpu.memref_squeeze %dma_start3A_408 : memref<1x1x128xi32, #tpu.memory_space<vmem>> -> memref<128xi32, #tpu.memory_space<vmem>>
      %dma_start3A_410 = arith.constant 0 : i32
      %dma_start3A_411 = arith.constant 0 : i32
      %dma_start3A_412 = tpu.memref_slice %arg2[%dma_start3A_410, %dma_start3A_411] : memref<10000x128xf32, #tpu.memory_space<hbm>> -> memref<10000x128xf32, #tpu.memory_space<hbm>>
      tpu.enqueue_indirect_dma source(%dma_start3A_412 : memref<10000x128xf32, #tpu.memory_space<hbm>>) target(%arg8 : memref<128x128xf32, #tpu.memory_space<vmem>>) offsets(%dma_start3A_409 : memref<128xi32, #tpu.memory_space<vmem>>) semaphore(%arg11 : memref<!tpu.dma_semaphore, #tpu.memory_space<semaphore_mem>>)
      %add3A_413 = arith.constant 1 : i32
      %add3A_414 = arith.addi %add3A_386, %add3A_413 : i32
      %mul3A_415 = arith.constant 128 : i32
      %mul3A_416 = arith.muli %add3A_414, %mul3A_415 : i32
      %dma_wait3A_417 = arith.constant 1 : i32
      %dma_wait3A_418 = arith.constant 0 : i32
      %dma_wait3A_419 = tpu.memref_slice %arg7[%dma_wait3A_417, %dma_wait3A_418, %mul3A_416] : memref<2x2x2048xi32, #tpu.memory_space<vmem>> -> memref<1x1x128xi32, #tpu.memory_space<vmem>>
      %dma_wait3A_420 = tpu.memref_squeeze %dma_wait3A_419 : memref<1x1x128xi32, #tpu.memory_space<vmem>> -> memref<128xi32, #tpu.memory_space<vmem>>
      %dma_wait3A_421 = arith.constant 0 : i32
      %dma_wait3A_422 = arith.constant 0 : i32
      %dma_wait3A_423 = tpu.memref_slice %arg2[%dma_wait3A_421, %dma_wait3A_422] : memref<10000x128xf32, #tpu.memory_space<hbm>> -> memref<10000x128xf32, #tpu.memory_space<hbm>>
      tpu.wait_indirect_dma semaphore(%arg12 : memref<!tpu.dma_semaphore, #tpu.memory_space<semaphore_mem>>) src(%dma_wait3A_423 : memref<10000x128xf32, #tpu.memory_space<hbm>>) dst(%arg9 : memref<128x128xf32, #tpu.memory_space<vmem>>)
      %mul3A_424 = arith.constant 128 : i32
      %mul3A_425 = arith.muli %add3A_414, %mul3A_424 : i32
      %run_scoped3A_426 = arith.constant 1 : i32
      %run_scoped3A_427 = arith.constant 1 : i32
      "tpu.region"() ({
        %run_scoped3A_439 = tpu.sem_alloc : memref<!tpu.dma_semaphore, #tpu.memory_space<semaphore_mem>>
        %dma_start3A_440 = tpu.memref_slice %arg7[%run_scoped3A_426, %run_scoped3A_427, %mul3A_425] : memref<2x2x2048xi32, #tpu.memory_space<vmem>> -> memref<1x1x128xi32, #tpu.memory_space<vmem>>
        %dma_start3A_441 = tpu.memref_squeeze %dma_start3A_440 : memref<1x1x128xi32, #tpu.memory_space<vmem>> -> memref<128xi32, #tpu.memory_space<vmem>>
        %dma_start3A_442 = arith.constant 0 : i32
        %dma_start3A_443 = arith.constant 0 : i32
        %dma_start3A_444 = tpu.memref_slice %arg10[%dma_start3A_442, %dma_start3A_443] : memref<10240x128xf32, #tpu.memory_space<vmem_shared>> -> memref<10240x128xf32, #tpu.memory_space<vmem_shared>>
        tpu.enqueue_indirect_dma source(%arg9 : memref<128x128xf32, #tpu.memory_space<vmem>>) target(%dma_start3A_444 : memref<10240x128xf32, #tpu.memory_space<vmem_shared>>) offsets(%dma_start3A_441 : memref<128xi32, #tpu.memory_space<vmem>>) semaphore(%run_scoped3A_439 : memref<!tpu.dma_semaphore, #tpu.memory_space<semaphore_mem>>) {add = true}
        %dma_wait3A_445 = tpu.memref_slice %arg7[%run_scoped3A_426, %run_scoped3A_427, %mul3A_425] : memref<2x2x2048xi32, #tpu.memory_space<vmem>> -> memref<1x1x128xi32, #tpu.memory_space<vmem>>
        %dma_wait3A_446 = tpu.memref_squeeze %dma_wait3A_445 : memref<1x1x128xi32, #tpu.memory_space<vmem>> -> memref<128xi32, #tpu.memory_space<vmem>>
        %dma_wait3A_447 = arith.constant 0 : i32
        %dma_wait3A_448 = arith.constant 0 : i32
        %dma_wait3A_449 = tpu.memref_slice %arg10[%dma_wait3A_447, %dma_wait3A_448] : memref<10240x128xf32, #tpu.memory_space<vmem_shared>> -> memref<10240x128xf32, #tpu.memory_space<vmem_shared>>
        tpu.wait_indirect_dma semaphore(%run_scoped3A_439 : memref<!tpu.dma_semaphore, #tpu.memory_space<semaphore_mem>>) src(%arg9 : memref<128x128xf32, #tpu.memory_space<vmem>>) dst(%dma_wait3A_449 : memref<10240x128xf32, #tpu.memory_space<vmem_shared>>)
        tpu.yield
      }) : () -> ()
      %add3A_428 = arith.constant 2 : i32
      %add3A_429 = arith.addi %add3A_414, %add3A_428 : i32
      %mul3A_430 = arith.constant 128 : i32
      %mul3A_431 = arith.muli %add3A_429, %mul3A_430 : i32
      %dma_start3A_432 = arith.constant 1 : i32
      %dma_start3A_433 = arith.constant 0 : i32
      %dma_start3A_434 = tpu.memref_slice %arg7[%dma_start3A_432, %dma_start3A_433, %mul3A_431] : memref<2x2x2048xi32, #tpu.memory_space<vmem>> -> memref<1x1x128xi32, #tpu.memory_space<vmem>>
      %dma_start3A_435 = tpu.memref_squeeze %dma_start3A_434 : memref<1x1x128xi32, #tpu.memory_space<vmem>> -> memref<128xi32, #tpu.memory_space<vmem>>
      %dma_start3A_436 = arith.constant 0 : i32
      %dma_start3A_437 = arith.constant 0 : i32
      %dma_start3A_438 = tpu.memref_slice %arg2[%dma_start3A_436, %dma_start3A_437] : memref<10000x128xf32, #tpu.memory_space<hbm>> -> memref<10000x128xf32, #tpu.memory_space<hbm>>
      tpu.enqueue_indirect_dma source(%dma_start3A_438 : memref<10000x128xf32, #tpu.memory_space<hbm>>) target(%arg9 : memref<128x128xf32, #tpu.memory_space<vmem>>) offsets(%dma_start3A_435 : memref<128xi32, #tpu.memory_space<vmem>>) semaphore(%arg12 : memref<!tpu.dma_semaphore, #tpu.memory_space<semaphore_mem>>)
    }
    %scan3A_294 = arith.constant 7 : i32
    %mul3A_295 = arith.constant 5 : i32
    %mul3A_296 = arith.muli %add3A, %mul3A_295 : i32
    %add3A_297 = arith.constant 4 : i32
    %add3A_298 = arith.addi %mul3A_296, %add3A_297 : i32
    %min3A_299 = arith.constant 155 : i32
    %min3A_300 = arith.minsi %add3A_298, %min3A_299 : i32
    %mul3A_301 = arith.constant 2048 : i32
    %mul3A_302 = arith.muli %min3A_300, %mul3A_301 : i32
    %dma_wait3A_303 = arith.constant 0 : i32
    %dma_wait3A_304 = arith.constant 0 : i32
    %dma_wait3A_305 = arith.constant 0 : i32
    %dma_wait3A_306 = tpu.memref_slice %arg7[%dma_wait3A_303, %dma_wait3A_304, %dma_wait3A_305] : memref<2x2x2048xi32, #tpu.memory_space<vmem>> -> memref<1x2x2048xi32, #tpu.memory_space<vmem>>
    %dma_wait3A_307 = tpu.memref_squeeze %dma_wait3A_306 : memref<1x2x2048xi32, #tpu.memory_space<vmem>> -> memref<2x2048xi32, #tpu.memory_space<vmem>>
    %dma_wait3A_308 = arith.constant 0 : i32
    %dma_wait3A_309 = tpu.memref_slice %arg3[%dma_wait3A_308, %mul3A_302] : memref<2x320000xi32, #tpu.memory_space<hbm>> -> memref<2x2048xi32, #tpu.memory_space<hbm>>
    %dma_wait3A_310 = arith.constant 0 : i32
    %dma_wait3A_311 = arith.constant 0 : i32
    %dma_wait3A_312 = tpu.memref_slice %arg7[%dma_wait3A_303, %dma_wait3A_310, %dma_wait3A_311] : memref<2x2x2048xi32, #tpu.memory_space<vmem>> -> memref<1x2x2048xi32, #tpu.memory_space<vmem>>
    %dma_wait3A_313 = tpu.memref_squeeze %dma_wait3A_312 : memref<1x2x2048xi32, #tpu.memory_space<vmem>> -> memref<2x2048xi32, #tpu.memory_space<vmem>>
    %dma_wait3A_314 = arith.constant 0 : i32
    %dma_wait3A_315 = tpu.memref_slice %arg3[%dma_wait3A_314, %mul3A_302] : memref<2x320000xi32, #tpu.memory_space<hbm>> -> memref<2x2048xi32, #tpu.memory_space<hbm>>
    tpu.wait_dma2 semaphore(%arg13 : memref<!tpu.dma_semaphore, #tpu.memory_space<semaphore_mem>>) src(%dma_wait3A_315 : memref<2x2048xi32, #tpu.memory_space<hbm>>) dst(%dma_wait3A_313 : memref<2x2048xi32, #tpu.memory_space<vmem>>)
    %dma_wait3A_316 = arith.constant 1 : i32
    %dma_wait3A_317 = arith.constant 0 : i32
    %dma_wait3A_318 = arith.constant 1792 : i32
    %dma_wait3A_319 = tpu.memref_slice %arg7[%dma_wait3A_316, %dma_wait3A_317, %dma_wait3A_318] : memref<2x2x2048xi32, #tpu.memory_space<vmem>> -> memref<1x1x128xi32, #tpu.memory_space<vmem>>
    %dma_wait3A_320 = tpu.memref_squeeze %dma_wait3A_319 : memref<1x1x128xi32, #tpu.memory_space<vmem>> -> memref<128xi32, #tpu.memory_space<vmem>>
    %dma_wait3A_321 = arith.constant 0 : i32
    %dma_wait3A_322 = arith.constant 0 : i32
    %dma_wait3A_323 = tpu.memref_slice %arg2[%dma_wait3A_321, %dma_wait3A_322] : memref<10000x128xf32, #tpu.memory_space<hbm>> -> memref<10000x128xf32, #tpu.memory_space<hbm>>
    tpu.wait_indirect_dma semaphore(%arg11 : memref<!tpu.dma_semaphore, #tpu.memory_space<semaphore_mem>>) src(%dma_wait3A_323 : memref<10000x128xf32, #tpu.memory_space<hbm>>) dst(%arg8 : memref<128x128xf32, #tpu.memory_space<vmem>>)
    %run_scoped3A_324 = arith.constant 1 : i32
    %run_scoped3A_325 = arith.constant 1 : i32
    "tpu.region"() ({
      %run_scoped3A_382 = tpu.sem_alloc : memref<!tpu.dma_semaphore, #tpu.memory_space<semaphore_mem>>
      %dma_start3A_383 = arith.constant 1792 : i32
      %dma_start3A_384 = tpu.memref_slice %arg7[%run_scoped3A_324, %run_scoped3A_325, %dma_start3A_383] : memref<2x2x2048xi32, #tpu.memory_space<vmem>> -> memref<1x1x128xi32, #tpu.memory_space<vmem>>
      %dma_start3A_385 = tpu.memref_squeeze %dma_start3A_384 : memref<1x1x128xi32, #tpu.memory_space<vmem>> -> memref<128xi32, #tpu.memory_space<vmem>>
      %dma_start3A_386 = arith.constant 0 : i32
      %dma_start3A_387 = arith.constant 0 : i32
      %dma_start3A_388 = tpu.memref_slice %arg10[%dma_start3A_386, %dma_start3A_387] : memref<10240x128xf32, #tpu.memory_space<vmem_shared>> -> memref<10240x128xf32, #tpu.memory_space<vmem_shared>>
      tpu.enqueue_indirect_dma source(%arg8 : memref<128x128xf32, #tpu.memory_space<vmem>>) target(%dma_start3A_388 : memref<10240x128xf32, #tpu.memory_space<vmem_shared>>) offsets(%dma_start3A_385 : memref<128xi32, #tpu.memory_space<vmem>>) semaphore(%run_scoped3A_382 : memref<!tpu.dma_semaphore, #tpu.memory_space<semaphore_mem>>) {add = true}
      %dma_wait3A_389 = arith.constant 1792 : i32
      %dma_wait3A_390 = tpu.memref_slice %arg7[%run_scoped3A_324, %run_scoped3A_325, %dma_wait3A_389] : memref<2x2x2048xi32, #tpu.memory_space<vmem>> -> memref<1x1x128xi32, #tpu.memory_space<vmem>>
      %dma_wait3A_391 = tpu.memref_squeeze %dma_wait3A_390 : memref<1x1x128xi32, #tpu.memory_space<vmem>> -> memref<128xi32, #tpu.memory_space<vmem>>
      %dma_wait3A_392 = arith.constant 0 : i32
      %dma_wait3A_393 = arith.constant 0 : i32
      %dma_wait3A_394 = tpu.memref_slice %arg10[%dma_wait3A_392, %dma_wait3A_393] : memref<10240x128xf32, #tpu.memory_space<vmem_shared>> -> memref<10240x128xf32, #tpu.memory_space<vmem_shared>>
      tpu.wait_indirect_dma semaphore(%run_scoped3A_382 : memref<!tpu.dma_semaphore, #tpu.memory_space<semaphore_mem>>) src(%arg8 : memref<128x128xf32, #tpu.memory_space<vmem>>) dst(%dma_wait3A_394 : memref<10240x128xf32, #tpu.memory_space<vmem_shared>>)
      tpu.yield
    }) : () -> ()
    %dma_start3A_326 = arith.constant 0 : i32
    %dma_start3A_327 = arith.constant 0 : i32
    %dma_start3A_328 = arith.constant 0 : i32
    %dma_start3A_329 = tpu.memref_slice %arg7[%dma_start3A_326, %dma_start3A_327, %dma_start3A_328] : memref<2x2x2048xi32, #tpu.memory_space<vmem>> -> memref<1x1x128xi32, #tpu.memory_space<vmem>>
    %dma_start3A_330 = tpu.memref_squeeze %dma_start3A_329 : memref<1x1x128xi32, #tpu.memory_space<vmem>> -> memref<128xi32, #tpu.memory_space<vmem>>
    %dma_start3A_331 = arith.constant 0 : i32
    %dma_start3A_332 = arith.constant 0 : i32
    %dma_start3A_333 = tpu.memref_slice %arg2[%dma_start3A_331, %dma_start3A_332] : memref<10000x128xf32, #tpu.memory_space<hbm>> -> memref<10000x128xf32, #tpu.memory_space<hbm>>
    tpu.enqueue_indirect_dma source(%dma_start3A_333 : memref<10000x128xf32, #tpu.memory_space<hbm>>) target(%arg8 : memref<128x128xf32, #tpu.memory_space<vmem>>) offsets(%dma_start3A_330 : memref<128xi32, #tpu.memory_space<vmem>>) semaphore(%arg11 : memref<!tpu.dma_semaphore, #tpu.memory_space<semaphore_mem>>)
    %dma_wait3A_334 = arith.constant 1 : i32
    %dma_wait3A_335 = arith.constant 0 : i32
    %dma_wait3A_336 = arith.constant 1920 : i32
    %dma_wait3A_337 = tpu.memref_slice %arg7[%dma_wait3A_334, %dma_wait3A_335, %dma_wait3A_336] : memref<2x2x2048xi32, #tpu.memory_space<vmem>> -> memref<1x1x128xi32, #tpu.memory_space<vmem>>
    %dma_wait3A_338 = tpu.memref_squeeze %dma_wait3A_337 : memref<1x1x128xi32, #tpu.memory_space<vmem>> -> memref<128xi32, #tpu.memory_space<vmem>>
    %dma_wait3A_339 = arith.constant 0 : i32
    %dma_wait3A_340 = arith.constant 0 : i32
    %dma_wait3A_341 = tpu.memref_slice %arg2[%dma_wait3A_339, %dma_wait3A_340] : memref<10000x128xf32, #tpu.memory_space<hbm>> -> memref<10000x128xf32, #tpu.memory_space<hbm>>
    tpu.wait_indirect_dma semaphore(%arg12 : memref<!tpu.dma_semaphore, #tpu.memory_space<semaphore_mem>>) src(%dma_wait3A_341 : memref<10000x128xf32, #tpu.memory_space<hbm>>) dst(%arg9 : memref<128x128xf32, #tpu.memory_space<vmem>>)
    %run_scoped3A_342 = arith.constant 1 : i32
    %run_scoped3A_343 = arith.constant 1 : i32
    "tpu.region"() ({
      %run_scoped3A_382 = tpu.sem_alloc : memref<!tpu.dma_semaphore, #tpu.memory_space<semaphore_mem>>
      %dma_start3A_383 = arith.constant 1920 : i32
      %dma_start3A_384 = tpu.memref_slice %arg7[%run_scoped3A_342, %run_scoped3A_343, %dma_start3A_383] : memref<2x2x2048xi32, #tpu.memory_space<vmem>> -> memref<1x1x128xi32, #tpu.memory_space<vmem>>
      %dma_start3A_385 = tpu.memref_squeeze %dma_start3A_384 : memref<1x1x128xi32, #tpu.memory_space<vmem>> -> memref<128xi32, #tpu.memory_space<vmem>>
      %dma_start3A_386 = arith.constant 0 : i32
      %dma_start3A_387 = arith.constant 0 : i32
      %dma_start3A_388 = tpu.memref_slice %arg10[%dma_start3A_386, %dma_start3A_387] : memref<10240x128xf32, #tpu.memory_space<vmem_shared>> -> memref<10240x128xf32, #tpu.memory_space<vmem_shared>>
      tpu.enqueue_indirect_dma source(%arg9 : memref<128x128xf32, #tpu.memory_space<vmem>>) target(%dma_start3A_388 : memref<10240x128xf32, #tpu.memory_space<vmem_shared>>) offsets(%dma_start3A_385 : memref<128xi32, #tpu.memory_space<vmem>>) semaphore(%run_scoped3A_382 : memref<!tpu.dma_semaphore, #tpu.memory_space<semaphore_mem>>) {add = true}
      %dma_wait3A_389 = arith.constant 1920 : i32
      %dma_wait3A_390 = tpu.memref_slice %arg7[%run_scoped3A_342, %run_scoped3A_343, %dma_wait3A_389] : memref<2x2x2048xi32, #tpu.memory_space<vmem>> -> memref<1x1x128xi32, #tpu.memory_space<vmem>>
      %dma_wait3A_391 = tpu.memref_squeeze %dma_wait3A_390 : memref<1x1x128xi32, #tpu.memory_space<vmem>> -> memref<128xi32, #tpu.memory_space<vmem>>
      %dma_wait3A_392 = arith.constant 0 : i32
      %dma_wait3A_393 = arith.constant 0 : i32
      %dma_wait3A_394 = tpu.memref_slice %arg10[%dma_wait3A_392, %dma_wait3A_393] : memref<10240x128xf32, #tpu.memory_space<vmem_shared>> -> memref<10240x128xf32, #tpu.memory_space<vmem_shared>>
      tpu.wait_indirect_dma semaphore(%run_scoped3A_382 : memref<!tpu.dma_semaphore, #tpu.memory_space<semaphore_mem>>) src(%arg9 : memref<128x128xf32, #tpu.memory_space<vmem>>) dst(%dma_wait3A_394 : memref<10240x128xf32, #tpu.memory_space<vmem_shared>>)
      tpu.yield
    }) : () -> ()
    %dma_start3A_344 = arith.constant 0 : i32
    %dma_start3A_345 = arith.constant 0 : i32
    %dma_start3A_346 = arith.constant 128 : i32
    %dma_start3A_347 = tpu.memref_slice %arg7[%dma_start3A_344, %dma_start3A_345, %dma_start3A_346] : memref<2x2x2048xi32, #tpu.memory_space<vmem>> -> memref<1x1x128xi32, #tpu.memory_space<vmem>>
    %dma_start3A_348 = tpu.memref_squeeze %dma_start3A_347 : memref<1x1x128xi32, #tpu.memory_space<vmem>> -> memref<128xi32, #tpu.memory_space<vmem>>
    %dma_start3A_349 = arith.constant 0 : i32
    %dma_start3A_350 = arith.constant 0 : i32
    %dma_start3A_351 = tpu.memref_slice %arg2[%dma_start3A_349, %dma_start3A_350] : memref<10000x128xf32, #tpu.memory_space<hbm>> -> memref<10000x128xf32, #tpu.memory_space<hbm>>
    tpu.enqueue_indirect_dma source(%dma_start3A_351 : memref<10000x128xf32, #tpu.memory_space<hbm>>) target(%arg9 : memref<128x128xf32, #tpu.memory_space<vmem>>) offsets(%dma_start3A_348 : memref<128xi32, #tpu.memory_space<vmem>>) semaphore(%arg12 : memref<!tpu.dma_semaphore, #tpu.memory_space<semaphore_mem>>)
    %scan3A_352 = arith.constant 0 : i32
    %scan3A_353 = arith.constant 7 : i32
    %scan3A_354 = arith.addi %scan3A_352, %scan3A_353 : i32
    %scan3A_355 = arith.constant 1 : i32
    scf.for %scan3A_382 = %scan3A_352 to %scan3A_354 step %scan3A_355  : i32 {
      %mul3A_383 = arith.constant 2 : i32
      %mul3A_384 = arith.muli %scan3A_382, %mul3A_383 : i32
      %add3A_385 = arith.constant 0 : i32
      %add3A_386 = arith.addi %add3A_385, %mul3A_384 : i32
      %add3A_387 = arith.constant 0 : i32
      %add3A_388 = arith.addi %add3A_386, %add3A_387 : i32
      %mul3A_389 = arith.constant 128 : i32
      %mul3A_390 = arith.muli %add3A_388, %mul3A_389 : i32
      %dma_wait3A_391 = arith.constant 0 : i32
      %dma_wait3A_392 = arith.constant 0 : i32
      %dma_wait3A_393 = tpu.memref_slice %arg7[%dma_wait3A_391, %dma_wait3A_392, %mul3A_390] : memref<2x2x2048xi32, #tpu.memory_space<vmem>> -> memref<1x1x128xi32, #tpu.memory_space<vmem>>
      %dma_wait3A_394 = tpu.memref_squeeze %dma_wait3A_393 : memref<1x1x128xi32, #tpu.memory_space<vmem>> -> memref<128xi32, #tpu.memory_space<vmem>>
      %dma_wait3A_395 = arith.constant 0 : i32
      %dma_wait3A_396 = arith.constant 0 : i32
      %dma_wait3A_397 = tpu.memref_slice %arg2[%dma_wait3A_395, %dma_wait3A_396] : memref<10000x128xf32, #tpu.memory_space<hbm>> -> memref<10000x128xf32, #tpu.memory_space<hbm>>
      tpu.wait_indirect_dma semaphore(%arg11 : memref<!tpu.dma_semaphore, #tpu.memory_space<semaphore_mem>>) src(%dma_wait3A_397 : memref<10000x128xf32, #tpu.memory_space<hbm>>) dst(%arg8 : memref<128x128xf32, #tpu.memory_space<vmem>>)
      %mul3A_398 = arith.constant 128 : i32
      %mul3A_399 = arith.muli %add3A_388, %mul3A_398 : i32
      %run_scoped3A_400 = arith.constant 0 : i32
      %run_scoped3A_401 = arith.constant 1 : i32
      "tpu.region"() ({
        %run_scoped3A_439 = tpu.sem_alloc : memref<!tpu.dma_semaphore, #tpu.memory_space<semaphore_mem>>
        %dma_start3A_440 = tpu.memref_slice %arg7[%run_scoped3A_400, %run_scoped3A_401, %mul3A_399] : memref<2x2x2048xi32, #tpu.memory_space<vmem>> -> memref<1x1x128xi32, #tpu.memory_space<vmem>>
        %dma_start3A_441 = tpu.memref_squeeze %dma_start3A_440 : memref<1x1x128xi32, #tpu.memory_space<vmem>> -> memref<128xi32, #tpu.memory_space<vmem>>
        %dma_start3A_442 = arith.constant 0 : i32
        %dma_start3A_443 = arith.constant 0 : i32
        %dma_start3A_444 = tpu.memref_slice %arg10[%dma_start3A_442, %dma_start3A_443] : memref<10240x128xf32, #tpu.memory_space<vmem_shared>> -> memref<10240x128xf32, #tpu.memory_space<vmem_shared>>
        tpu.enqueue_indirect_dma source(%arg8 : memref<128x128xf32, #tpu.memory_space<vmem>>) target(%dma_start3A_444 : memref<10240x128xf32, #tpu.memory_space<vmem_shared>>) offsets(%dma_start3A_441 : memref<128xi32, #tpu.memory_space<vmem>>) semaphore(%run_scoped3A_439 : memref<!tpu.dma_semaphore, #tpu.memory_space<semaphore_mem>>) {add = true}
        %dma_wait3A_445 = tpu.memref_slice %arg7[%run_scoped3A_400, %run_scoped3A_401, %mul3A_399] : memref<2x2x2048xi32, #tpu.memory_space<vmem>> -> memref<1x1x128xi32, #tpu.memory_space<vmem>>
        %dma_wait3A_446 = tpu.memref_squeeze %dma_wait3A_445 : memref<1x1x128xi32, #tpu.memory_space<vmem>> -> memref<128xi32, #tpu.memory_space<vmem>>
        %dma_wait3A_447 = arith.constant 0 : i32
        %dma_wait3A_448 = arith.constant 0 : i32
        %dma_wait3A_449 = tpu.memref_slice %arg10[%dma_wait3A_447, %dma_wait3A_448] : memref<10240x128xf32, #tpu.memory_space<vmem_shared>> -> memref<10240x128xf32, #tpu.memory_space<vmem_shared>>
        tpu.wait_indirect_dma semaphore(%run_scoped3A_439 : memref<!tpu.dma_semaphore, #tpu.memory_space<semaphore_mem>>) src(%arg8 : memref<128x128xf32, #tpu.memory_space<vmem>>) dst(%dma_wait3A_449 : memref<10240x128xf32, #tpu.memory_space<vmem_shared>>)
        tpu.yield
      }) : () -> ()
      %add3A_402 = arith.constant 2 : i32
      %add3A_403 = arith.addi %add3A_388, %add3A_402 : i32
      %mul3A_404 = arith.constant 128 : i32
      %mul3A_405 = arith.muli %add3A_403, %mul3A_404 : i32
      %dma_start3A_406 = arith.constant 0 : i32
      %dma_start3A_407 = arith.constant 0 : i32
      %dma_start3A_408 = tpu.memref_slice %arg7[%dma_start3A_406, %dma_start3A_407, %mul3A_405] : memref<2x2x2048xi32, #tpu.memory_space<vmem>> -> memref<1x1x128xi32, #tpu.memory_space<vmem>>
      %dma_start3A_409 = tpu.memref_squeeze %dma_start3A_408 : memref<1x1x128xi32, #tpu.memory_space<vmem>> -> memref<128xi32, #tpu.memory_space<vmem>>
      %dma_start3A_410 = arith.constant 0 : i32
      %dma_start3A_411 = arith.constant 0 : i32
      %dma_start3A_412 = tpu.memref_slice %arg2[%dma_start3A_410, %dma_start3A_411] : memref<10000x128xf32, #tpu.memory_space<hbm>> -> memref<10000x128xf32, #tpu.memory_space<hbm>>
      tpu.enqueue_indirect_dma source(%dma_start3A_412 : memref<10000x128xf32, #tpu.memory_space<hbm>>) target(%arg8 : memref<128x128xf32, #tpu.memory_space<vmem>>) offsets(%dma_start3A_409 : memref<128xi32, #tpu.memory_space<vmem>>) semaphore(%arg11 : memref<!tpu.dma_semaphore, #tpu.memory_space<semaphore_mem>>)
      %add3A_413 = arith.constant 1 : i32
      %add3A_414 = arith.addi %add3A_386, %add3A_413 : i32
      %mul3A_415 = arith.constant 128 : i32
      %mul3A_416 = arith.muli %add3A_414, %mul3A_415 : i32
      %dma_wait3A_417 = arith.constant 0 : i32
      %dma_wait3A_418 = arith.constant 0 : i32
      %dma_wait3A_419 = tpu.memref_slice %arg7[%dma_wait3A_417, %dma_wait3A_418, %mul3A_416] : memref<2x2x2048xi32, #tpu.memory_space<vmem>> -> memref<1x1x128xi32, #tpu.memory_space<vmem>>
      %dma_wait3A_420 = tpu.memref_squeeze %dma_wait3A_419 : memref<1x1x128xi32, #tpu.memory_space<vmem>> -> memref<128xi32, #tpu.memory_space<vmem>>
      %dma_wait3A_421 = arith.constant 0 : i32
      %dma_wait3A_422 = arith.constant 0 : i32
      %dma_wait3A_423 = tpu.memref_slice %arg2[%dma_wait3A_421, %dma_wait3A_422] : memref<10000x128xf32, #tpu.memory_space<hbm>> -> memref<10000x128xf32, #tpu.memory_space<hbm>>
      tpu.wait_indirect_dma semaphore(%arg12 : memref<!tpu.dma_semaphore, #tpu.memory_space<semaphore_mem>>) src(%dma_wait3A_423 : memref<10000x128xf32, #tpu.memory_space<hbm>>) dst(%arg9 : memref<128x128xf32, #tpu.memory_space<vmem>>)
      %mul3A_424 = arith.constant 128 : i32
      %mul3A_425 = arith.muli %add3A_414, %mul3A_424 : i32
      %run_scoped3A_426 = arith.constant 0 : i32
      %run_scoped3A_427 = arith.constant 1 : i32
      "tpu.region"() ({
        %run_scoped3A_439 = tpu.sem_alloc : memref<!tpu.dma_semaphore, #tpu.memory_space<semaphore_mem>>
        %dma_start3A_440 = tpu.memref_slice %arg7[%run_scoped3A_426, %run_scoped3A_427, %mul3A_425] : memref<2x2x2048xi32, #tpu.memory_space<vmem>> -> memref<1x1x128xi32, #tpu.memory_space<vmem>>
        %dma_start3A_441 = tpu.memref_squeeze %dma_start3A_440 : memref<1x1x128xi32, #tpu.memory_space<vmem>> -> memref<128xi32, #tpu.memory_space<vmem>>
        %dma_start3A_442 = arith.constant 0 : i32
        %dma_start3A_443 = arith.constant 0 : i32
        %dma_start3A_444 = tpu.memref_slice %arg10[%dma_start3A_442, %dma_start3A_443] : memref<10240x128xf32, #tpu.memory_space<vmem_shared>> -> memref<10240x128xf32, #tpu.memory_space<vmem_shared>>
        tpu.enqueue_indirect_dma source(%arg9 : memref<128x128xf32, #tpu.memory_space<vmem>>) target(%dma_start3A_444 : memref<10240x128xf32, #tpu.memory_space<vmem_shared>>) offsets(%dma_start3A_441 : memref<128xi32, #tpu.memory_space<vmem>>) semaphore(%run_scoped3A_439 : memref<!tpu.dma_semaphore, #tpu.memory_space<semaphore_mem>>) {add = true}
        %dma_wait3A_445 = tpu.memref_slice %arg7[%run_scoped3A_426, %run_scoped3A_427, %mul3A_425] : memref<2x2x2048xi32, #tpu.memory_space<vmem>> -> memref<1x1x128xi32, #tpu.memory_space<vmem>>
        %dma_wait3A_446 = tpu.memref_squeeze %dma_wait3A_445 : memref<1x1x128xi32, #tpu.memory_space<vmem>> -> memref<128xi32, #tpu.memory_space<vmem>>
        %dma_wait3A_447 = arith.constant 0 : i32
        %dma_wait3A_448 = arith.constant 0 : i32
        %dma_wait3A_449 = tpu.memref_slice %arg10[%dma_wait3A_447, %dma_wait3A_448] : memref<10240x128xf32, #tpu.memory_space<vmem_shared>> -> memref<10240x128xf32, #tpu.memory_space<vmem_shared>>
        tpu.wait_indirect_dma semaphore(%run_scoped3A_439 : memref<!tpu.dma_semaphore, #tpu.memory_space<semaphore_mem>>) src(%arg9 : memref<128x128xf32, #tpu.memory_space<vmem>>) dst(%dma_wait3A_449 : memref<10240x128xf32, #tpu.memory_space<vmem_shared>>)
        tpu.yield
      }) : () -> ()
      %add3A_428 = arith.constant 2 : i32
      %add3A_429 = arith.addi %add3A_414, %add3A_428 : i32
      %mul3A_430 = arith.constant 128 : i32
      %mul3A_431 = arith.muli %add3A_429, %mul3A_430 : i32
      %dma_start3A_432 = arith.constant 0 : i32
      %dma_start3A_433 = arith.constant 0 : i32
      %dma_start3A_434 = tpu.memref_slice %arg7[%dma_start3A_432, %dma_start3A_433, %mul3A_431] : memref<2x2x2048xi32, #tpu.memory_space<vmem>> -> memref<1x1x128xi32, #tpu.memory_space<vmem>>
      %dma_start3A_435 = tpu.memref_squeeze %dma_start3A_434 : memref<1x1x128xi32, #tpu.memory_space<vmem>> -> memref<128xi32, #tpu.memory_space<vmem>>
      %dma_start3A_436 = arith.constant 0 : i32
      %dma_start3A_437 = arith.constant 0 : i32
      %dma_start3A_438 = tpu.memref_slice %arg2[%dma_start3A_436, %dma_start3A_437] : memref<10000x128xf32, #tpu.memory_space<hbm>> -> memref<10000x128xf32, #tpu.memory_space<hbm>>
      tpu.enqueue_indirect_dma source(%dma_start3A_438 : memref<10000x128xf32, #tpu.memory_space<hbm>>) target(%arg9 : memref<128x128xf32, #tpu.memory_space<vmem>>) offsets(%dma_start3A_435 : memref<128xi32, #tpu.memory_space<vmem>>) semaphore(%arg12 : memref<!tpu.dma_semaphore, #tpu.memory_space<semaphore_mem>>)
    }
    %scan3A_356 = arith.constant 7 : i32
    %dma_wait3A_357 = arith.constant 0 : i32
    %dma_wait3A_358 = arith.constant 0 : i32
    %dma_wait3A_359 = arith.constant 1792 : i32
    %dma_wait3A_360 = tpu.memref_slice %arg7[%dma_wait3A_357, %dma_wait3A_358, %dma_wait3A_359] : memref<2x2x2048xi32, #tpu.memory_space<vmem>> -> memref<1x1x128xi32, #tpu.memory_space<vmem>>
    %dma_wait3A_361 = tpu.memref_squeeze %dma_wait3A_360 : memref<1x1x128xi32, #tpu.memory_space<vmem>> -> memref<128xi32, #tpu.memory_space<vmem>>
    %dma_wait3A_362 = arith.constant 0 : i32
    %dma_wait3A_363 = arith.constant 0 : i32
    %dma_wait3A_364 = tpu.memref_slice %arg2[%dma_wait3A_362, %dma_wait3A_363] : memref<10000x128xf32, #tpu.memory_space<hbm>> -> memref<10000x128xf32, #tpu.memory_space<hbm>>
    tpu.wait_indirect_dma semaphore(%arg11 : memref<!tpu.dma_semaphore, #tpu.memory_space<semaphore_mem>>) src(%dma_wait3A_364 : memref<10000x128xf32, #tpu.memory_space<hbm>>) dst(%arg8 : memref<128x128xf32, #tpu.memory_space<vmem>>)
    %run_scoped3A_365 = arith.constant 0 : i32
    %run_scoped3A_366 = arith.constant 1 : i32
    "tpu.region"() ({
      %run_scoped3A_382 = tpu.sem_alloc : memref<!tpu.dma_semaphore, #tpu.memory_space<semaphore_mem>>
      %dma_start3A_383 = arith.constant 1792 : i32
      %dma_start3A_384 = tpu.memref_slice %arg7[%run_scoped3A_365, %run_scoped3A_366, %dma_start3A_383] : memref<2x2x2048xi32, #tpu.memory_space<vmem>> -> memref<1x1x128xi32, #tpu.memory_space<vmem>>
      %dma_start3A_385 = tpu.memref_squeeze %dma_start3A_384 : memref<1x1x128xi32, #tpu.memory_space<vmem>> -> memref<128xi32, #tpu.memory_space<vmem>>
      %dma_start3A_386 = arith.constant 0 : i32
      %dma_start3A_387 = arith.constant 0 : i32
      %dma_start3A_388 = tpu.memref_slice %arg10[%dma_start3A_386, %dma_start3A_387] : memref<10240x128xf32, #tpu.memory_space<vmem_shared>> -> memref<10240x128xf32, #tpu.memory_space<vmem_shared>>
      tpu.enqueue_indirect_dma source(%arg8 : memref<128x128xf32, #tpu.memory_space<vmem>>) target(%dma_start3A_388 : memref<10240x128xf32, #tpu.memory_space<vmem_shared>>) offsets(%dma_start3A_385 : memref<128xi32, #tpu.memory_space<vmem>>) semaphore(%run_scoped3A_382 : memref<!tpu.dma_semaphore, #tpu.memory_space<semaphore_mem>>) {add = true}
      %dma_wait3A_389 = arith.constant 1792 : i32
      %dma_wait3A_390 = tpu.memref_slice %arg7[%run_scoped3A_365, %run_scoped3A_366, %dma_wait3A_389] : memref<2x2x2048xi32, #tpu.memory_space<vmem>> -> memref<1x1x128xi32, #tpu.memory_space<vmem>>
      %dma_wait3A_391 = tpu.memref_squeeze %dma_wait3A_390 : memref<1x1x128xi32, #tpu.memory_space<vmem>> -> memref<128xi32, #tpu.memory_space<vmem>>
      %dma_wait3A_392 = arith.constant 0 : i32
      %dma_wait3A_393 = arith.constant 0 : i32
      %dma_wait3A_394 = tpu.memref_slice %arg10[%dma_wait3A_392, %dma_wait3A_393] : memref<10240x128xf32, #tpu.memory_space<vmem_shared>> -> memref<10240x128xf32, #tpu.memory_space<vmem_shared>>
      tpu.wait_indirect_dma semaphore(%run_scoped3A_382 : memref<!tpu.dma_semaphore, #tpu.memory_space<semaphore_mem>>) src(%arg8 : memref<128x128xf32, #tpu.memory_space<vmem>>) dst(%dma_wait3A_394 : memref<10240x128xf32, #tpu.memory_space<vmem_shared>>)
      tpu.yield
    }) : () -> ()
    %dma_wait3A_367 = arith.constant 0 : i32
    %dma_wait3A_368 = arith.constant 0 : i32
    %dma_wait3A_369 = arith.constant 1920 : i32
    %dma_wait3A_370 = tpu.memref_slice %arg7[%dma_wait3A_367, %dma_wait3A_368, %dma_wait3A_369] : memref<2x2x2048xi32, #tpu.memory_space<vmem>> -> memref<1x1x128xi32, #tpu.memory_space<vmem>>
    %dma_wait3A_371 = tpu.memref_squeeze %dma_wait3A_370 : memref<1x1x128xi32, #tpu.memory_space<vmem>> -> memref<128xi32, #tpu.memory_space<vmem>>
    %dma_wait3A_372 = arith.constant 0 : i32
    %dma_wait3A_373 = arith.constant 0 : i32
    %dma_wait3A_374 = tpu.memref_slice %arg2[%dma_wait3A_372, %dma_wait3A_373] : memref<10000x128xf32, #tpu.memory_space<hbm>> -> memref<10000x128xf32, #tpu.memory_space<hbm>>
    tpu.wait_indirect_dma semaphore(%arg12 : memref<!tpu.dma_semaphore, #tpu.memory_space<semaphore_mem>>) src(%dma_wait3A_374 : memref<10000x128xf32, #tpu.memory_space<hbm>>) dst(%arg9 : memref<128x128xf32, #tpu.memory_space<vmem>>)
    %run_scoped3A_375 = arith.constant 0 : i32
    %run_scoped3A_376 = arith.constant 1 : i32
    "tpu.region"() ({
      %run_scoped3A_382 = tpu.sem_alloc : memref<!tpu.dma_semaphore, #tpu.memory_space<semaphore_mem>>
      %dma_start3A_383 = arith.constant 1920 : i32
      %dma_start3A_384 = tpu.memref_slice %arg7[%run_scoped3A_375, %run_scoped3A_376, %dma_start3A_383] : memref<2x2x2048xi32, #tpu.memory_space<vmem>> -> memref<1x1x128xi32, #tpu.memory_space<vmem>>
      %dma_start3A_385 = tpu.memref_squeeze %dma_start3A_384 : memref<1x1x128xi32, #tpu.memory_space<vmem>> -> memref<128xi32, #tpu.memory_space<vmem>>
      %dma_start3A_386 = arith.constant 0 : i32
      %dma_start3A_387 = arith.constant 0 : i32
      %dma_start3A_388 = tpu.memref_slice %arg10[%dma_start3A_386, %dma_start3A_387] : memref<10240x128xf32, #tpu.memory_space<vmem_shared>> -> memref<10240x128xf32, #tpu.memory_space<vmem_shared>>
      tpu.enqueue_indirect_dma source(%arg9 : memref<128x128xf32, #tpu.memory_space<vmem>>) target(%dma_start3A_388 : memref<10240x128xf32, #tpu.memory_space<vmem_shared>>) offsets(%dma_start3A_385 : memref<128xi32, #tpu.memory_space<vmem>>) semaphore(%run_scoped3A_382 : memref<!tpu.dma_semaphore, #tpu.memory_space<semaphore_mem>>) {add = true}
      %dma_wait3A_389 = arith.constant 1920 : i32
      %dma_wait3A_390 = tpu.memref_slice %arg7[%run_scoped3A_375, %run_scoped3A_376, %dma_wait3A_389] : memref<2x2x2048xi32, #tpu.memory_space<vmem>> -> memref<1x1x128xi32, #tpu.memory_space<vmem>>
      %dma_wait3A_391 = tpu.memref_squeeze %dma_wait3A_390 : memref<1x1x128xi32, #tpu.memory_space<vmem>> -> memref<128xi32, #tpu.memory_space<vmem>>
      %dma_wait3A_392 = arith.constant 0 : i32
      %dma_wait3A_393 = arith.constant 0 : i32
      %dma_wait3A_394 = tpu.memref_slice %arg10[%dma_wait3A_392, %dma_wait3A_393] : memref<10240x128xf32, #tpu.memory_space<vmem_shared>> -> memref<10240x128xf32, #tpu.memory_space<vmem_shared>>
      tpu.wait_indirect_dma semaphore(%run_scoped3A_382 : memref<!tpu.dma_semaphore, #tpu.memory_space<semaphore_mem>>) src(%arg9 : memref<128x128xf32, #tpu.memory_space<vmem>>) dst(%dma_wait3A_394 : memref<10240x128xf32, #tpu.memory_space<vmem_shared>>)
      tpu.yield
    }) : () -> ()
    %barrier3A_377 = arith.constant 0 : index
    tpu.barrier barrier_id(%barrier3A_377)
    %mul3A_378 = arith.constant 640 : i32
    %mul3A_379 = arith.muli %arg1, %mul3A_378 : i32
    %mul3A_380 = arith.constant 640 : i32
    %mul3A_381 = arith.muli %arg1, %mul3A_380 : i32
    "tpu.region"() ({
      %run_scoped3A_382 = tpu.sem_alloc : memref<!tpu.dma_semaphore, #tpu.memory_space<semaphore_mem>>
      %dma_start3A_383 = arith.constant 0 : i32
      %dma_start3A_384 = tpu.memref_slice %arg6[%arg0, %mul3A_381, %dma_start3A_383] : memref<2x10240x128xf32, #tpu.memory_space<hbm>> -> memref<1x640x128xf32, #tpu.memory_space<hbm>>
      %dma_start3A_385 = tpu.memref_squeeze %dma_start3A_384 : memref<1x640x128xf32, #tpu.memory_space<hbm>> -> memref<640x128xf32, #tpu.memory_space<hbm>>
      %dma_start3A_386 = arith.constant 0 : i32
      %dma_start3A_387 = tpu.memref_slice %arg10[%mul3A_379, %dma_start3A_386] : memref<10240x128xf32, #tpu.memory_space<vmem_shared>> -> memref<640x128xf32, #tpu.memory_space<vmem_shared>>
      tpu.enqueue_dma source(%dma_start3A_387 : memref<640x128xf32, #tpu.memory_space<vmem_shared>>) target(%dma_start3A_385 : memref<640x128xf32, #tpu.memory_space<hbm>>) target_semaphore(%run_scoped3A_382 : memref<!tpu.dma_semaphore, #tpu.memory_space<semaphore_mem>>)
      %dma_wait3A_388 = arith.constant 0 : i32
      %dma_wait3A_389 = tpu.memref_slice %arg6[%arg0, %mul3A_381, %dma_wait3A_388] : memref<2x10240x128xf32, #tpu.memory_space<hbm>> -> memref<1x640x128xf32, #tpu.memory_space<hbm>>
      %dma_wait3A_390 = tpu.memref_squeeze %dma_wait3A_389 : memref<1x640x128xf32, #tpu.memory_space<hbm>> -> memref<640x128xf32, #tpu.memory_space<hbm>>
      %dma_wait3A_391 = arith.constant 0 : i32
      %dma_wait3A_392 = tpu.memref_slice %arg10[%mul3A_379, %dma_wait3A_391] : memref<10240x128xf32, #tpu.memory_space<vmem_shared>> -> memref<640x128xf32, #tpu.memory_space<vmem_shared>>
      tpu.wait_dma2 semaphore(%run_scoped3A_382 : memref<!tpu.dma_semaphore, #tpu.memory_space<semaphore_mem>>) src(%dma_wait3A_392 : memref<640x128xf32, #tpu.memory_space<vmem_shared>>) dst(%dma_wait3A_390 : memref<640x128xf32, #tpu.memory_space<hbm>>)
      tpu.yield
    }) : () -> ()
    return
  }
}

module attributes {stable_mosaic.version = 14 : i64} {
  func.func @body(%arg0: memref<10000x128xf32, #tpu.memory_space<vmem>>, %arg1: memref<2x10240x128xf32, #tpu.memory_space<vmem>>, %arg2: memref<128x128xf32, #tpu.memory_space<vmem>>, %arg3: memref<1x128xf32, #tpu.memory_space<vmem>>, %arg4: memref<128x128xf32, #tpu.memory_space<vmem>>, %arg5: memref<1x128xf32, #tpu.memory_space<vmem>>, %arg6: memref<1x128xf32, #tpu.memory_space<vmem>>, %arg7: memref<1x128xf32, #tpu.memory_space<vmem>>, %arg8: memref<10000x128xf32, #tpu.memory_space<vmem>>) attributes {dimension_semantics = [], scalar_prefetch = 0 : i64, scratch_operands = 0 : i64, tpu.core_type = #tpu.core_type<tc>} {
    %get3A = arith.constant 0 : index
    %get3A_0 = arith.constant 0 : index
    %get3A_1 = vector.load %arg0[%get3A, %get3A_0] : memref<10000x128xf32, #tpu.memory_space<vmem>>, vector<10000x128xf32>
    %get3A_2 = arith.constant 0 : index
    %get3A_3 = arith.constant 0 : index
    %get3A_4 = arith.constant 0 : index
    %get3A_5 = vector.load %arg1[%get3A_2, %get3A_3, %get3A_4] : memref<2x10240x128xf32, #tpu.memory_space<vmem>>, vector<1x10000x128xf32>
    %get3A_6 = vector.shape_cast %get3A_5 : vector<1x10000x128xf32> to vector<10000x128xf32>
    %add3A = arith.addf %get3A_1, %get3A_6 : vector<10000x128xf32>
    %get3A_7 = arith.constant 1 : index
    %get3A_8 = arith.constant 0 : index
    %get3A_9 = arith.constant 0 : index
    %get3A_10 = vector.load %arg1[%get3A_7, %get3A_8, %get3A_9] : memref<2x10240x128xf32, #tpu.memory_space<vmem>>, vector<1x10000x128xf32>
    %get3A_11 = vector.shape_cast %get3A_10 : vector<1x10000x128xf32> to vector<10000x128xf32>
    %add3A_12 = arith.addf %add3A, %get3A_11 : vector<10000x128xf32>
    %get3A_13 = arith.constant 0 : index
    %get3A_14 = arith.constant 0 : index
    %get3A_15 = vector.load %arg2[%get3A_13, %get3A_14] : memref<128x128xf32, #tpu.memory_space<vmem>>, vector<128x128xf32>
    %dot_general3A = arith.constant dense<0.000000e+00> : vector<10000x128xf32>
    %dot_general3A_16 = tpu.matmul %add3A_12, %get3A_15, %dot_general3A {dimension_numbers = #tpu.dot_dimension_numbers<[1], [1], [0], [0], [0, 0, 1, 0], [], []>, precision = #tpu.contract_precision<fp32>, transpose_lhs_hint = false} : vector<10000x128xf32>, vector<128x128xf32>, vector<10000x128xf32> -> vector<10000x128xf32>
    %get3A_17 = arith.constant 0 : index
    %get3A_18 = arith.constant 0 : index
    %get3A_19 = vector.load %arg3[%get3A_17, %get3A_18] : memref<1x128xf32, #tpu.memory_space<vmem>>, vector<1x128xf32>
    %add3A_20 = vector.broadcast %get3A_19 : vector<1x128xf32> to vector<10000x128xf32>
    %add3A_21 = arith.addf %dot_general3A_16, %add3A_20 : vector<10000x128xf32>
    %max3A = arith.constant 0.000000e+00 : f32
    %max3A_22 = vector.broadcast %max3A : f32 to vector<10000x128xf32>
    %max3A_23 = arith.maximumf %add3A_21, %max3A_22 : vector<10000x128xf32>
    %get3A_24 = arith.constant 0 : index
    %get3A_25 = arith.constant 0 : index
    %get3A_26 = vector.load %arg4[%get3A_24, %get3A_25] : memref<128x128xf32, #tpu.memory_space<vmem>>, vector<128x128xf32>
    %dot_general3A_27 = arith.constant dense<0.000000e+00> : vector<10000x128xf32>
    %dot_general3A_28 = tpu.matmul %max3A_23, %get3A_26, %dot_general3A_27 {dimension_numbers = #tpu.dot_dimension_numbers<[1], [1], [0], [0], [0, 0, 1, 0], [], []>, precision = #tpu.contract_precision<fp32>, transpose_lhs_hint = false} : vector<10000x128xf32>, vector<128x128xf32>, vector<10000x128xf32> -> vector<10000x128xf32>
    %get3A_29 = arith.constant 0 : index
    %get3A_30 = arith.constant 0 : index
    %get3A_31 = vector.load %arg5[%get3A_29, %get3A_30] : memref<1x128xf32, #tpu.memory_space<vmem>>, vector<1x128xf32>
    %add3A_32 = vector.broadcast %get3A_31 : vector<1x128xf32> to vector<10000x128xf32>
    %add3A_33 = arith.addf %dot_general3A_28, %add3A_32 : vector<10000x128xf32>
    %max3A_34 = arith.constant 0.000000e+00 : f32
    %max3A_35 = vector.broadcast %max3A_34 : f32 to vector<10000x128xf32>
    %max3A_36 = arith.maximumf %add3A_33, %max3A_35 : vector<10000x128xf32>
    %reduce_sum3A = arith.constant dense<0.000000e+00> : vector<128xf32>
    %reduce_sum3A_37 = vector.multi_reduction <add>, %max3A_36, %reduce_sum3A [0] : vector<10000x128xf32> to vector<128xf32>
    %broadcast_in_dim3A = vector.shape_cast %reduce_sum3A_37 : vector<128xf32> to vector<1x128xf32>
    %div3A = arith.constant 1.000000e+04 : f32
    %div3A_38 = vector.broadcast %div3A : f32 to vector<1x128xf32>
    %div3A_39 = arith.divf %broadcast_in_dim3A, %div3A_38 : vector<1x128xf32>
    %mul3A = arith.mulf %max3A_36, %max3A_36 : vector<10000x128xf32>
    %reduce_sum3A_40 = arith.constant dense<0.000000e+00> : vector<128xf32>
    %reduce_sum3A_41 = vector.multi_reduction <add>, %mul3A, %reduce_sum3A_40 [0] : vector<10000x128xf32> to vector<128xf32>
    %broadcast_in_dim3A_42 = vector.shape_cast %reduce_sum3A_41 : vector<128xf32> to vector<1x128xf32>
    %div3A_43 = arith.constant 1.000000e+04 : f32
    %div3A_44 = vector.broadcast %div3A_43 : f32 to vector<1x128xf32>
    %div3A_45 = arith.divf %broadcast_in_dim3A_42, %div3A_44 : vector<1x128xf32>
    %mul3A_46 = arith.mulf %div3A_39, %div3A_39 : vector<1x128xf32>
    %sub3A = arith.subf %div3A_45, %mul3A_46 : vector<1x128xf32>
    %add3A_47 = arith.constant 9.99999974E-6 : f32
    %add3A_48 = vector.broadcast %add3A_47 : f32 to vector<1x128xf32>
    %add3A_49 = arith.addf %sub3A, %add3A_48 : vector<1x128xf32>
    %rsqrt3A = math.rsqrt %add3A_49 : vector<1x128xf32>
    %sub3A_50 = vector.broadcast %div3A_39 : vector<1x128xf32> to vector<10000x128xf32>
    %sub3A_51 = arith.subf %max3A_36, %sub3A_50 : vector<10000x128xf32>
    %mul3A_52 = vector.broadcast %rsqrt3A : vector<1x128xf32> to vector<10000x128xf32>
    %mul3A_53 = arith.mulf %sub3A_51, %mul3A_52 : vector<10000x128xf32>
    %get3A_54 = arith.constant 0 : index
    %get3A_55 = arith.constant 0 : index
    %get3A_56 = vector.load %arg6[%get3A_54, %get3A_55] : memref<1x128xf32, #tpu.memory_space<vmem>>, vector<1x128xf32>
    %mul3A_57 = vector.broadcast %get3A_56 : vector<1x128xf32> to vector<10000x128xf32>
    %mul3A_58 = arith.mulf %mul3A_53, %mul3A_57 : vector<10000x128xf32>
    %get3A_59 = arith.constant 0 : index
    %get3A_60 = arith.constant 0 : index
    %get3A_61 = vector.load %arg7[%get3A_59, %get3A_60] : memref<1x128xf32, #tpu.memory_space<vmem>>, vector<1x128xf32>
    %add3A_62 = vector.broadcast %get3A_61 : vector<1x128xf32> to vector<10000x128xf32>
    %add3A_63 = arith.addf %mul3A_58, %add3A_62 : vector<10000x128xf32>
    %swap3A = arith.constant 0 : index
    %swap3A_64 = arith.constant 0 : index
    %swap3A_65 = vector.load %arg8[%swap3A, %swap3A_64] : memref<10000x128xf32, #tpu.memory_space<vmem>>, vector<10000x128xf32>
    tpu.vector_store %arg8[%swap3A, %swap3A_64], %add3A_63 {strides = array<i32>} : memref<10000x128xf32, #tpu.memory_space<vmem>>, vector<10000x128xf32>,
    return
  }
}

</mosaic_0001>

<sc_bundles>
// kernel: kernel.4.cloned.1.call-start
scs
__scs_entry_jumppad:
0x0: {  	(pc) =	sbr.rel $0x88, $3  }
0x1: {  	(tag) =	ssettag $0x0;
	lr =	simm.s32 $0x1  }
0x2: {  	[smem:$0x3F99] =	sst lr;
	_ =	strace $0xD0000000  }
0x3: {  	_ = 	snop  }
0x4: {  	_ = 	snop  }
0x5: {  	_ = 	snop  }
0x6: {  	_ = 	snop  }
0x7: {  	_ = 	snop  }
__scs_overlays_trampoline_lowered:
0x8: {  	[smem:$0x3FA8] =	sst s0  }
0x9: {  	[smem:$0x3FA9] =	sst s1  }
0xa: {  	[smem:$0x3FAA] =	sst s2  }
0xb: {  	[smem:$0x3FAB] =	sst s3  }
0xc: {  	[smem:$0x3FAC] =	sst s4  }
0xd: {  	[smem:$0x3FAD] =	sst s5  }
0xe: {  	[smem:$0x3FAE] =	sst s6  }
0xf: {  	[smem:$0x3FAF] =	sst s7  }
0x10: {  	[smem:$0x3FB0] =	sst s8  }
0x11: {  	[smem:$0x3FB1] =	sst s9;
	s0 =	simm.s32 @!p0 $0x0  }
0x12: {  	s1 =	sld [smem:$0x3F97];
	s0 =	simm.s32 @p0 $0x1  }
0x13: {  	[smem:$0x3FB2] =	sst s0;
	s0 =	simm.s32 @!p1 $0x0  }
0x14: {  	s2 =	sld [smem:$0x3F96];
	s0 =	simm.s32 @p1 $0x1  }
0x15: {  	[smem:$0x3FB3] =	sst s0;
	s0 =	simm.s32 @!p2 $0x0  }
0x16: {  	s3 =	sld [smem:$0x3FDB];
	s0 =	simm.s32 @p2 $0x1  }
0x17: {  	s4 =	simm.s32 $0x1BF5;
	[smem:$0x3FB5] =	sst s0  }
0x18: {  	s0 =	sld [smem:$0x3F98];
	_ =	swait.ge [sflag:s4], $0x0  }
0x19: {  	s7 =	sld [smem:$0x3F99]  }
0x1a: {  	s8 =	sadd.s32 $0xFFFFE003, lr  }
0x1b: {  	s9 =	sadd.s32 $0xFFFFFEF7, lr;
	s5 =	simm.s32 $0xFFFFFFFF;
	p2 =	slt.u32 s8, $0xFFFFF086  }
0x1c: {  	p1 =	slt.u32 s9, $0xF7A;
	s5 =	simm.s32 @!p2 $0x0  }
0x1d: {  	s5 =	simm.s32 @p1 $0x1;
	p0 =	seq.s32 s7, s2  }
0x1e: {  	s7 =	smul.u32 @!p0 $0xF7A, s2;
	p2 =	seq.s32 @!p0 s5, $0x0  }
0x1f: {  	s9 =	smul.u32 $0xF7A, s1;
	s8 =	simm.s32 @!p0 $0x1BF5;
	p2 =	por !p2, p0  }
0x20: {  	[sflag:s8] =	ssyncset.s32 @!p0 $0xFFFFF086;
	s6 =	sadd.s32 @!p0 s3, s7;
	s7 =	simm.s32 @!p0 $0x108  }
0x21: {  	s3 =	sadd.s32 s3, s9;
	s6 =	sadd.s32 @!p0 $0x88, s6;
	s7 =	simm.s32 @p2 $0x1082  }
0x22: {  	[simem:s7], [sflag:s8] =	dma.local @!p0 [hbm:s6], $0xF7A  }
0x23: {  	s9 =	sor.u32 $0xD0000000, s2;
	s6 =	simm.s32 $0x108;
	_ =	swait.ge @!p0 [sflag:s8], $0x0  }
0x24: {  	s3 =	sadd.s32 $0x88, s3;
	s6 =	simm.s32 @!p1 $0x1082;
	[sflag:s4] =	ssyncset.s32 $0xFFFFF086  }
0x25: {  	[simem:s6], [sflag:s4] =	dma.local [hbm:s3], $0xF7A  }
0x26: {  	[smem:$0x3F99] =	sst s1;
	(tag) =	ssettag s2;
	_ =	strace s9  }
0x27: {  	s1 =	sld [smem:$0x3FA9]  }
0x28: {  	s2 =	sld [smem:$0x3FAA]  }
0x29: {  	s4 =	sld [smem:$0x3FAC]  }
0x2a: {  	p0 =	seq.s32 s5, $0x0;
	s5 =	sld [smem:$0x3FAD]  }
0x2b: {  	s6 =	sld [smem:$0x3FAE]  }
0x2c: {  	s7 =	sld [smem:$0x3FAF]  }
0x2d: {  	s3 =	simm.s32 $0x108;
	s8 =	sld [smem:$0x3FB0]  }
0x2e: {  	s3 =	simm.s32 @!p0 $0x1082;
	s9 =	sld [smem:$0x3FB1]  }
0x2f: {  	lr =	sadd.s32 s0, s3;
	s0 =	sld [smem:$0x3FA8]  }
0x30: {  	s3 =	sld [smem:$0x3FAB]  }
0x31: {  	[smem:$0x3FB4] =	sst s10  }
0x32: {  	s10 =	sld [smem:$0x3FB2];
	_ =	sdelay $0x3  }
0x33: {  	p0 =	seq.s32 s10, $0x1;
	s10 =	sld [smem:$0x3FB4];
	_ =	sdelay $0x3  }
0x34: {  	[smem:$0x3FB4] =	sst s10  }
0x35: {  	s10 =	sld [smem:$0x3FB3];
	_ =	sdelay $0x3  }
0x36: {  	p1 =	seq.s32 s10, $0x1;
	s10 =	sld [smem:$0x3FB4];
	_ =	sdelay $0x3  }
0x37: {  	[smem:$0x3FB4] =	sst s10  }
0x38: {  	s10 =	sld [smem:$0x3FB5]  }
0x39: {  	_ = 	snop;
	(pc) =	sbr.ind lr, $3  }
0x3a: {  	_ = 	snop  }
0x3b: {  	_ = 	snop  }
0x3c: {  	p2 =	seq.s32 s10, $0x1;
	s10 =	sld [smem:$0x3FB4]  }
0x3d: {  	_ =	shalt  }
0x3e: {  	_ =	shalt  }
0x3f: {  	_ =	shalt  }
0x40: {  	_ =	shalt  }
0x41: {  	_ =	shalt  }
0x42: {  	_ =	shalt  }
0x43: {  	_ =	shalt  }
0x44: {  	_ =	shalt  }
0x45: {  	_ =	shalt  }
0x46: {  	_ =	shalt  }
0x47: {  	_ =	shalt  }
0x48: {  	_ =	shalt  }
0x49: {  	_ =	shalt  }
0x4a: {  	_ =	shalt  }
0x4b: {  	_ =	shalt  }
0x4c: {  	_ =	shalt  }
0x4d: {  	_ =	shalt  }
0x4e: {  	_ =	shalt  }
0x4f: {  	_ =	shalt  }
0x50: {  	_ =	shalt  }
0x51: {  	_ =	shalt  }
0x52: {  	_ =	shalt  }
0x53: {  	_ =	shalt  }
0x54: {  	_ =	shalt  }
0x55: {  	_ =	shalt  }
0x56: {  	_ =	shalt  }
0x57: {  	_ =	shalt  }
0x58: {  	_ =	shalt  }
0x59: {  	_ =	shalt  }
0x5a: {  	_ =	shalt  }
0x5b: {  	_ =	shalt  }
0x5c: {  	_ =	shalt  }
0x5d: {  	_ =	shalt  }
0x5e: {  	_ =	shalt  }
0x5f: {  	_ =	shalt  }
0x60: {  	_ =	shalt  }
0x61: {  	_ =	shalt  }
0x62: {  	_ =	shalt  }
0x63: {  	_ =	shalt  }
0x64: {  	_ =	shalt  }
0x65: {  	_ =	shalt  }
0x66: {  	_ =	shalt  }
0x67: {  	_ =	shalt  }
0x68: {  	_ =	shalt  }
0x69: {  	_ =	shalt  }
0x6a: {  	_ =	shalt  }
0x6b: {  	_ =	shalt  }
0x6c: {  	_ =	shalt  }
0x6d: {  	_ =	shalt  }
0x6e: {  	_ =	shalt  }
0x6f: {  	_ =	shalt  }
0x70: {  	_ =	shalt  }
0x71: {  	_ =	shalt  }
0x72: {  	_ =	shalt  }
0x73: {  	_ =	shalt  }
0x74: {  	_ =	shalt  }
0x75: {  	_ =	shalt  }
0x76: {  	_ =	shalt  }
0x77: {  	_ =	shalt  }
0x78: {  	_ =	shalt  }
0x79: {  	_ =	shalt  }
0x7a: {  	_ =	shalt  }
0x7b: {  	_ =	shalt  }
0x7c: {  	_ =	shalt  }
0x7d: {  	_ =	shalt  }
0x7e: {  	_ =	shalt  }
0x7f: {  	_ =	shalt  }
0x80: {  	_ =	shalt  }
0x81: {  	_ =	shalt  }
0x82: {  	_ =	shalt  }
0x83: {  	_ =	shalt  }
0x84: {  	_ =	shalt  }
0x85: {  	_ =	shalt  }
0x86: {  	_ =	shalt  }
0x87: {  	_ =	shalt  }
.Lfunc_end0:
.L_simem_size_0:
called_computation_lowered:
.L_overlay_start_0:
0x88: {  	s2 =	sld [smem:$0x3FD9]  }
0x89: {  	s3 =	sld [smem:$0x3FFE];
	_ =	sdelay $0x1  }
0x8a: {  	s1 =	srdreg.scid  }
0x8b: {  	s0 =	sand.u32 $0x1, s1  }
0x8c: {  	s17 =	sshll.u32 s0, $0xA;
	s2 =	sadd.s32 s3, s2  }
0x8d: {  	s2 =	sadd.s32 s2, s17  }
0x8e: {  	[smem:$0x3FC0] =	sst s2  }
0x8f: {  	_ = 	snop  }
0x90: {  	s2 =	sld [smem:$0x3FC9]  }
0x91: {  	s18 =	sld [smem:$0x3FC8]  }
0x92: {  	s4 =	sld [smem:$0x3FD0];
	(tm) =	ssettm $0x1  }
0x93: {  	s5 =	sld [smem:$0x3FFB];
	_ =	sdelay $0x3  }
0x94: {  	_ =	strace s5  }
0x95: {  	s5 =	sld [smem:$0x3FFC];
	_ =	sdelay $0x3  }
0x96: {  	_ =	strace s5  }
0x97: {  	s5 =	sld [smem:$0x3FFD];
	_ =	sdelay $0x3  }
0x98: {  	_ =	strace s5  }
0x99: {  	_ =	strace $0x8FFFFFFF  }
0x9a: {  	s19 =	sld [smem:$0x3FDB];
	_ =	sdelay $0x1  }
0x9b: {  	s6 =	simm.s32 $_scs_section_size  }
0x9c: {  	s7 =	simm.s32 $_size__tile_overlayer_lowered;
	s8 =	simm.s32 $_tile_overlayer_lowered  }
0x9d: {  	s22 =	simm.s32 $0x1BFF;
	s21 =	sshll.u32 s8, $0x1;
	s5 =	sadd.s32 s6, s19  }
0x9e: {  	s9 =	simm.s32 $0x0;
	s20 =	sshll.u32 s7, $0x1;
	s7 =	sadd.s32 s21, s5  }
0x9f: {  	[timem:s9], [sflag:s22] =	dma.local [hbm:s7], s20  }
0xa0: {  	_ =	swait.ge [sflag:s22], s20  }
0xa1: {  	s6 =	ssub.s32 $0x0, s20;
	[sflag:s22] =	ssyncset.done $0x0  }
0xa2: {  	[sflag:s22] =	ssyncadd.s32 s6;
	_ =	sdelay $0x1  }
0xa3: {  	s23 =	simm.s32 $0x1B8B  }
0xa4: {  	_ =	swait.ge [sflag:s23], $0x1  }
0xa5: {  	[sflag:s23] =	ssyncset.done $0x0  }
0xa6: {  	s25 =	simm.s32 $0x1B8E;
	s24 =	sld [smem:$0x3FFE];
	[sflag:s23] =	ssyncadd.s32 $0xFFFFFFFF  }
0xa7: {  	s26 =	simm.s32 $execute0_lowered;
	[smem:$0x3FD2] =	sst s25  }
0xa8: {  	s7 =	sshll.u32 s26, $0x1;
	_ =	strace $0x80000046;
	[dreg:$0x1] =	wrdreg $0xFFFFFFFF  }
0xa9: {  	s28 =	simm.s32 $_size_execute0_lowered;
	s5 =	sadd.s32 s5, s7;
	[dreg:$0x0] =	wrdreg $0x0  }
0xaa: {  	s7 =	sshll.u32 s28, $0x1;
	[dreg:$0x2] =	wrdreg s5  }
0xab: {  	[dreg:$0x3] =	wrdreg s7  }
0xac: {  	[dreg:$0x4] =	wrdreg $0xC0  }
0xad: {  	_ =	task [dreg:s9], $0x5FFFF  }
0xae: {  	[dreg:$0x1] =	wrdreg $0xFFFFFFFF  }
0xaf: {  	[dreg:$0x0] =	wrdreg $0x60  }
0xb0: {  	[dreg:$0x2] =	wrdreg s2  }
0xb1: {  	[dreg:$0x3] =	wrdreg s18  }
0xb2: {  	[dreg:$0x4] =	wrdreg s4  }
0xb3: {  	[dreg:$0x5] =	wrdreg s24  }
0xb4: {  	[dreg:$0x6] =	wrdreg $0xA0000  }
0xb5: {  	[dreg:$0x7] =	wrdreg $0x9  }
0xb6: {  	_ =	task.clear_ibuf [dreg:s9], $0x8FFFF;
	_ =	strace $0x90000046  }
0xb7: {  	s29 =	simm.s32 $0x9;
	_ =	strace $0x80000048  }
0xb8: {  	_ =	swait.ge [sflag:s29], $0x1  }
0xb9: {  	[sflag:s29] =	ssyncadd.s32 $0xFFFFFFFF  }
0xba: {  	_ =	strace $0x90000048  }
0xbb: {  	_ =	sfence  }
0xbc: {  	s30 =	sld [smem:$0x0];
	_ =	sdelay $0x2  }
0xbd: {  	s31 =	sshll.u32 s1, $0xD;
	s1 =	sshrl.u32 s1, $0x2  }
0xbe: {  	s3 =	sand.u32 $0x4000, s31;
	s1 =	sadd.s32 s1, s30  }
0xbf: {  	s0 =	sor.u32 s3, s0;
	s1 =	sshll.u32 s1, $0x11  }
0xc0: {  	s0 =	sor.u32 s1, s0  }
0xc1: {  	s0 =	sadd.s32 $0x8F2B, s0  }
0xc2: {  	[sflag:s0] =	ssyncadd.remote.s32 $0x1  }
0xc3: {  	_ =	sfence.sel $0xFFFF  }
0xc4: {  	[dreg:$0x0] =	wrdreg $0xFFFFFFFF;
	(pc) =	sbr.abs _section_cstart, $3  }
0xc5: {  	[dreg:$0x1] =	wrdreg $0xFFFFFFFF  }
0xc6: {  	_ =	task.clear_ibuf [dreg:s9], $0x2FFFF;
	_ =	strace $0x9FFFFFFF  }
0xc7: {  	(tm) =	ssettm $0x7FFFFFFF  }
tec
execute0_lowered:
.L_overlay_start_1:
0x0: {  	(tag) =	ssettag $0x1  }
0x1: {  	s1 =	rddreg [dreg:$0x0]  }
0x2: {  	s0 =	rddreg [dreg:$0x1]  }
0x3: {  	s2 =	rddreg [dreg:$0x2]  }
0x4: {  	s5 =	rddreg [dreg:$0x3]  }
0x5: {  	s3 =	rddreg [dreg:$0x4];
	s4 =	stileid.u32  }
0x6: {  	s6 =	srdreg.scid;
	s30 =	simm.s32 $0x0;
	s8 =	smul.u32 $0x14000, s4  }
0x7: {  	s7 =	sand.u32 $0x1, s6;
	[smem:$0x7FF] =	sst s30;
	s22 =	smul.u32 $0x50000, s4  }
0x8: {  	[dreg:$0x14] =	wrdreg s7;
	s6 =	smul.u32 $0x140000, s7;
	s7 =	sshll.u32 s7, $0x4  }
0x9: {  	s10 =	sadd.s32 $0x1600, s5;
	s7 =	sor.u32 s4, s7;
	_ =	strace $0x80000047  }
0xa: {  	[dreg:$0x6] =	wrdreg s10;
	s24 =	sshrl.u32 s22, $0x2;
	s9 =	smul.u32 $0xA00, s7  }
0xb: {  	s6 =	sadd.s32 s8, s6;
	s29 =	sadd.s32 s24, s3;
	p0 =	seq.s32 s7, $0x1F  }
0xc: {  	s7 =	sadd.s32 $0x400, s2;
	s4 =	rddreg [dreg:$0x6];
	s25 =	sadd.s32 $0x4000, s29  }
0xd: {  	s6 =	sshrl.u32 s6, $0x3;
	s26 =	sadd.s32 $0x8000, s29;
	[dreg:$0x8] =	wrdreg s25  }
0xe: {  	s28 =	sadd.s32 $0xC000, s29;
	s31 =	sadd.s32 $0x10000, s29;
	[dreg:$0x9] =	wrdreg s26  }
0xf: {  	s5 =	sadd.s32 s6, s5;
	s23 =	sadd.s32 s0, s9;
	[dreg:$0xa] =	wrdreg s28  }
0x10: {  	s9 =	sadd.s32 $0x600, s2;
	[dreg:$0xb] =	wrdreg s31;
	s0 =	sadd.s32 $0x400, s23  }
0x11: {  	s5 =	sadd.s32 $0x1E00, s5;
	s8 =	sadd.s32 $0x800, s23;
	[dreg:$0x10] =	wrdreg s23  }
0x12: {  	[tilespmem:s30], [sflag:$0x3] =	stream.linear.gather [hbm4b:s23+s30], $0x1000, $0x38;
	[tilespmem:$0x1E000] =	vst v63  }
0x13: {  	s6 =	sadd.s32 $0x600, s23;
	[dreg:$0x7] =	wrdreg s5;
	s8 =	smov.u32 @p0 s9  }
0x14: {  	s5 =	sadd.s32 $0x200, s2;
	s6 =	smov.u32 @p0 s7;
	[dreg:$0xc] =	wrdreg s8  }
0x15: {  	[dreg:$0xd] =	wrdreg s6;
	s0 =	smov.u32 @p0 s5;
	s5 =	sadd.s32 $0x200, s23  }
0x16: {  	s8 =	simm.s32 $0x2000;
	[dreg:$0xe] =	wrdreg s0;
	s5 =	smov.u32 @p0 s2  }
0x17: {  	[tilespmem:s8], [sflag:$0x5] =	stream.linear.gather [hbm4b:s4+s30], $0x4000, $0x38;
	[tilespmem:$0x1E000] =	vst v63  }
0x18: {  	s7 =	simm.s32 $0x5;
	[dreg:$0xf] =	wrdreg s5  }
0x19: {  	_ =	swait.ge [sflag:s7], $0x4000  }
0x1a: {  	[sflag:s7] =	ssyncset.done $0x0  }
0x1b: {  	[sflag:s7] =	ssyncadd.s32 $0xFFFFC000  }
0x1c: {  	[spmem:s29] =	stream.linear.scatter [tilespmem:s8], [sflag:$0x5], $0x4000, $0x38;
	[tilespmem:$0x1E000] =	vst v63  }
0x1d: {  	_ =	swait.ge [sflag:s7], $0x4000  }
0x1e: {  	[sflag:s7] =	ssyncset.done $0x0  }
0x1f: {  	s5 =	rddreg [dreg:$0x8];
	[sflag:s7] =	ssyncadd.s32 $0xFFFFC000  }
0x20: {  	[spmem:s5] =	stream.linear.scatter [tilespmem:s8], [sflag:$0x5], $0x4000, $0x38;
	[tilespmem:$0x1E000] =	vst v63  }
0x21: {  	_ =	swait.ge [sflag:s7], $0x4000  }
0x22: {  	[sflag:s7] =	ssyncset.done $0x0  }
0x23: {  	s6 =	rddreg [dreg:$0x9];
	[sflag:s7] =	ssyncadd.s32 $0xFFFFC000  }
0x24: {  	[spmem:s6] =	stream.linear.scatter [tilespmem:s8], [sflag:$0x5], $0x4000, $0x38;
	[tilespmem:$0x1E000] =	vst v63  }
0x25: {  	_ =	swait.ge [sflag:s7], $0x4000  }
0x26: {  	[sflag:s7] =	ssyncset.done $0x0  }
0x27: {  	s9 =	rddreg [dreg:$0xa];
	[sflag:s7] =	ssyncadd.s32 $0xFFFFC000  }
0x28: {  	[spmem:s9] =	stream.linear.scatter [tilespmem:s8], [sflag:$0x5], $0x4000, $0x38;
	[tilespmem:$0x1E000] =	vst v63  }
0x29: {  	_ =	swait.ge [sflag:s7], $0x4000  }
0x2a: {  	[sflag:s7] =	ssyncset.done $0x0  }
0x2b: {  	s10 =	rddreg [dreg:$0xb];
	[sflag:s7] =	ssyncadd.s32 $0xFFFFC000  }
0x2c: {  	[spmem:s10] =	stream.linear.scatter [tilespmem:s8], [sflag:$0x5], $0x4000, $0x38;
	[tilespmem:$0x1E000] =	vst v63  }
0x2d: {  	_ =	swait.ge [sflag:s7], $0x4000  }
0x2e: {  	[sflag:s7] =	ssyncset.done $0x0  }
0x2f: {  	[sflag:s7] =	ssyncadd.s32 $0xFFFFC000  }
0x30: {  	s2 =	simm.s32 $0x3;
	[bflag:$0x0] =	sbarrier.arrive $0xFFFF  }
0x31: {  	_ =	swait.ge [sflag:s2], $0x1000  }
0x32: {  	[sflag:s2] =	ssyncset.done $0x0  }
0x33: {  	s10 =	simm.s32 $0x80;
	[sflag:s2] =	ssyncadd.s32 $0xFFFFF000  }
0x34: {  	[tilespmem:s8], [sflag:$0x1] =	stream.indirect.gather [hbm4b:s1+s10], $0x80, s30, s10, $0xb8;
	[tilespmem:$0x1E000] =	vst v63  }
0x35: {  	s11 =	simm.s32 $0x100;
	s12 =	simm.s32 $0x6000;
	s13 =	rddreg [dreg:$0xf]  }
0x36: {  	[tilespmem:s12], [sflag:$0x2] =	stream.indirect.gather [hbm4b:s1+s10], $0x80, s11, s10, $0xb8;
	[tilespmem:$0x1E000] =	vst v63  }
0x37: {  	s14 =	simm.s32 $0x1;
	s23 =	simm.s32 $0x1000  }
0x38: {  	[tilespmem:s23], [sflag:$0x4] =	stream.linear.gather [hbm4b:s13+s30], $0x1000, $0x38;
	[tilespmem:$0x1E000] =	vst v63  }
0x39: {  	_ =	swait.ge [sflag:s14], $0x4000  }
0x3a: {  	[sflag:s14] =	ssyncset.done $0x0  }
0x3b: {  	[sflag:s14] =	ssyncadd.s32 $0xFFFFC000  }
0x3c: {  	[spmem:s3] =	stream.indirect.scatter.add.f32 [tilespmem:s8], [sflag:$0x5], $0x80, s10, s10, $0xb8;
	[tilespmem:$0x1E000] =	vst v63  }
0x3d: {  	_ =	swait.ge [sflag:s7], $0x4000  }
0x3e: {  	[sflag:s7] =	ssyncset.done $0x0  }
0x3f: {  	s15 =	simm.s32 $0x200;
	s16 =	simm.s32 $0x2;
	[sflag:s7] =	ssyncadd.s32 $0xFFFFC000  }
0x40: {  	[tilespmem:s8], [sflag:$0x1] =	stream.indirect.gather [hbm4b:s1+s10], $0x80, s15, s10, $0xb8;
	[tilespmem:$0x1E000] =	vst v63  }
0x41: {  	_ =	swait.ge [sflag:s16], $0x4000  }
0x42: {  	[sflag:s16] =	ssyncset.done $0x0  }
0x43: {  	s17 =	simm.s32 $0x180;
	[sflag:s16] =	ssyncadd.s32 $0xFFFFC000  }
0x44: {  	[spmem:s3] =	stream.indirect.scatter.add.f32 [tilespmem:s12], [sflag:$0x5], $0x80, s17, s10, $0xb8;
	[tilespmem:$0x1E000] =	vst v63  }
0x45: {  	_ =	swait.ge [sflag:s7], $0x4000  }
0x46: {  	[sflag:s7] =	ssyncset.done $0x0  }
0x47: {  	s18 =	simm.s32 $0x300;
	[sflag:s7] =	ssyncadd.s32 $0xFFFFC000  }
0x48: {  	[tilespmem:s12], [sflag:$0x2] =	stream.indirect.gather [hbm4b:s1+s10], $0x80, s18, s10, $0xb8;
	[tilespmem:$0x1E000] =	vst v63  }
0x49: {  	_ =	swait.ge [sflag:s14], $0x4000  }
0x4a: {  	[sflag:s14] =	ssyncset.done $0x0  }
0x4b: {  	s19 =	simm.s32 $0x280;
	[sflag:s14] =	ssyncadd.s32 $0xFFFFC000  }
0x4c: {  	[spmem:s3] =	stream.indirect.scatter.add.f32 [tilespmem:s8], [sflag:$0x5], $0x80, s19, s10, $0xb8;
	[tilespmem:$0x1E000] =	vst v63  }
0x4d: {  	_ =	swait.ge [sflag:s7], $0x4000  }
0x4e: {  	[sflag:s7] =	ssyncset.done $0x0  }
0x4f: {  	s20 =	simm.s32 $0x400;
	[sflag:s7] =	ssyncadd.s32 $0xFFFFC000  }
0x50: {  	[tilespmem:s8], [sflag:$0x1] =	stream.indirect.gather [hbm4b:s1+s10], $0x80, s20, s10, $0xb8;
	[tilespmem:$0x1E000] =	vst v63  }
0x51: {  	_ =	swait.ge [sflag:s16], $0x4000  }
0x52: {  	[sflag:s16] =	ssyncset.done $0x0  }
0x53: {  	s21 =	simm.s32 $0x380;
	[sflag:s16] =	ssyncadd.s32 $0xFFFFC000  }
0x54: {  	[spmem:s3] =	stream.indirect.scatter.add.f32 [tilespmem:s12], [sflag:$0x5], $0x80, s21, s10, $0xb8;
	[tilespmem:$0x1E000] =	vst v63  }
0x55: {  	_ =	swait.ge [sflag:s7], $0x4000  }
0x56: {  	[sflag:s7] =	ssyncset.done $0x0  }
0x57: {  	s22 =	simm.s32 $0x500;
	[sflag:s7] =	ssyncadd.s32 $0xFFFFC000  }
0x58: {  	[tilespmem:s12], [sflag:$0x2] =	stream.indirect.gather [hbm4b:s1+s10], $0x80, s22, s10, $0xb8;
	[tilespmem:$0x1E000] =	vst v63  }
0x59: {  	_ =	swait.ge [sflag:s14], $0x4000  }
0x5a: {  	[sflag:s14] =	ssyncset.done $0x0  }
0x5b: {  	s24 =	simm.s32 $0x480;
	[sflag:s14] =	ssyncadd.s32 $0xFFFFC000  }
0x5c: {  	[spmem:s3] =	stream.indirect.scatter.add.f32 [tilespmem:s8], [sflag:$0x5], $0x80, s24, s10, $0xb8;
	[tilespmem:$0x1E000] =	vst v63  }
0x5d: {  	_ =	swait.ge [sflag:s7], $0x4000  }
0x5e: {  	[sflag:s7] =	ssyncset.done $0x0  }
0x5f: {  	s25 =	simm.s32 $0x600;
	[sflag:s7] =	ssyncadd.s32 $0xFFFFC000  }
0x60: {  	[tilespmem:s8], [sflag:$0x1] =	stream.indirect.gather [hbm4b:s1+s10], $0x80, s25, s10, $0xb8;
	[tilespmem:$0x1E000] =	vst v63  }
0x61: {  	_ =	swait.ge [sflag:s16], $0x4000  }
0x62: {  	[sflag:s16] =	ssyncset.done $0x0  }
0x63: {  	s26 =	simm.s32 $0x580;
	[sflag:s16] =	ssyncadd.s32 $0xFFFFC000  }
0x64: {  	[spmem:s3] =	stream.indirect.scatter.add.f32 [tilespmem:s12], [sflag:$0x5], $0x80, s26, s10, $0xb8;
	[tilespmem:$0x1E000] =	vst v63  }
0x65: {  	_ =	swait.ge [sflag:s7], $0x4000  }
0x66: {  	[sflag:s7] =	ssyncset.done $0x0  }
0x67: {  	s28 =	simm.s32 $0x700;
	[sflag:s7] =	ssyncadd.s32 $0xFFFFC000  }
0x68: {  	[tilespmem:s12], [sflag:$0x2] =	stream.indirect.gather [hbm4b:s1+s10], $0x80, s28, s10, $0xb8;
	[tilespmem:$0x1E000] =	vst v63  }
0x69: {  	_ =	swait.ge [sflag:s14], $0x4000  }
0x6a: {  	[sflag:s14] =	ssyncset.done $0x0  }
0x6b: {  	s31 =	simm.s32 $0x680;
	[sflag:s14] =	ssyncadd.s32 $0xFFFFC000  }
0x6c: {  	[spmem:s3] =	stream.indirect.scatter.add.f32 [tilespmem:s8], [sflag:$0x5], $0x80, s31, s10, $0xb8;
	[tilespmem:$0x1E000] =	vst v63  }
0x6d: {  	_ =	swait.ge [sflag:s7], $0x4000  }
0x6e: {  	[sflag:s7] =	ssyncset.done $0x0  }
0x6f: {  	s4 =	simm.s32 $0x800;
	[sflag:s7] =	ssyncadd.s32 $0xFFFFC000  }
0x70: {  	[tilespmem:s8], [sflag:$0x1] =	stream.indirect.gather [hbm4b:s1+s10], $0x80, s4, s10, $0xb8;
	[tilespmem:$0x1E000] =	vst v63  }
0x71: {  	_ =	swait.ge [sflag:s16], $0x4000  }
0x72: {  	[sflag:s16] =	ssyncset.done $0x0  }
0x73: {  	s5 =	simm.s32 $0x780;
	[sflag:s16] =	ssyncadd.s32 $0xFFFFC000  }
0x74: {  	[spmem:s3] =	stream.indirect.scatter.add.f32 [tilespmem:s12], [sflag:$0x5], $0x80, s5, s10, $0xb8;
	[tilespmem:$0x1E000] =	vst v63  }
0x75: {  	_ =	swait.ge [sflag:s7], $0x4000  }
0x76: {  	[sflag:s7] =	ssyncset.done $0x0  }
0x77: {  	s6 =	simm.s32 $0x900;
	[sflag:s7] =	ssyncadd.s32 $0xFFFFC000  }
0x78: {  	[tilespmem:s12], [sflag:$0x2] =	stream.indirect.gather [hbm4b:s1+s10], $0x80, s6, s10, $0xb8;
	[tilespmem:$0x1E000] =	vst v63  }
0x79: {  	_ =	swait.ge [sflag:s14], $0x4000  }
0x7a: {  	[sflag:s14] =	ssyncset.done $0x0  }
0x7b: {  	s9 =	simm.s32 $0x880;
	[sflag:s14] =	ssyncadd.s32 $0xFFFFC000  }
0x7c: {  	[spmem:s3] =	stream.indirect.scatter.add.f32 [tilespmem:s8], [sflag:$0x5], $0x80, s9, s10, $0xb8;
	[tilespmem:$0x1E000] =	vst v63  }
0x7d: {  	_ =	swait.ge [sflag:s7], $0x4000  }
0x7e: {  	[sflag:s7] =	ssyncset.done $0x0  }
0x7f: {  	s11 =	simm.s32 $0xA00;
	[sflag:s7] =	ssyncadd.s32 $0xFFFFC000  }
0x80: {  	[tilespmem:s8], [sflag:$0x1] =	stream.indirect.gather [hbm4b:s1+s10], $0x80, s11, s10, $0xb8;
	[tilespmem:$0x1E000] =	vst v63  }
0x81: {  	_ =	swait.ge [sflag:s16], $0x4000  }
0x82: {  	[sflag:s16] =	ssyncset.done $0x0  }
0x83: {  	s13 =	simm.s32 $0x980;
	[sflag:s16] =	ssyncadd.s32 $0xFFFFC000  }
0x84: {  	[spmem:s3] =	stream.indirect.scatter.add.f32 [tilespmem:s12], [sflag:$0x5], $0x80, s13, s10, $0xb8;
	[tilespmem:$0x1E000] =	vst v63  }
0x85: {  	_ =	swait.ge [sflag:s7], $0x4000  }
0x86: {  	[sflag:s7] =	ssyncset.done $0x0  }
0x87: {  	s15 =	simm.s32 $0xB00;
	[sflag:s7] =	ssyncadd.s32 $0xFFFFC000  }
0x88: {  	[tilespmem:s12], [sflag:$0x2] =	stream.indirect.gather [hbm4b:s1+s10], $0x80, s15, s10, $0xb8;
	[tilespmem:$0x1E000] =	vst v63  }
0x89: {  	_ =	swait.ge [sflag:s14], $0x4000  }
0x8a: {  	[sflag:s14] =	ssyncset.done $0x0  }
0x8b: {  	s17 =	simm.s32 $0xA80;
	[sflag:s14] =	ssyncadd.s32 $0xFFFFC000  }
0x8c: {  	[spmem:s3] =	stream.indirect.scatter.add.f32 [tilespmem:s8], [sflag:$0x5], $0x80, s17, s10, $0xb8;
	[tilespmem:$0x1E000] =	vst v63  }
0x8d: {  	_ =	swait.ge [sflag:s7], $0x4000  }
0x8e: {  	[sflag:s7] =	ssyncset.done $0x0  }
0x8f: {  	s18 =	simm.s32 $0xC00;
	[sflag:s7] =	ssyncadd.s32 $0xFFFFC000  }
0x90: {  	[tilespmem:s8], [sflag:$0x1] =	stream.indirect.gather [hbm4b:s1+s10], $0x80, s18, s10, $0xb8;
	[tilespmem:$0x1E000] =	vst v63  }
0x91: {  	_ =	swait.ge [sflag:s16], $0x4000  }
0x92: {  	[sflag:s16] =	ssyncset.done $0x0  }
0x93: {  	s19 =	simm.s32 $0xB80;
	[sflag:s16] =	ssyncadd.s32 $0xFFFFC000  }
0x94: {  	[spmem:s3] =	stream.indirect.scatter.add.f32 [tilespmem:s12], [sflag:$0x5], $0x80, s19, s10, $0xb8;
	[tilespmem:$0x1E000] =	vst v63  }
0x95: {  	_ =	swait.ge [sflag:s7], $0x4000  }
0x96: {  	[sflag:s7] =	ssyncset.done $0x0  }
0x97: {  	s20 =	simm.s32 $0xD00;
	[sflag:s7] =	ssyncadd.s32 $0xFFFFC000  }
0x98: {  	[tilespmem:s12], [sflag:$0x2] =	stream.indirect.gather [hbm4b:s1+s10], $0x80, s20, s10, $0xb8;
	[tilespmem:$0x1E000] =	vst v63  }
0x99: {  	_ =	swait.ge [sflag:s14], $0x4000  }
0x9a: {  	[sflag:s14] =	ssyncset.done $0x0  }
0x9b: {  	s21 =	simm.s32 $0xC80;
	[sflag:s14] =	ssyncadd.s32 $0xFFFFC000  }
0x9c: {  	[spmem:s3] =	stream.indirect.scatter.add.f32 [tilespmem:s8], [sflag:$0x5], $0x80, s21, s10, $0xb8;
	[tilespmem:$0x1E000] =	vst v63  }
0x9d: {  	_ =	swait.ge [sflag:s7], $0x4000  }
0x9e: {  	[sflag:s7] =	ssyncset.done $0x0  }
0x9f: {  	s22 =	simm.s32 $0xE00;
	[sflag:s7] =	ssyncadd.s32 $0xFFFFC000  }
0xa0: {  	[tilespmem:s8], [sflag:$0x1] =	stream.indirect.gather [hbm4b:s1+s10], $0x80, s22, s10, $0xb8;
	[tilespmem:$0x1E000] =	vst v63  }
0xa1: {  	_ =	swait.ge [sflag:s16], $0x4000  }
0xa2: {  	[sflag:s16] =	ssyncset.done $0x0  }
0xa3: {  	s24 =	simm.s32 $0xD80;
	[sflag:s16] =	ssyncadd.s32 $0xFFFFC000  }
0xa4: {  	[spmem:s3] =	stream.indirect.scatter.add.f32 [tilespmem:s12], [sflag:$0x5], $0x80, s24, s10, $0xb8;
	[tilespmem:$0x1E000] =	vst v63  }
0xa5: {  	_ =	swait.ge [sflag:s7], $0x4000  }
0xa6: {  	[sflag:s7] =	ssyncset.done $0x0  }
0xa7: {  	s0 =	simm.s32 $0x4;
	s25 =	simm.s32 $0xF00;
	[sflag:s7] =	ssyncadd.s32 $0xFFFFC000  }
0xa8: {  	[tilespmem:s12], [sflag:$0x2] =	stream.indirect.gather [hbm4b:s1+s10], $0x80, s25, s10, $0xb8;
	[tilespmem:$0x1E000] =	vst v63  }
0xa9: {  	_ =	swait.ge [sflag:s0], $0x1000  }
0xaa: {  	[sflag:s0] =	ssyncset.done $0x0  }
0xab: {  	[sflag:s0] =	ssyncadd.s32 $0xFFFFF000  }
0xac: {  	_ =	swait.ge [sflag:s14], $0x4000  }
0xad: {  	[sflag:s14] =	ssyncset.done $0x0  }
0xae: {  	s26 =	simm.s32 $0xE80;
	[sflag:s14] =	ssyncadd.s32 $0xFFFFC000  }
0xaf: {  	[spmem:s3] =	stream.indirect.scatter.add.f32 [tilespmem:s8], [sflag:$0x5], $0x80, s26, s10, $0xb8;
	[tilespmem:$0x1E000] =	vst v63  }
0xb0: {  	_ =	swait.ge [sflag:s7], $0x4000  }
0xb1: {  	[sflag:s7] =	ssyncset.done $0x0  }
0xb2: {  	[sflag:s7] =	ssyncadd.s32 $0xFFFFC000  }
0xb3: {  	[tilespmem:s8], [sflag:$0x1] =	stream.indirect.gather [hbm4b:s1+s10], $0x80, s23, s10, $0xb8;
	[tilespmem:$0x1E000] =	vst v63  }
0xb4: {  	_ =	swait.ge [sflag:s16], $0x4000  }
0xb5: {  	[sflag:s16] =	ssyncset.done $0x0  }
0xb6: {  	s28 =	simm.s32 $0xF80;
	[sflag:s16] =	ssyncadd.s32 $0xFFFFC000  }
0xb7: {  	[spmem:s3] =	stream.indirect.scatter.add.f32 [tilespmem:s12], [sflag:$0x5], $0x80, s28, s10, $0xb8;
	[tilespmem:$0x1E000] =	vst v63  }
0xb8: {  	_ =	swait.ge [sflag:s7], $0x4000  }
0xb9: {  	[sflag:s7] =	ssyncset.done $0x0  }
0xba: {  	s31 =	simm.s32 $0x1100;
	[sflag:s7] =	ssyncadd.s32 $0xFFFFC000  }
0xbb: {  	[tilespmem:s12], [sflag:$0x2] =	stream.indirect.gather [hbm4b:s1+s10], $0x80, s31, s10, $0xb8;
	[tilespmem:$0x1E000] =	vst v63  }
0xbc: {  	s26 =	rddreg [dreg:$0xe]  }
0xbd: {  	[tilespmem:s30], [sflag:$0x3] =	stream.linear.gather [hbm4b:s26+s30], $0x1000, $0x38;
	[tilespmem:$0x1E000] =	vst v63  }
0xbe: {  	_ =	swait.ge [sflag:s14], $0x4000  }
0xbf: {  	[sflag:s14] =	ssyncset.done $0x0  }
0xc0: {  	s5 =	simm.s32 $0x1080;
	[sflag:s14] =	ssyncadd.s32 $0xFFFFC000  }
0xc1: {  	[spmem:s3] =	stream.indirect.scatter.add.f32 [tilespmem:s8], [sflag:$0x5], $0x80, s5, s10, $0xb8;
	[tilespmem:$0x1E000] =	vst v63  }
0xc2: {  	_ =	swait.ge [sflag:s7], $0x4000  }
0xc3: {  	[sflag:s7] =	ssyncset.done $0x0  }
0xc4: {  	s6 =	simm.s32 $0x1200;
	[sflag:s7] =	ssyncadd.s32 $0xFFFFC000  }
0xc5: {  	[tilespmem:s8], [sflag:$0x1] =	stream.indirect.gather [hbm4b:s1+s10], $0x80, s6, s10, $0xb8;
	[tilespmem:$0x1E000] =	vst v63  }
0xc6: {  	_ =	swait.ge [sflag:s16], $0x4000  }
0xc7: {  	[sflag:s16] =	ssyncset.done $0x0  }
0xc8: {  	s9 =	simm.s32 $0x1180;
	[sflag:s16] =	ssyncadd.s32 $0xFFFFC000  }
0xc9: {  	[spmem:s3] =	stream.indirect.scatter.add.f32 [tilespmem:s12], [sflag:$0x5], $0x80, s9, s10, $0xb8;
	[tilespmem:$0x1E000] =	vst v63  }
0xca: {  	_ =	swait.ge [sflag:s7], $0x4000  }
0xcb: {  	[sflag:s7] =	ssyncset.done $0x0  }
0xcc: {  	s11 =	simm.s32 $0x1300;
	[sflag:s7] =	ssyncadd.s32 $0xFFFFC000  }
0xcd: {  	[tilespmem:s12], [sflag:$0x2] =	stream.indirect.gather [hbm4b:s1+s10], $0x80, s11, s10, $0xb8;
	[tilespmem:$0x1E000] =	vst v63  }
0xce: {  	_ =	swait.ge [sflag:s14], $0x4000  }
0xcf: {  	[sflag:s14] =	ssyncset.done $0x0  }
0xd0: {  	s13 =	simm.s32 $0x1280;
	[sflag:s14] =	ssyncadd.s32 $0xFFFFC000  }
0xd1: {  	[spmem:s3] =	stream.indirect.scatter.add.f32 [tilespmem:s8], [sflag:$0x5], $0x80, s13, s10, $0xb8;
	[tilespmem:$0x1E000] =	vst v63  }
0xd2: {  	_ =	swait.ge [sflag:s7], $0x4000  }
0xd3: {  	[sflag:s7] =	ssyncset.done $0x0  }
0xd4: {  	s15 =	simm.s32 $0x1400;
	[sflag:s7] =	ssyncadd.s32 $0xFFFFC000  }
0xd5: {  	[tilespmem:s8], [sflag:$0x1] =	stream.indirect.gather [hbm4b:s1+s10], $0x80, s15, s10, $0xb8;
	[tilespmem:$0x1E000] =	vst v63  }
0xd6: {  	_ =	swait.ge [sflag:s16], $0x4000  }
0xd7: {  	[sflag:s16] =	ssyncset.done $0x0  }
0xd8: {  	s17 =	simm.s32 $0x1380;
	[sflag:s16] =	ssyncadd.s32 $0xFFFFC000  }
0xd9: {  	[spmem:s3] =	stream.indirect.scatter.add.f32 [tilespmem:s12], [sflag:$0x5], $0x80, s17, s10, $0xb8;
	[tilespmem:$0x1E000] =	vst v63  }
0xda: {  	_ =	swait.ge [sflag:s7], $0x4000  }
0xdb: {  	[sflag:s7] =	ssyncset.done $0x0  }
0xdc: {  	s18 =	simm.s32 $0x1500;
	[sflag:s7] =	ssyncadd.s32 $0xFFFFC000  }
0xdd: {  	[tilespmem:s12], [sflag:$0x2] =	stream.indirect.gather [hbm4b:s1+s10], $0x80, s18, s10, $0xb8;
	[tilespmem:$0x1E000] =	vst v63  }
0xde: {  	_ =	swait.ge [sflag:s14], $0x4000  }
0xdf: {  	[sflag:s14] =	ssyncset.done $0x0  }
0xe0: {  	s19 =	simm.s32 $0x1480;
	[sflag:s14] =	ssyncadd.s32 $0xFFFFC000  }
0xe1: {  	[spmem:s3] =	stream.indirect.scatter.add.f32 [tilespmem:s8], [sflag:$0x5], $0x80, s19, s10, $0xb8;
	[tilespmem:$0x1E000] =	vst v63  }
0xe2: {  	_ =	swait.ge [sflag:s7], $0x4000  }
0xe3: {  	[sflag:s7] =	ssyncset.done $0x0  }
0xe4: {  	s20 =	simm.s32 $0x1600;
	[sflag:s7] =	ssyncadd.s32 $0xFFFFC000  }
0xe5: {  	[tilespmem:s8], [sflag:$0x1] =	stream.indirect.gather [hbm4b:s1+s10], $0x80, s20, s10, $0xb8;
	[tilespmem:$0x1E000] =	vst v63  }
0xe6: {  	_ =	swait.ge [sflag:s16], $0x4000  }
0xe7: {  	[sflag:s16] =	ssyncset.done $0x0  }
0xe8: {  	s21 =	simm.s32 $0x1580;
	[sflag:s16] =	ssyncadd.s32 $0xFFFFC000  }
0xe9: {  	[spmem:s3] =	stream.indirect.scatter.add.f32 [tilespmem:s12], [sflag:$0x5], $0x80, s21, s10, $0xb8;
	[tilespmem:$0x1E000] =	vst v63  }
0xea: {  	_ =	swait.ge [sflag:s7], $0x4000  }
0xeb: {  	[sflag:s7] =	ssyncset.done $0x0  }
0xec: {  	s22 =	simm.s32 $0x1700;
	[sflag:s7] =	ssyncadd.s32 $0xFFFFC000  }
0xed: {  	[tilespmem:s12], [sflag:$0x2] =	stream.indirect.gather [hbm4b:s1+s10], $0x80, s22, s10, $0xb8;
	[tilespmem:$0x1E000] =	vst v63  }
0xee: {  	_ =	swait.ge [sflag:s14], $0x4000  }
0xef: {  	[sflag:s14] =	ssyncset.done $0x0  }
0xf0: {  	s24 =	simm.s32 $0x1680;
	[sflag:s14] =	ssyncadd.s32 $0xFFFFC000  }
0xf1: {  	[spmem:s3] =	stream.indirect.scatter.add.f32 [tilespmem:s8], [sflag:$0x5], $0x80, s24, s10, $0xb8;
	[tilespmem:$0x1E000] =	vst v63  }
0xf2: {  	_ =	swait.ge [sflag:s7], $0x4000  }
0xf3: {  	[sflag:s7] =	ssyncset.done $0x0  }
0xf4: {  	s25 =	simm.s32 $0x1800;
	[sflag:s7] =	ssyncadd.s32 $0xFFFFC000  }
0xf5: {  	[tilespmem:s8], [sflag:$0x1] =	stream.indirect.gather [hbm4b:s1+s10], $0x80, s25, s10, $0xb8;
	[tilespmem:$0x1E000] =	vst v63  }
0xf6: {  	_ =	swait.ge [sflag:s16], $0x4000  }
0xf7: {  	[sflag:s16] =	ssyncset.done $0x0  }
0xf8: {  	s26 =	simm.s32 $0x1780;
	[sflag:s16] =	ssyncadd.s32 $0xFFFFC000  }
0xf9: {  	[spmem:s3] =	stream.indirect.scatter.add.f32 [tilespmem:s12], [sflag:$0x5], $0x80, s26, s10, $0xb8;
	[tilespmem:$0x1E000] =	vst v63  }
0xfa: {  	_ =	swait.ge [sflag:s7], $0x4000  }
0xfb: {  	[sflag:s7] =	ssyncset.done $0x0  }
0xfc: {  	s28 =	simm.s32 $0x1900;
	[sflag:s7] =	ssyncadd.s32 $0xFFFFC000  }
0xfd: {  	[tilespmem:s12], [sflag:$0x2] =	stream.indirect.gather [hbm4b:s1+s10], $0x80, s28, s10, $0xb8;
	[tilespmem:$0x1E000] =	vst v63  }
0xfe: {  	_ =	swait.ge [sflag:s14], $0x4000  }
0xff: {  	[sflag:s14] =	ssyncset.done $0x0  }
0x100: {  	s31 =	simm.s32 $0x1880;
	[sflag:s14] =	ssyncadd.s32 $0xFFFFC000  }
0x101: {  	[spmem:s3] =	stream.indirect.scatter.add.f32 [tilespmem:s8], [sflag:$0x5], $0x80, s31, s10, $0xb8;
	[tilespmem:$0x1E000] =	vst v63  }
0x102: {  	_ =	swait.ge [sflag:s7], $0x4000  }
0x103: {  	[sflag:s7] =	ssyncset.done $0x0  }
0x104: {  	s5 =	simm.s32 $0x1A00;
	[sflag:s7] =	ssyncadd.s32 $0xFFFFC000  }
0x105: {  	[tilespmem:s8], [sflag:$0x1] =	stream.indirect.gather [hbm4b:s1+s10], $0x80, s5, s10, $0xb8;
	[tilespmem:$0x1E000] =	vst v63  }
0x106: {  	_ =	swait.ge [sflag:s16], $0x4000  }
0x107: {  	[sflag:s16] =	ssyncset.done $0x0  }
0x108: {  	s6 =	simm.s32 $0x1980;
	[sflag:s16] =	ssyncadd.s32 $0xFFFFC000  }
0x109: {  	[spmem:s3] =	stream.indirect.scatter.add.f32 [tilespmem:s12], [sflag:$0x5], $0x80, s6, s10, $0xb8;
	[tilespmem:$0x1E000] =	vst v63  }
0x10a: {  	_ =	swait.ge [sflag:s7], $0x4000  }
0x10b: {  	[sflag:s7] =	ssyncset.done $0x0  }
0x10c: {  	s9 =	simm.s32 $0x1B00;
	[sflag:s7] =	ssyncadd.s32 $0xFFFFC000  }
0x10d: {  	[tilespmem:s12], [sflag:$0x2] =	stream.indirect.gather [hbm4b:s1+s10], $0x80, s9, s10, $0xb8;
	[tilespmem:$0x1E000] =	vst v63  }
0x10e: {  	_ =	swait.ge [sflag:s14], $0x4000  }
0x10f: {  	[sflag:s14] =	ssyncset.done $0x0  }
0x110: {  	s11 =	simm.s32 $0x1A80;
	[sflag:s14] =	ssyncadd.s32 $0xFFFFC000  }
0x111: {  	[spmem:s3] =	stream.indirect.scatter.add.f32 [tilespmem:s8], [sflag:$0x5], $0x80, s11, s10, $0xb8;
	[tilespmem:$0x1E000] =	vst v63  }
0x112: {  	_ =	swait.ge [sflag:s7], $0x4000  }
0x113: {  	[sflag:s7] =	ssyncset.done $0x0  }
0x114: {  	s13 =	simm.s32 $0x1C00;
	[sflag:s7] =	ssyncadd.s32 $0xFFFFC000  }
0x115: {  	[tilespmem:s8], [sflag:$0x1] =	stream.indirect.gather [hbm4b:s1+s10], $0x80, s13, s10, $0xb8;
	[tilespmem:$0x1E000] =	vst v63  }
0x116: {  	_ =	swait.ge [sflag:s16], $0x4000  }
0x117: {  	[sflag:s16] =	ssyncset.done $0x0  }
0x118: {  	s15 =	simm.s32 $0x1B80;
	[sflag:s16] =	ssyncadd.s32 $0xFFFFC000  }
0x119: {  	[spmem:s3] =	stream.indirect.scatter.add.f32 [tilespmem:s12], [sflag:$0x5], $0x80, s15, s10, $0xb8;
	[tilespmem:$0x1E000] =	vst v63  }
0x11a: {  	_ =	swait.ge [sflag:s7], $0x4000  }
0x11b: {  	[sflag:s7] =	ssyncset.done $0x0  }
0x11c: {  	s17 =	simm.s32 $0x1D00;
	[sflag:s7] =	ssyncadd.s32 $0xFFFFC000  }
0x11d: {  	[tilespmem:s12], [sflag:$0x2] =	stream.indirect.gather [hbm4b:s1+s10], $0x80, s17, s10, $0xb8;
	[tilespmem:$0x1E000] =	vst v63  }
0x11e: {  	_ =	swait.ge [sflag:s14], $0x4000  }
0x11f: {  	[sflag:s14] =	ssyncset.done $0x0  }
0x120: {  	s18 =	simm.s32 $0x1C80;
	[sflag:s14] =	ssyncadd.s32 $0xFFFFC000  }
0x121: {  	[spmem:s3] =	stream.indirect.scatter.add.f32 [tilespmem:s8], [sflag:$0x5], $0x80, s18, s10, $0xb8;
	[tilespmem:$0x1E000] =	vst v63  }
0x122: {  	_ =	swait.ge [sflag:s7], $0x4000  }
0x123: {  	[sflag:s7] =	ssyncset.done $0x0  }
0x124: {  	s19 =	simm.s32 $0x1E00;
	[sflag:s7] =	ssyncadd.s32 $0xFFFFC000  }
0x125: {  	[tilespmem:s8], [sflag:$0x1] =	stream.indirect.gather [hbm4b:s1+s10], $0x80, s19, s10, $0xb8;
	[tilespmem:$0x1E000] =	vst v63  }
0x126: {  	_ =	swait.ge [sflag:s16], $0x4000  }
0x127: {  	[sflag:s16] =	ssyncset.done $0x0  }
0x128: {  	s20 =	simm.s32 $0x1D80;
	[sflag:s16] =	ssyncadd.s32 $0xFFFFC000  }
0x129: {  	[spmem:s3] =	stream.indirect.scatter.add.f32 [tilespmem:s12], [sflag:$0x5], $0x80, s20, s10, $0xb8;
	[tilespmem:$0x1E000] =	vst v63  }
0x12a: {  	_ =	swait.ge [sflag:s7], $0x4000  }
0x12b: {  	[sflag:s7] =	ssyncset.done $0x0  }
0x12c: {  	s21 =	simm.s32 $0x1F00;
	[sflag:s7] =	ssyncadd.s32 $0xFFFFC000  }
0x12d: {  	[tilespmem:s12], [sflag:$0x2] =	stream.indirect.gather [hbm4b:s1+s10], $0x80, s21, s10, $0xb8;
	[tilespmem:$0x1E000] =	vst v63  }
0x12e: {  	_ =	swait.ge [sflag:s2], $0x1000  }
0x12f: {  	[sflag:s2] =	ssyncset.done $0x0  }
0x130: {  	[sflag:s2] =	ssyncadd.s32 $0xFFFFF000  }
0x131: {  	_ =	swait.ge [sflag:s14], $0x4000  }
0x132: {  	[sflag:s14] =	ssyncset.done $0x0  }
0x133: {  	s22 =	simm.s32 $0x1E80;
	[sflag:s14] =	ssyncadd.s32 $0xFFFFC000  }
0x134: {  	[spmem:s3] =	stream.indirect.scatter.add.f32 [tilespmem:s8], [sflag:$0x5], $0x80, s22, s10, $0xb8;
	[tilespmem:$0x1E000] =	vst v63  }
0x135: {  	_ =	swait.ge [sflag:s7], $0x4000  }
0x136: {  	[sflag:s7] =	ssyncset.done $0x0  }
0x137: {  	[sflag:s7] =	ssyncadd.s32 $0xFFFFC000  }
0x138: {  	[tilespmem:s8], [sflag:$0x1] =	stream.indirect.gather [hbm4b:s1+s10], $0x80, s30, s10, $0xb8;
	[tilespmem:$0x1E000] =	vst v63  }
0x139: {  	_ =	swait.ge [sflag:s16], $0x4000  }
0x13a: {  	[sflag:s16] =	ssyncset.done $0x0  }
0x13b: {  	s24 =	simm.s32 $0x1F80;
	[sflag:s16] =	ssyncadd.s32 $0xFFFFC000  }
0x13c: {  	[spmem:s3] =	stream.indirect.scatter.add.f32 [tilespmem:s12], [sflag:$0x5], $0x80, s24, s10, $0xb8;
	[tilespmem:$0x1E000] =	vst v63  }
0x13d: {  	_ =	swait.ge [sflag:s7], $0x4000  }
0x13e: {  	[sflag:s7] =	ssyncset.done $0x0  }
0x13f: {  	s31 =	simm.s32 $0x100;
	[sflag:s7] =	ssyncadd.s32 $0xFFFFC000  }
0x140: {  	[tilespmem:s12], [sflag:$0x2] =	stream.indirect.gather [hbm4b:s1+s10], $0x80, s31, s10, $0xb8;
	[tilespmem:$0x1E000] =	vst v63  }
0x141: {  	s25 =	rddreg [dreg:$0xd]  }
0x142: {  	[tilespmem:s23], [sflag:$0x4] =	stream.linear.gather [hbm4b:s25+s30], $0x1000, $0x38;
	[tilespmem:$0x1E000] =	vst v63  }
0x143: {  	_ =	swait.ge [sflag:s14], $0x4000  }
0x144: {  	[sflag:s14] =	ssyncset.done $0x0  }
0x145: {  	[sflag:s14] =	ssyncadd.s32 $0xFFFFC000  }
0x146: {  	[spmem:s3] =	stream.indirect.scatter.add.f32 [tilespmem:s8], [sflag:$0x5], $0x80, s10, s10, $0xb8;
	[tilespmem:$0x1E000] =	vst v63  }
0x147: {  	_ =	swait.ge [sflag:s7], $0x4000  }
0x148: {  	[sflag:s7] =	ssyncset.done $0x0  }
0x149: {  	s31 =	simm.s32 $0x200;
	[sflag:s7] =	ssyncadd.s32 $0xFFFFC000  }
0x14a: {  	[tilespmem:s8], [sflag:$0x1] =	stream.indirect.gather [hbm4b:s1+s10], $0x80, s31, s10, $0xb8;
	[tilespmem:$0x1E000] =	vst v63  }
0x14b: {  	_ =	swait.ge [sflag:s16], $0x4000  }
0x14c: {  	[sflag:s16] =	ssyncset.done $0x0  }
0x14d: {  	s28 =	simm.s32 $0x180;
	[sflag:s16] =	ssyncadd.s32 $0xFFFFC000  }
0x14e: {  	[spmem:s3] =	stream.indirect.scatter.add.f32 [tilespmem:s12], [sflag:$0x5], $0x80, s28, s10, $0xb8;
	[tilespmem:$0x1E000] =	vst v63  }
0x14f: {  	_ =	swait.ge [sflag:s7], $0x4000  }
0x150: {  	[sflag:s7] =	ssyncset.done $0x0  }
0x151: {  	s5 =	simm.s32 $0x300;
	[sflag:s7] =	ssyncadd.s32 $0xFFFFC000  }
0x152: {  	[tilespmem:s12], [sflag:$0x2] =	stream.indirect.gather [hbm4b:s1+s10], $0x80, s5, s10, $0xb8;
	[tilespmem:$0x1E000] =	vst v63  }
0x153: {  	_ =	swait.ge [sflag:s14], $0x4000  }
0x154: {  	[sflag:s14] =	ssyncset.done $0x0  }
0x155: {  	s6 =	simm.s32 $0x280;
	[sflag:s14] =	ssyncadd.s32 $0xFFFFC000  }
0x156: {  	[spmem:s3] =	stream.indirect.scatter.add.f32 [tilespmem:s8], [sflag:$0x5], $0x80, s6, s10, $0xb8;
	[tilespmem:$0x1E000] =	vst v63  }
0x157: {  	_ =	swait.ge [sflag:s7], $0x4000  }
0x158: {  	[sflag:s7] =	ssyncset.done $0x0  }
0x159: {  	s9 =	simm.s32 $0x400;
	[sflag:s7] =	ssyncadd.s32 $0xFFFFC000  }
0x15a: {  	[tilespmem:s8], [sflag:$0x1] =	stream.indirect.gather [hbm4b:s1+s10], $0x80, s9, s10, $0xb8;
	[tilespmem:$0x1E000] =	vst v63  }
0x15b: {  	_ =	swait.ge [sflag:s16], $0x4000  }
0x15c: {  	[sflag:s16] =	ssyncset.done $0x0  }
0x15d: {  	s11 =	simm.s32 $0x380;
	[sflag:s16] =	ssyncadd.s32 $0xFFFFC000  }
0x15e: {  	[spmem:s3] =	stream.indirect.scatter.add.f32 [tilespmem:s12], [sflag:$0x5], $0x80, s11, s10, $0xb8;
	[tilespmem:$0x1E000] =	vst v63  }
0x15f: {  	_ =	swait.ge [sflag:s7], $0x4000  }
0x160: {  	[sflag:s7] =	ssyncset.done $0x0  }
0x161: {  	s13 =	simm.s32 $0x500;
	[sflag:s7] =	ssyncadd.s32 $0xFFFFC000  }
0x162: {  	[tilespmem:s12], [sflag:$0x2] =	stream.indirect.gather [hbm4b:s1+s10], $0x80, s13, s10, $0xb8;
	[tilespmem:$0x1E000] =	vst v63  }
0x163: {  	_ =	swait.ge [sflag:s14], $0x4000  }
0x164: {  	[sflag:s14] =	ssyncset.done $0x0  }
0x165: {  	s15 =	simm.s32 $0x480;
	[sflag:s14] =	ssyncadd.s32 $0xFFFFC000  }
0x166: {  	[spmem:s3] =	stream.indirect.scatter.add.f32 [tilespmem:s8], [sflag:$0x5], $0x80, s15, s10, $0xb8;
	[tilespmem:$0x1E000] =	vst v63  }
0x167: {  	_ =	swait.ge [sflag:s7], $0x4000  }
0x168: {  	[sflag:s7] =	ssyncset.done $0x0  }
0x169: {  	s17 =	simm.s32 $0x600;
	[sflag:s7] =	ssyncadd.s32 $0xFFFFC000  }
0x16a: {  	[tilespmem:s8], [sflag:$0x1] =	stream.indirect.gather [hbm4b:s1+s10], $0x80, s17, s10, $0xb8;
	[tilespmem:$0x1E000] =	vst v63  }
0x16b: {  	_ =	swait.ge [sflag:s16], $0x4000  }
0x16c: {  	[sflag:s16] =	ssyncset.done $0x0  }
0x16d: {  	s18 =	simm.s32 $0x580;
	[sflag:s16] =	ssyncadd.s32 $0xFFFFC000  }
0x16e: {  	[spmem:s3] =	stream.indirect.scatter.add.f32 [tilespmem:s12], [sflag:$0x5], $0x80, s18, s10, $0xb8;
	[tilespmem:$0x1E000] =	vst v63  }
0x16f: {  	_ =	swait.ge [sflag:s7], $0x4000  }
0x170: {  	[sflag:s7] =	ssyncset.done $0x0  }
0x171: {  	s19 =	simm.s32 $0x700;
	[sflag:s7] =	ssyncadd.s32 $0xFFFFC000  }
0x172: {  	[tilespmem:s12], [sflag:$0x2] =	stream.indirect.gather [hbm4b:s1+s10], $0x80, s19, s10, $0xb8;
	[tilespmem:$0x1E000] =	vst v63  }
0x173: {  	_ =	swait.ge [sflag:s14], $0x4000  }
0x174: {  	[sflag:s14] =	ssyncset.done $0x0  }
0x175: {  	s20 =	simm.s32 $0x680;
	[sflag:s14] =	ssyncadd.s32 $0xFFFFC000  }
0x176: {  	[spmem:s3] =	stream.indirect.scatter.add.f32 [tilespmem:s8], [sflag:$0x5], $0x80, s20, s10, $0xb8;
	[tilespmem:$0x1E000] =	vst v63  }
0x177: {  	_ =	swait.ge [sflag:s7], $0x4000  }
0x178: {  	[sflag:s7] =	ssyncset.done $0x0  }
0x179: {  	s21 =	simm.s32 $0x800;
	[sflag:s7] =	ssyncadd.s32 $0xFFFFC000  }
0x17a: {  	[tilespmem:s8], [sflag:$0x1] =	stream.indirect.gather [hbm4b:s1+s10], $0x80, s21, s10, $0xb8;
	[tilespmem:$0x1E000] =	vst v63  }
0x17b: {  	_ =	swait.ge [sflag:s16], $0x4000  }
0x17c: {  	[sflag:s16] =	ssyncset.done $0x0  }
0x17d: {  	s22 =	simm.s32 $0x780;
	[sflag:s16] =	ssyncadd.s32 $0xFFFFC000  }
0x17e: {  	[spmem:s3] =	stream.indirect.scatter.add.f32 [tilespmem:s12], [sflag:$0x5], $0x80, s22, s10, $0xb8;
	[tilespmem:$0x1E000] =	vst v63  }
0x17f: {  	_ =	swait.ge [sflag:s7], $0x4000  }
0x180: {  	[sflag:s7] =	ssyncset.done $0x0  }
0x181: {  	s24 =	simm.s32 $0x900;
	[sflag:s7] =	ssyncadd.s32 $0xFFFFC000  }
0x182: {  	[tilespmem:s12], [sflag:$0x2] =	stream.indirect.gather [hbm4b:s1+s10], $0x80, s24, s10, $0xb8;
	[tilespmem:$0x1E000] =	vst v63  }
0x183: {  	_ =	swait.ge [sflag:s14], $0x4000  }
0x184: {  	[sflag:s14] =	ssyncset.done $0x0  }
0x185: {  	s25 =	simm.s32 $0x880;
	[sflag:s14] =	ssyncadd.s32 $0xFFFFC000  }
0x186: {  	[spmem:s3] =	stream.indirect.scatter.add.f32 [tilespmem:s8], [sflag:$0x5], $0x80, s25, s10, $0xb8;
	[tilespmem:$0x1E000] =	vst v63  }
0x187: {  	_ =	swait.ge [sflag:s7], $0x4000  }
0x188: {  	[sflag:s7] =	ssyncset.done $0x0  }
0x189: {  	s28 =	simm.s32 $0xA00;
	[sflag:s7] =	ssyncadd.s32 $0xFFFFC000  }
0x18a: {  	[tilespmem:s8], [sflag:$0x1] =	stream.indirect.gather [hbm4b:s1+s10], $0x80, s28, s10, $0xb8;
	[tilespmem:$0x1E000] =	vst v63  }
0x18b: {  	_ =	swait.ge [sflag:s16], $0x4000  }
0x18c: {  	[sflag:s16] =	ssyncset.done $0x0  }
0x18d: {  	s4 =	simm.s32 $0x980;
	[sflag:s16] =	ssyncadd.s32 $0xFFFFC000  }
0x18e: {  	[spmem:s3] =	stream.indirect.scatter.add.f32 [tilespmem:s12], [sflag:$0x5], $0x80, s4, s10, $0xb8;
	[tilespmem:$0x1E000] =	vst v63  }
0x18f: {  	_ =	swait.ge [sflag:s7], $0x4000  }
0x190: {  	[sflag:s7] =	ssyncset.done $0x0  }
0x191: {  	s4 =	simm.s32 $0xB00;
	[sflag:s7] =	ssyncadd.s32 $0xFFFFC000  }
0x192: {  	[tilespmem:s12], [sflag:$0x2] =	stream.indirect.gather [hbm4b:s1+s10], $0x80, s4, s10, $0xb8;
	[tilespmem:$0x1E000] =	vst v63  }
0x193: {  	_ =	swait.ge [sflag:s14], $0x4000  }
0x194: {  	[sflag:s14] =	ssyncset.done $0x0  }
0x195: {  	s4 =	simm.s32 $0xA80;
	[sflag:s14] =	ssyncadd.s32 $0xFFFFC000  }
0x196: {  	[spmem:s3] =	stream.indirect.scatter.add.f32 [tilespmem:s8], [sflag:$0x5], $0x80, s4, s10, $0xb8;
	[tilespmem:$0x1E000] =	vst v63  }
0x197: {  	_ =	swait.ge [sflag:s7], $0x4000  }
0x198: {  	[sflag:s7] =	ssyncset.done $0x0  }
0x199: {  	s4 =	simm.s32 $0xC00;
	[sflag:s7] =	ssyncadd.s32 $0xFFFFC000  }
0x19a: {  	[tilespmem:s8], [sflag:$0x1] =	stream.indirect.gather [hbm4b:s1+s10], $0x80, s4, s10, $0xb8;
	[tilespmem:$0x1E000] =	vst v63  }
0x19b: {  	_ =	swait.ge [sflag:s16], $0x4000  }
0x19c: {  	[sflag:s16] =	ssyncset.done $0x0  }
0x19d: {  	s4 =	simm.s32 $0xB80;
	[sflag:s16] =	ssyncadd.s32 $0xFFFFC000  }
0x19e: {  	[spmem:s3] =	stream.indirect.scatter.add.f32 [tilespmem:s12], [sflag:$0x5], $0x80, s4, s10, $0xb8;
	[tilespmem:$0x1E000] =	vst v63  }
0x19f: {  	_ =	swait.ge [sflag:s7], $0x4000  }
0x1a0: {  	[sflag:s7] =	ssyncset.done $0x0  }
0x1a1: {  	s4 =	simm.s32 $0xD00;
	[sflag:s7] =	ssyncadd.s32 $0xFFFFC000  }
0x1a2: {  	[tilespmem:s12], [sflag:$0x2] =	stream.indirect.gather [hbm4b:s1+s10], $0x80, s4, s10, $0xb8;
	[tilespmem:$0x1E000] =	vst v63  }
0x1a3: {  	_ =	swait.ge [sflag:s14], $0x4000  }
0x1a4: {  	[sflag:s14] =	ssyncset.done $0x0  }
0x1a5: {  	s4 =	simm.s32 $0xC80;
	[sflag:s14] =	ssyncadd.s32 $0xFFFFC000  }
0x1a6: {  	[spmem:s3] =	stream.indirect.scatter.add.f32 [tilespmem:s8], [sflag:$0x5], $0x80, s4, s10, $0xb8;
	[tilespmem:$0x1E000] =	vst v63  }
0x1a7: {  	_ =	swait.ge [sflag:s7], $0x4000  }
0x1a8: {  	[sflag:s7] =	ssyncset.done $0x0  }
0x1a9: {  	s4 =	simm.s32 $0xE00;
	[sflag:s7] =	ssyncadd.s32 $0xFFFFC000  }
0x1aa: {  	[tilespmem:s8], [sflag:$0x1] =	stream.indirect.gather [hbm4b:s1+s10], $0x80, s4, s10, $0xb8;
	[tilespmem:$0x1E000] =	vst v63  }
0x1ab: {  	_ =	swait.ge [sflag:s16], $0x4000  }
0x1ac: {  	[sflag:s16] =	ssyncset.done $0x0  }
0x1ad: {  	s4 =	simm.s32 $0xD80;
	[sflag:s16] =	ssyncadd.s32 $0xFFFFC000  }
0x1ae: {  	[spmem:s3] =	stream.indirect.scatter.add.f32 [tilespmem:s12], [sflag:$0x5], $0x80, s4, s10, $0xb8;
	[tilespmem:$0x1E000] =	vst v63  }
0x1af: {  	_ =	swait.ge [sflag:s7], $0x4000  }
0x1b0: {  	[sflag:s7] =	ssyncset.done $0x0  }
0x1b1: {  	s4 =	simm.s32 $0xF00;
	[sflag:s7] =	ssyncadd.s32 $0xFFFFC000  }
0x1b2: {  	[tilespmem:s12], [sflag:$0x2] =	stream.indirect.gather [hbm4b:s1+s10], $0x80, s4, s10, $0xb8;
	[tilespmem:$0x1E000] =	vst v63  }
0x1b3: {  	_ =	swait.ge [sflag:s0], $0x1000  }
0x1b4: {  	[sflag:s0] =	ssyncset.done $0x0  }
0x1b5: {  	[sflag:s0] =	ssyncadd.s32 $0xFFFFF000  }
0x1b6: {  	_ =	swait.ge [sflag:s14], $0x4000  }
0x1b7: {  	[sflag:s14] =	ssyncset.done $0x0  }
0x1b8: {  	s4 =	simm.s32 $0xE80;
	[sflag:s14] =	ssyncadd.s32 $0xFFFFC000  }
0x1b9: {  	[spmem:s3] =	stream.indirect.scatter.add.f32 [tilespmem:s8], [sflag:$0x5], $0x80, s4, s10, $0xb8;
	[tilespmem:$0x1E000] =	vst v63  }
0x1ba: {  	_ =	swait.ge [sflag:s7], $0x4000  }
0x1bb: {  	[sflag:s7] =	ssyncset.done $0x0  }
0x1bc: {  	[sflag:s7] =	ssyncadd.s32 $0xFFFFC000  }
0x1bd: {  	[tilespmem:s8], [sflag:$0x1] =	stream.indirect.gather [hbm4b:s1+s10], $0x80, s23, s10, $0xb8;
	[tilespmem:$0x1E000] =	vst v63  }
0x1be: {  	_ =	swait.ge [sflag:s16], $0x4000  }
0x1bf: {  	[sflag:s16] =	ssyncset.done $0x0  }
0x1c0: {  	s23 =	simm.s32 $0xF80;
	[sflag:s16] =	ssyncadd.s32 $0xFFFFC000  }
0x1c1: {  	[spmem:s3] =	stream.indirect.scatter.add.f32 [tilespmem:s12], [sflag:$0x5], $0x80, s23, s10, $0xb8;
	[tilespmem:$0x1E000] =	vst v63  }
0x1c2: {  	_ =	swait.ge [sflag:s7], $0x4000  }
0x1c3: {  	[sflag:s7] =	ssyncset.done $0x0  }
0x1c4: {  	s0 =	simm.s32 $0x1100;
	[sflag:s7] =	ssyncadd.s32 $0xFFFFC000  }
0x1c5: {  	[tilespmem:s12], [sflag:$0x2] =	stream.indirect.gather [hbm4b:s1+s10], $0x80, s0, s10, $0xb8;
	[tilespmem:$0x1E000] =	vst v63  }
0x1c6: {  	s26 =	rddreg [dreg:$0xc]  }
0x1c7: {  	[tilespmem:s30], [sflag:$0x3] =	stream.linear.gather [hbm4b:s26+s30], $0x1000, $0x38;
	[tilespmem:$0x1E000] =	vst v63  }
0x1c8: {  	_ =	swait.ge [sflag:s14], $0x4000  }
0x1c9: {  	[sflag:s14] =	ssyncset.done $0x0  }
0x1ca: {  	s26 =	simm.s32 $0x1080;
	[sflag:s14] =	ssyncadd.s32 $0xFFFFC000  }
0x1cb: {  	[spmem:s3] =	stream.indirect.scatter.add.f32 [tilespmem:s8], [sflag:$0x5], $0x80, s26, s10, $0xb8;
	[tilespmem:$0x1E000] =	vst v63  }
0x1cc: {  	_ =	swait.ge [sflag:s7], $0x4000  }
0x1cd: {  	[sflag:s7] =	ssyncset.done $0x0  }
0x1ce: {  	s26 =	simm.s32 $0x1200;
	[sflag:s7] =	ssyncadd.s32 $0xFFFFC000  }
0x1cf: {  	[tilespmem:s8], [sflag:$0x1] =	stream.indirect.gather [hbm4b:s1+s10], $0x80, s26, s10, $0xb8;
	[tilespmem:$0x1E000] =	vst v63  }
0x1d0: {  	_ =	swait.ge [sflag:s16], $0x4000  }
0x1d1: {  	[sflag:s16] =	ssyncset.done $0x0  }
0x1d2: {  	s26 =	simm.s32 $0x1180;
	[sflag:s16] =	ssyncadd.s32 $0xFFFFC000  }
0x1d3: {  	[spmem:s3] =	stream.indirect.scatter.add.f32 [tilespmem:s12], [sflag:$0x5], $0x80, s26, s10, $0xb8;
	[tilespmem:$0x1E000] =	vst v63  }
0x1d4: {  	_ =	swait.ge [sflag:s7], $0x4000  }
0x1d5: {  	[sflag:s7] =	ssyncset.done $0x0  }
0x1d6: {  	s26 =	simm.s32 $0x1300;
	[sflag:s7] =	ssyncadd.s32 $0xFFFFC000  }
0x1d7: {  	[tilespmem:s12], [sflag:$0x2] =	stream.indirect.gather [hbm4b:s1+s10], $0x80, s26, s10, $0xb8;
	[tilespmem:$0x1E000] =	vst v63  }
0x1d8: {  	_ =	swait.ge [sflag:s14], $0x4000  }
0x1d9: {  	[sflag:s14] =	ssyncset.done $0x0  }
0x1da: {  	s26 =	simm.s32 $0x1280;
	[sflag:s14] =	ssyncadd.s32 $0xFFFFC000  }
0x1db: {  	[spmem:s3] =	stream.indirect.scatter.add.f32 [tilespmem:s8], [sflag:$0x5], $0x80, s26, s10, $0xb8;
	[tilespmem:$0x1E000] =	vst v63  }
0x1dc: {  	_ =	swait.ge [sflag:s7], $0x4000  }
0x1dd: {  	[sflag:s7] =	ssyncset.done $0x0  }
0x1de: {  	s26 =	simm.s32 $0x1400;
	[sflag:s7] =	ssyncadd.s32 $0xFFFFC000  }
0x1df: {  	[tilespmem:s8], [sflag:$0x1] =	stream.indirect.gather [hbm4b:s1+s10], $0x80, s26, s10, $0xb8;
	[tilespmem:$0x1E000] =	vst v63  }
0x1e0: {  	_ =	swait.ge [sflag:s16], $0x4000  }
0x1e1: {  	[sflag:s16] =	ssyncset.done $0x0  }
0x1e2: {  	s26 =	simm.s32 $0x1380;
	[sflag:s16] =	ssyncadd.s32 $0xFFFFC000  }
0x1e3: {  	[spmem:s3] =	stream.indirect.scatter.add.f32 [tilespmem:s12], [sflag:$0x5], $0x80, s26, s10, $0xb8;
	[tilespmem:$0x1E000] =	vst v63  }
0x1e4: {  	_ =	swait.ge [sflag:s7], $0x4000  }
0x1e5: {  	[sflag:s7] =	ssyncset.done $0x0  }
0x1e6: {  	s26 =	simm.s32 $0x1500;
	[sflag:s7] =	ssyncadd.s32 $0xFFFFC000  }
0x1e7: {  	[tilespmem:s12], [sflag:$0x2] =	stream.indirect.gather [hbm4b:s1+s10], $0x80, s26, s10, $0xb8;
	[tilespmem:$0x1E000] =	vst v63  }
0x1e8: {  	_ =	swait.ge [sflag:s14], $0x4000  }
0x1e9: {  	[sflag:s14] =	ssyncset.done $0x0  }
0x1ea: {  	s26 =	simm.s32 $0x1480;
	[sflag:s14] =	ssyncadd.s32 $0xFFFFC000  }
0x1eb: {  	[spmem:s3] =	stream.indirect.scatter.add.f32 [tilespmem:s8], [sflag:$0x5], $0x80, s26, s10, $0xb8;
	[tilespmem:$0x1E000] =	vst v63  }
0x1ec: {  	_ =	swait.ge [sflag:s7], $0x4000  }
0x1ed: {  	[sflag:s7] =	ssyncset.done $0x0  }
0x1ee: {  	s26 =	simm.s32 $0x1600;
	[sflag:s7] =	ssyncadd.s32 $0xFFFFC000  }
0x1ef: {  	[tilespmem:s8], [sflag:$0x1] =	stream.indirect.gather [hbm4b:s1+s10], $0x80, s26, s10, $0xb8;
	[tilespmem:$0x1E000] =	vst v63  }
0x1f0: {  	_ =	swait.ge [sflag:s16], $0x4000  }
0x1f1: {  	[sflag:s16] =	ssyncset.done $0x0  }
0x1f2: {  	s26 =	simm.s32 $0x1580;
	[sflag:s16] =	ssyncadd.s32 $0xFFFFC000  }
0x1f3: {  	[spmem:s3] =	stream.indirect.scatter.add.f32 [tilespmem:s12], [sflag:$0x5], $0x80, s26, s10, $0xb8;
	[tilespmem:$0x1E000] =	vst v63  }
0x1f4: {  	_ =	swait.ge [sflag:s7], $0x4000  }
0x1f5: {  	[sflag:s7] =	ssyncset.done $0x0  }
0x1f6: {  	s26 =	simm.s32 $0x1700;
	[sflag:s7] =	ssyncadd.s32 $0xFFFFC000  }
0x1f7: {  	[tilespmem:s12], [sflag:$0x2] =	stream.indirect.gather [hbm4b:s1+s10], $0x80, s26, s10, $0xb8;
	[tilespmem:$0x1E000] =	vst v63  }
0x1f8: {  	_ =	swait.ge [sflag:s14], $0x4000  }
0x1f9: {  	[sflag:s14] =	ssyncset.done $0x0  }
0x1fa: {  	s26 =	simm.s32 $0x1680;
	[sflag:s14] =	ssyncadd.s32 $0xFFFFC000  }
0x1fb: {  	[spmem:s3] =	stream.indirect.scatter.add.f32 [tilespmem:s8], [sflag:$0x5], $0x80, s26, s10, $0xb8;
	[tilespmem:$0x1E000] =	vst v63  }
0x1fc: {  	_ =	swait.ge [sflag:s7], $0x4000  }
0x1fd: {  	[sflag:s7] =	ssyncset.done $0x0  }
0x1fe: {  	s26 =	simm.s32 $0x1800;
	[sflag:s7] =	ssyncadd.s32 $0xFFFFC000  }
0x1ff: {  	[tilespmem:s8], [sflag:$0x1] =	stream.indirect.gather [hbm4b:s1+s10], $0x80, s26, s10, $0xb8;
	[tilespmem:$0x1E000] =	vst v63  }
0x200: {  	_ =	swait.ge [sflag:s16], $0x4000  }
0x201: {  	[sflag:s16] =	ssyncset.done $0x0  }
0x202: {  	s26 =	simm.s32 $0x1780;
	[sflag:s16] =	ssyncadd.s32 $0xFFFFC000  }
0x203: {  	[spmem:s3] =	stream.indirect.scatter.add.f32 [tilespmem:s12], [sflag:$0x5], $0x80, s26, s10, $0xb8;
	[tilespmem:$0x1E000] =	vst v63  }
0x204: {  	_ =	swait.ge [sflag:s7], $0x4000  }
0x205: {  	[sflag:s7] =	ssyncset.done $0x0  }
0x206: {  	s26 =	simm.s32 $0x1900;
	[sflag:s7] =	ssyncadd.s32 $0xFFFFC000  }
0x207: {  	[tilespmem:s12], [sflag:$0x2] =	stream.indirect.gather [hbm4b:s1+s10], $0x80, s26, s10, $0xb8;
	[tilespmem:$0x1E000] =	vst v63  }
0x208: {  	_ =	swait.ge [sflag:s14], $0x4000  }
0x209: {  	[sflag:s14] =	ssyncset.done $0x0  }
0x20a: {  	s26 =	simm.s32 $0x1880;
	[sflag:s14] =	ssyncadd.s32 $0xFFFFC000  }
0x20b: {  	[spmem:s3] =	stream.indirect.scatter.add.f32 [tilespmem:s8], [sflag:$0x5], $0x80, s26, s10, $0xb8;
	[tilespmem:$0x1E000] =	vst v63  }
0x20c: {  	_ =	swait.ge [sflag:s7], $0x4000  }
0x20d: {  	[sflag:s7] =	ssyncset.done $0x0  }
0x20e: {  	s26 =	simm.s32 $0x1A00;
	[sflag:s7] =	ssyncadd.s32 $0xFFFFC000  }
0x20f: {  	[tilespmem:s8], [sflag:$0x1] =	stream.indirect.gather [hbm4b:s1+s10], $0x80, s26, s10, $0xb8;
	[tilespmem:$0x1E000] =	vst v63  }
0x210: {  	_ =	swait.ge [sflag:s16], $0x4000  }
0x211: {  	[sflag:s16] =	ssyncset.done $0x0  }
0x212: {  	s26 =	simm.s32 $0x1980;
	[sflag:s16] =	ssyncadd.s32 $0xFFFFC000  }
0x213: {  	[spmem:s3] =	stream.indirect.scatter.add.f32 [tilespmem:s12], [sflag:$0x5], $0x80, s26, s10, $0xb8;
	[tilespmem:$0x1E000] =	vst v63  }
0x214: {  	_ =	swait.ge [sflag:s7], $0x4000  }
0x215: {  	[sflag:s7] =	ssyncset.done $0x0  }
0x216: {  	s26 =	simm.s32 $0x1B00;
	[sflag:s7] =	ssyncadd.s32 $0xFFFFC000  }
0x217: {  	[tilespmem:s12], [sflag:$0x2] =	stream.indirect.gather [hbm4b:s1+s10], $0x80, s26, s10, $0xb8;
	[tilespmem:$0x1E000] =	vst v63  }
0x218: {  	_ =	swait.ge [sflag:s14], $0x4000  }
0x219: {  	[sflag:s14] =	ssyncset.done $0x0  }
0x21a: {  	s26 =	simm.s32 $0x1A80;
	[sflag:s14] =	ssyncadd.s32 $0xFFFFC000  }
0x21b: {  	[spmem:s3] =	stream.indirect.scatter.add.f32 [tilespmem:s8], [sflag:$0x5], $0x80, s26, s10, $0xb8;
	[tilespmem:$0x1E000] =	vst v63  }
0x21c: {  	_ =	swait.ge [sflag:s7], $0x4000  }
0x21d: {  	[sflag:s7] =	ssyncset.done $0x0  }
0x21e: {  	s26 =	simm.s32 $0x1C00;
	[sflag:s7] =	ssyncadd.s32 $0xFFFFC000  }
0x21f: {  	[tilespmem:s8], [sflag:$0x1] =	stream.indirect.gather [hbm4b:s1+s10], $0x80, s26, s10, $0xb8;
	[tilespmem:$0x1E000] =	vst v63  }
0x220: {  	_ =	swait.ge [sflag:s16], $0x4000  }
0x221: {  	[sflag:s16] =	ssyncset.done $0x0  }
0x222: {  	s26 =	simm.s32 $0x1B80;
	[sflag:s16] =	ssyncadd.s32 $0xFFFFC000  }
0x223: {  	[spmem:s3] =	stream.indirect.scatter.add.f32 [tilespmem:s12], [sflag:$0x5], $0x80, s26, s10, $0xb8;
	[tilespmem:$0x1E000] =	vst v63  }
0x224: {  	_ =	swait.ge [sflag:s7], $0x4000  }
0x225: {  	[sflag:s7] =	ssyncset.done $0x0  }
0x226: {  	s26 =	simm.s32 $0x1D00;
	[sflag:s7] =	ssyncadd.s32 $0xFFFFC000  }
0x227: {  	[tilespmem:s12], [sflag:$0x2] =	stream.indirect.gather [hbm4b:s1+s10], $0x80, s26, s10, $0xb8;
	[tilespmem:$0x1E000] =	vst v63  }
0x228: {  	_ =	swait.ge [sflag:s14], $0x4000  }
0x229: {  	[sflag:s14] =	ssyncset.done $0x0  }
0x22a: {  	s26 =	simm.s32 $0x1C80;
	[sflag:s14] =	ssyncadd.s32 $0xFFFFC000  }
0x22b: {  	[spmem:s3] =	stream.indirect.scatter.add.f32 [tilespmem:s8], [sflag:$0x5], $0x80, s26, s10, $0xb8;
	[tilespmem:$0x1E000] =	vst v63  }
0x22c: {  	_ =	swait.ge [sflag:s7], $0x4000  }
0x22d: {  	[sflag:s7] =	ssyncset.done $0x0  }
0x22e: {  	s26 =	simm.s32 $0x1E00;
	[sflag:s7] =	ssyncadd.s32 $0xFFFFC000  }
0x22f: {  	[tilespmem:s8], [sflag:$0x1] =	stream.indirect.gather [hbm4b:s1+s10], $0x80, s26, s10, $0xb8;
	[tilespmem:$0x1E000] =	vst v63  }
0x230: {  	_ =	swait.ge [sflag:s16], $0x4000  }
0x231: {  	[sflag:s16] =	ssyncset.done $0x0  }
0x232: {  	s26 =	simm.s32 $0x1D80;
	[sflag:s16] =	ssyncadd.s32 $0xFFFFC000  }
0x233: {  	[spmem:s3] =	stream.indirect.scatter.add.f32 [tilespmem:s12], [sflag:$0x5], $0x80, s26, s10, $0xb8;
	[tilespmem:$0x1E000] =	vst v63  }
0x234: {  	_ =	swait.ge [sflag:s7], $0x4000  }
0x235: {  	[sflag:s7] =	ssyncset.done $0x0  }
0x236: {  	s26 =	simm.s32 $0x1F00;
	[sflag:s7] =	ssyncadd.s32 $0xFFFFC000  }
0x237: {  	[tilespmem:s12], [sflag:$0x2] =	stream.indirect.gather [hbm4b:s1+s10], $0x80, s26, s10, $0xb8;
	[tilespmem:$0x1E000] =	vst v63  }
0x238: {  	_ =	swait.ge [sflag:s2], $0x1000  }
0x239: {  	[sflag:s2] =	ssyncset.done $0x0  }
0x23a: {  	[sflag:s2] =	ssyncadd.s32 $0xFFFFF000  }
0x23b: {  	_ =	swait.ge [sflag:s14], $0x4000  }
0x23c: {  	[sflag:s14] =	ssyncset.done $0x0  }
0x23d: {  	s2 =	simm.s32 $0x1E80;
	[sflag:s14] =	ssyncadd.s32 $0xFFFFC000  }
0x23e: {  	[spmem:s3] =	stream.indirect.scatter.add.f32 [tilespmem:s8], [sflag:$0x5], $0x80, s2, s10, $0xb8;
	[tilespmem:$0x1E000] =	vst v63  }
0x23f: {  	_ =	swait.ge [sflag:s7], $0x4000  }
0x240: {  	[sflag:s7] =	ssyncset.done $0x0  }
0x241: {  	[sflag:s7] =	ssyncadd.s32 $0xFFFFC000  }
0x242: {  	[tilespmem:s8], [sflag:$0x1] =	stream.indirect.gather [hbm4b:s1+s10], $0x80, s30, s10, $0xb8;
	[tilespmem:$0x1E000] =	vst v63  }
0x243: {  	_ =	swait.ge [sflag:s16], $0x4000  }
0x244: {  	[sflag:s16] =	ssyncset.done $0x0  }
0x245: {  	s26 =	simm.s32 $0x1F80;
	[sflag:s16] =	ssyncadd.s32 $0xFFFFC000  }
0x246: {  	[spmem:s3] =	stream.indirect.scatter.add.f32 [tilespmem:s12], [sflag:$0x5], $0x80, s26, s10, $0xb8;
	[tilespmem:$0x1E000] =	vst v63  }
0x247: {  	_ =	swait.ge [sflag:s7], $0x4000  }
0x248: {  	[sflag:s7] =	ssyncset.done $0x0  }
0x249: {  	s30 =	simm.s32 $0x100;
	[sflag:s7] =	ssyncadd.s32 $0xFFFFC000  }
0x24a: {  	[tilespmem:s12], [sflag:$0x2] =	stream.indirect.gather [hbm4b:s1+s10], $0x80, s30, s10, $0xb8;
	[tilespmem:$0x1E000] =	vst v63  }
0x24b: {  	_ =	swait.ge [sflag:s14], $0x4000  }
0x24c: {  	[sflag:s14] =	ssyncset.done $0x0  }
0x24d: {  	[sflag:s14] =	ssyncadd.s32 $0xFFFFC000  }
0x24e: {  	[spmem:s3] =	stream.indirect.scatter.add.f32 [tilespmem:s8], [sflag:$0x5], $0x80, s10, s10, $0xb8;
	[tilespmem:$0x1E000] =	vst v63  }
0x24f: {  	_ =	swait.ge [sflag:s7], $0x4000  }
0x250: {  	[sflag:s7] =	ssyncset.done $0x0  }
0x251: {  	[sflag:s7] =	ssyncadd.s32 $0xFFFFC000  }
0x252: {  	[tilespmem:s8], [sflag:$0x1] =	stream.indirect.gather [hbm4b:s1+s10], $0x80, s31, s10, $0xb8;
	[tilespmem:$0x1E000] =	vst v63  }
0x253: {  	_ =	swait.ge [sflag:s16], $0x4000  }
0x254: {  	[sflag:s16] =	ssyncset.done $0x0  }
0x255: {  	s2 =	simm.s32 $0x180;
	[sflag:s16] =	ssyncadd.s32 $0xFFFFC000  }
0x256: {  	[spmem:s3] =	stream.indirect.scatter.add.f32 [tilespmem:s12], [sflag:$0x5], $0x80, s2, s10, $0xb8;
	[tilespmem:$0x1E000] =	vst v63  }
0x257: {  	_ =	swait.ge [sflag:s7], $0x4000  }
0x258: {  	[sflag:s7] =	ssyncset.done $0x0  }
0x259: {  	[sflag:s7] =	ssyncadd.s32 $0xFFFFC000  }
0x25a: {  	[tilespmem:s12], [sflag:$0x2] =	stream.indirect.gather [hbm4b:s1+s10], $0x80, s5, s10, $0xb8;
	[tilespmem:$0x1E000] =	vst v63  }
0x25b: {  	_ =	swait.ge [sflag:s14], $0x4000  }
0x25c: {  	[sflag:s14] =	ssyncset.done $0x0  }
0x25d: {  	[sflag:s14] =	ssyncadd.s32 $0xFFFFC000  }
0x25e: {  	[spmem:s3] =	stream.indirect.scatter.add.f32 [tilespmem:s8], [sflag:$0x5], $0x80, s6, s10, $0xb8;
	[tilespmem:$0x1E000] =	vst v63  }
0x25f: {  	_ =	swait.ge [sflag:s7], $0x4000  }
0x260: {  	[sflag:s7] =	ssyncset.done $0x0  }
0x261: {  	[sflag:s7] =	ssyncadd.s32 $0xFFFFC000  }
0x262: {  	[tilespmem:s8], [sflag:$0x1] =	stream.indirect.gather [hbm4b:s1+s10], $0x80, s9, s10, $0xb8;
	[tilespmem:$0x1E000] =	vst v63  }
0x263: {  	_ =	swait.ge [sflag:s16], $0x4000  }
0x264: {  	[sflag:s16] =	ssyncset.done $0x0  }
0x265: {  	[sflag:s16] =	ssyncadd.s32 $0xFFFFC000  }
0x266: {  	[spmem:s3] =	stream.indirect.scatter.add.f32 [tilespmem:s12], [sflag:$0x5], $0x80, s11, s10, $0xb8;
	[tilespmem:$0x1E000] =	vst v63  }
0x267: {  	_ =	swait.ge [sflag:s7], $0x4000  }
0x268: {  	[sflag:s7] =	ssyncset.done $0x0  }
0x269: {  	[sflag:s7] =	ssyncadd.s32 $0xFFFFC000  }
0x26a: {  	[tilespmem:s12], [sflag:$0x2] =	stream.indirect.gather [hbm4b:s1+s10], $0x80, s13, s10, $0xb8;
	[tilespmem:$0x1E000] =	vst v63  }
0x26b: {  	_ =	swait.ge [sflag:s14], $0x4000  }
0x26c: {  	[sflag:s14] =	ssyncset.done $0x0  }
0x26d: {  	[sflag:s14] =	ssyncadd.s32 $0xFFFFC000  }
0x26e: {  	[spmem:s3] =	stream.indirect.scatter.add.f32 [tilespmem:s8], [sflag:$0x5], $0x80, s15, s10, $0xb8;
	[tilespmem:$0x1E000] =	vst v63  }
0x26f: {  	_ =	swait.ge [sflag:s7], $0x4000  }
0x270: {  	[sflag:s7] =	ssyncset.done $0x0  }
0x271: {  	[sflag:s7] =	ssyncadd.s32 $0xFFFFC000  }
0x272: {  	[tilespmem:s8], [sflag:$0x1] =	stream.indirect.gather [hbm4b:s1+s10], $0x80, s17, s10, $0xb8;
	[tilespmem:$0x1E000] =	vst v63  }
0x273: {  	_ =	swait.ge [sflag:s16], $0x4000  }
0x274: {  	[sflag:s16] =	ssyncset.done $0x0  }
0x275: {  	[sflag:s16] =	ssyncadd.s32 $0xFFFFC000  }
0x276: {  	[spmem:s3] =	stream.indirect.scatter.add.f32 [tilespmem:s12], [sflag:$0x5], $0x80, s18, s10, $0xb8;
	[tilespmem:$0x1E000] =	vst v63  }
0x277: {  	_ =	swait.ge [sflag:s7], $0x4000  }
0x278: {  	[sflag:s7] =	ssyncset.done $0x0  }
0x279: {  	[sflag:s7] =	ssyncadd.s32 $0xFFFFC000  }
0x27a: {  	[tilespmem:s12], [sflag:$0x2] =	stream.indirect.gather [hbm4b:s1+s10], $0x80, s19, s10, $0xb8;
	[tilespmem:$0x1E000] =	vst v63  }
0x27b: {  	_ =	swait.ge [sflag:s14], $0x4000  }
0x27c: {  	[sflag:s14] =	ssyncset.done $0x0  }
0x27d: {  	[sflag:s14] =	ssyncadd.s32 $0xFFFFC000  }
0x27e: {  	[spmem:s3] =	stream.indirect.scatter.add.f32 [tilespmem:s8], [sflag:$0x5], $0x80, s20, s10, $0xb8;
	[tilespmem:$0x1E000] =	vst v63  }
0x27f: {  	_ =	swait.ge [sflag:s7], $0x4000  }
0x280: {  	[sflag:s7] =	ssyncset.done $0x0  }
0x281: {  	[sflag:s7] =	ssyncadd.s32 $0xFFFFC000  }
0x282: {  	[tilespmem:s8], [sflag:$0x1] =	stream.indirect.gather [hbm4b:s1+s10], $0x80, s21, s10, $0xb8;
	[tilespmem:$0x1E000] =	vst v63  }
0x283: {  	_ =	swait.ge [sflag:s16], $0x4000  }
0x284: {  	[sflag:s16] =	ssyncset.done $0x0  }
0x285: {  	[sflag:s16] =	ssyncadd.s32 $0xFFFFC000  }
0x286: {  	[spmem:s3] =	stream.indirect.scatter.add.f32 [tilespmem:s12], [sflag:$0x5], $0x80, s22, s10, $0xb8;
	[tilespmem:$0x1E000] =	vst v63  }
0x287: {  	_ =	swait.ge [sflag:s7], $0x4000  }
0x288: {  	[sflag:s7] =	ssyncset.done $0x0  }
0x289: {  	[sflag:s7] =	ssyncadd.s32 $0xFFFFC000  }
0x28a: {  	[tilespmem:s12], [sflag:$0x2] =	stream.indirect.gather [hbm4b:s1+s10], $0x80, s24, s10, $0xb8;
	[tilespmem:$0x1E000] =	vst v63  }
0x28b: {  	_ =	swait.ge [sflag:s14], $0x4000  }
0x28c: {  	[sflag:s14] =	ssyncset.done $0x0  }
0x28d: {  	[sflag:s14] =	ssyncadd.s32 $0xFFFFC000  }
0x28e: {  	[spmem:s3] =	stream.indirect.scatter.add.f32 [tilespmem:s8], [sflag:$0x5], $0x80, s25, s10, $0xb8;
	[tilespmem:$0x1E000] =	vst v63  }
0x28f: {  	_ =	swait.ge [sflag:s7], $0x4000  }
0x290: {  	[sflag:s7] =	ssyncset.done $0x0  }
0x291: {  	[sflag:s7] =	ssyncadd.s32 $0xFFFFC000  }
0x292: {  	[tilespmem:s8], [sflag:$0x1] =	stream.indirect.gather [hbm4b:s1+s10], $0x80, s28, s10, $0xb8;
	[tilespmem:$0x1E000] =	vst v63  }
0x293: {  	_ =	swait.ge [sflag:s16], $0x4000  }
0x294: {  	[sflag:s16] =	ssyncset.done $0x0  }
0x295: {  	s9 =	simm.s32 $0x980;
	[sflag:s16] =	ssyncadd.s32 $0xFFFFC000  }
0x296: {  	[spmem:s3] =	stream.indirect.scatter.add.f32 [tilespmem:s12], [sflag:$0x5], $0x80, s9, s10, $0xb8;
	[tilespmem:$0x1E000] =	vst v63  }
0x297: {  	_ =	swait.ge [sflag:s7], $0x4000  }
0x298: {  	[sflag:s7] =	ssyncset.done $0x0  }
0x299: {  	s11 =	simm.s32 $0xB00;
	[sflag:s7] =	ssyncadd.s32 $0xFFFFC000  }
0x29a: {  	[tilespmem:s12], [sflag:$0x2] =	stream.indirect.gather [hbm4b:s1+s10], $0x80, s11, s10, $0xb8;
	[tilespmem:$0x1E000] =	vst v63  }
0x29b: {  	_ =	swait.ge [sflag:s14], $0x4000  }
0x29c: {  	[sflag:s14] =	ssyncset.done $0x0  }
0x29d: {  	s13 =	simm.s32 $0xA80;
	[sflag:s14] =	ssyncadd.s32 $0xFFFFC000  }
0x29e: {  	[spmem:s3] =	stream.indirect.scatter.add.f32 [tilespmem:s8], [sflag:$0x5], $0x80, s13, s10, $0xb8;
	[tilespmem:$0x1E000] =	vst v63  }
0x29f: {  	_ =	swait.ge [sflag:s7], $0x4000  }
0x2a0: {  	[sflag:s7] =	ssyncset.done $0x0  }
0x2a1: {  	s15 =	simm.s32 $0xC00;
	[sflag:s7] =	ssyncadd.s32 $0xFFFFC000  }
0x2a2: {  	[tilespmem:s8], [sflag:$0x1] =	stream.indirect.gather [hbm4b:s1+s10], $0x80, s15, s10, $0xb8;
	[tilespmem:$0x1E000] =	vst v63  }
0x2a3: {  	_ =	swait.ge [sflag:s16], $0x4000  }
0x2a4: {  	[sflag:s16] =	ssyncset.done $0x0  }
0x2a5: {  	s17 =	simm.s32 $0xB80;
	[sflag:s16] =	ssyncadd.s32 $0xFFFFC000  }
0x2a6: {  	[spmem:s3] =	stream.indirect.scatter.add.f32 [tilespmem:s12], [sflag:$0x5], $0x80, s17, s10, $0xb8;
	[tilespmem:$0x1E000] =	vst v63  }
0x2a7: {  	_ =	swait.ge [sflag:s7], $0x4000  }
0x2a8: {  	[sflag:s7] =	ssyncset.done $0x0  }
0x2a9: {  	s18 =	simm.s32 $0xD00;
	[sflag:s7] =	ssyncadd.s32 $0xFFFFC000  }
0x2aa: {  	[tilespmem:s12], [sflag:$0x2] =	stream.indirect.gather [hbm4b:s1+s10], $0x80, s18, s10, $0xb8;
	[tilespmem:$0x1E000] =	vst v63  }
0x2ab: {  	_ =	swait.ge [sflag:s14], $0x4000  }
0x2ac: {  	[sflag:s14] =	ssyncset.done $0x0  }
0x2ad: {  	s19 =	simm.s32 $0xC80;
	[sflag:s14] =	ssyncadd.s32 $0xFFFFC000  }
0x2ae: {  	[spmem:s3] =	stream.indirect.scatter.add.f32 [tilespmem:s8], [sflag:$0x5], $0x80, s19, s10, $0xb8;
	[tilespmem:$0x1E000] =	vst v63  }
0x2af: {  	_ =	swait.ge [sflag:s7], $0x4000  }
0x2b0: {  	[sflag:s7] =	ssyncset.done $0x0  }
0x2b1: {  	s20 =	simm.s32 $0xE00;
	[sflag:s7] =	ssyncadd.s32 $0xFFFFC000  }
0x2b2: {  	[tilespmem:s8], [sflag:$0x1] =	stream.indirect.gather [hbm4b:s1+s10], $0x80, s20, s10, $0xb8;
	[tilespmem:$0x1E000] =	vst v63  }
0x2b3: {  	_ =	swait.ge [sflag:s16], $0x4000  }
0x2b4: {  	[sflag:s16] =	ssyncset.done $0x0  }
0x2b5: {  	s21 =	simm.s32 $0xD80;
	[sflag:s16] =	ssyncadd.s32 $0xFFFFC000  }
0x2b6: {  	[spmem:s3] =	stream.indirect.scatter.add.f32 [tilespmem:s12], [sflag:$0x5], $0x80, s21, s10, $0xb8;
	[tilespmem:$0x1E000] =	vst v63  }
0x2b7: {  	_ =	swait.ge [sflag:s7], $0x4000  }
0x2b8: {  	[sflag:s7] =	ssyncset.done $0x0  }
0x2b9: {  	s22 =	simm.s32 $0xF00;
	[sflag:s7] =	ssyncadd.s32 $0xFFFFC000  }
0x2ba: {  	[tilespmem:s12], [sflag:$0x2] =	stream.indirect.gather [hbm4b:s1+s10], $0x80, s22, s10, $0xb8;
	[tilespmem:$0x1E000] =	vst v63  }
0x2bb: {  	_ =	swait.ge [sflag:s14], $0x4000  }
0x2bc: {  	[sflag:s14] =	ssyncset.done $0x0  }
0x2bd: {  	[sflag:s14] =	ssyncadd.s32 $0xFFFFC000  }
0x2be: {  	[spmem:s3] =	stream.indirect.scatter.add.f32 [tilespmem:s8], [sflag:$0x5], $0x80, s4, s10, $0xb8;
	[tilespmem:$0x1E000] =	vst v63  }
0x2bf: {  	_ =	swait.ge [sflag:s7], $0x4000  }
0x2c0: {  	[sflag:s7] =	ssyncset.done $0x0  }
0x2c1: {  	[sflag:s7] =	ssyncadd.s32 $0xFFFFC000  }
0x2c2: {  	_ =	swait.ge [sflag:s16], $0x4000  }
0x2c3: {  	[sflag:s16] =	ssyncset.done $0x0  }
0x2c4: {  	[sflag:s16] =	ssyncadd.s32 $0xFFFFC000  }
0x2c5: {  	[spmem:s3] =	stream.indirect.scatter.add.f32 [tilespmem:s12], [sflag:$0x5], $0x80, s23, s10, $0xb8;
	[tilespmem:$0x1E000] =	vst v63  }
0x2c6: {  	_ =	swait.ge [sflag:s7], $0x4000  }
0x2c7: {  	[sflag:s7] =	ssyncset.done $0x0  }
0x2c8: {  	[sflag:s7] =	ssyncadd.s32 $0xFFFFC000  }
0x2c9: {  	[bflag:$0x0] =	sbarrier.arrive $0xFFFF  }
0x2ca: {  	s23 =	rddreg [dreg:$0x14]  }
0x2cb: {  	s24 =	ssub.s32 $0x2, s23  }
0x2cc: {  	s28 =	sshrl.u32 s24, $0x1  }
0x2cd: {  	s26 =	ssub.s32 s24, s28  }
0x2ce: {  	s30 =	stileid.u32;
	s26 =	smax.u32 s26, $0x1  }
0x2cf: {  	s0 =	sshll.u32 s30, $0x6;
	s25 =	rddreg [dreg:$0x7];
	s26 =	sadd.s32 $0xFFFFFFFF, s26  }
0x2d0: {  	s0 =	sor.u32 $0x1C05, s0;
	[dreg:$0x11] =	wrdreg s29;
	p0 =	sne.s32 s26, $0x0  }
.Ltmp0:
0x2d1: {  	s31 =	sshrl.u32 s29, $0x3;
	[dreg:$0x12] =	wrdreg s0;
	(pc) =	sbr.rel @!p0 .LBB2_3-.Ltmp0, $4  }
0x2d2: {  	[dreg:$0x13] =	wrdreg s31  }
0x2d3: {  	[hbm:s25], [sflag:s0] =	dma.local [spmem:s31], $0x2800  }
0x2d4: {  	_ =	swait.ge [sflag:s7], $0x2800  }
0x2d5: {  	[sflag:s7] =	ssyncset.done $0x0  }
0x2d6: {  	s9 =	simm.s32 $0x0;
	s6 =	simm.s32 $0x1180;
	s11 =	simm.s32 $0x1300  }
0x2d7: {  	s17 =	simm.s32 $0x1280;
	s18 =	simm.s32 $0x1400;
	s19 =	simm.s32 $0x1380  }
0x2d8: {  	s20 =	simm.s32 $0x1500;
	s21 =	simm.s32 $0x1480;
	s22 =	simm.s32 $0x1600  }
0x2d9: {  	s24 =	simm.s32 $0x1580;
	s25 =	simm.s32 $0x1700;
	s30 =	simm.s32 $0x1680  }
0x2da: {  	s31 =	simm.s32 $0x1800;
	s15 =	simm.s32 $0x1780;
	s13 =	simm.s32 $0x1900  }
.LBB2_2:
0x2db: {  	[sflag:s7] =	ssyncadd.s32 $0xFFFFD800;
	s29 =	rddreg [dreg:$0x10]  }
0x2dc: {  	[tilespmem:s9], [sflag:$0x3] =	stream.linear.gather [hbm4b:s29+s9], $0x1000, $0x38;
	[tilespmem:$0x1E000] =	vst v63  }
0x2dd: {  	s28 =	rddreg [dreg:$0x6]  }
0x2de: {  	[tilespmem:s8], [sflag:$0x5] =	stream.linear.gather [hbm4b:s28+s9], $0x4000, $0x38;
	[tilespmem:$0x1E000] =	vst v63  }
0x2df: {  	_ =	swait.ge [sflag:s7], $0x4000  }
0x2e0: {  	[sflag:s7] =	ssyncset.done $0x0  }
0x2e1: {  	s0 =	rddreg [dreg:$0x11];
	[sflag:s7] =	ssyncadd.s32 $0xFFFFC000  }
0x2e2: {  	[spmem:s0] =	stream.linear.scatter [tilespmem:s8], [sflag:$0x5], $0x4000, $0x38;
	[tilespmem:$0x1E000] =	vst v63  }
0x2e3: {  	_ =	swait.ge [sflag:s7], $0x4000  }
0x2e4: {  	[sflag:s7] =	ssyncset.done $0x0  }
0x2e5: {  	s2 =	rddreg [dreg:$0x8];
	[sflag:s7] =	ssyncadd.s32 $0xFFFFC000  }
0x2e6: {  	[spmem:s2] =	stream.linear.scatter [tilespmem:s8], [sflag:$0x5], $0x4000, $0x38;
	[tilespmem:$0x1E000] =	vst v63  }
0x2e7: {  	_ =	swait.ge [sflag:s7], $0x4000  }
0x2e8: {  	[sflag:s7] =	ssyncset.done $0x0  }
0x2e9: {  	s4 =	rddreg [dreg:$0x9];
	[sflag:s7] =	ssyncadd.s32 $0xFFFFC000  }
0x2ea: {  	[spmem:s4] =	stream.linear.scatter [tilespmem:s8], [sflag:$0x5], $0x4000, $0x38;
	[tilespmem:$0x1E000] =	vst v63  }
0x2eb: {  	_ =	swait.ge [sflag:s7], $0x4000  }
0x2ec: {  	[sflag:s7] =	ssyncset.done $0x0  }
0x2ed: {  	s5 =	rddreg [dreg:$0xa];
	[sflag:s7] =	ssyncadd.s32 $0xFFFFC000  }
0x2ee: {  	[spmem:s5] =	stream.linear.scatter [tilespmem:s8], [sflag:$0x5], $0x4000, $0x38;
	[tilespmem:$0x1E000] =	vst v63  }
0x2ef: {  	_ =	swait.ge [sflag:s7], $0x4000  }
0x2f0: {  	[sflag:s7] =	ssyncset.done $0x0  }
0x2f1: {  	s23 =	rddreg [dreg:$0xb];
	[sflag:s7] =	ssyncadd.s32 $0xFFFFC000  }
0x2f2: {  	[spmem:s23] =	stream.linear.scatter [tilespmem:s8], [sflag:$0x5], $0x4000, $0x38;
	[tilespmem:$0x1E000] =	vst v63  }
0x2f3: {  	_ =	swait.ge [sflag:s7], $0x4000  }
0x2f4: {  	[sflag:s7] =	ssyncset.done $0x0  }
0x2f5: {  	[sflag:s7] =	ssyncadd.s32 $0xFFFFC000  }
0x2f6: {  	s2 =	simm.s32 $0x3;
	[bflag:$0x0] =	sbarrier.arrive $0xFFFF  }
0x2f7: {  	_ =	swait.ge [sflag:s2], $0x1000  }
0x2f8: {  	[sflag:s2] =	ssyncset.done $0x0  }
0x2f9: {  	[sflag:s2] =	ssyncadd.s32 $0xFFFFF000  }
0x2fa: {  	[tilespmem:s8], [sflag:$0x1] =	stream.indirect.gather [hbm4b:s1+s10], $0x80, s9, s10, $0xb8;
	[tilespmem:$0x1E000] =	vst v63  }
0x2fb: {  	s0 =	simm.s32 $0x100  }
0x2fc: {  	[tilespmem:s12], [sflag:$0x2] =	stream.indirect.gather [hbm4b:s1+s10], $0x80, s0, s10, $0xb8;
	[tilespmem:$0x1E000] =	vst v63  }
0x2fd: {  	s23 =	simm.s32 $0x1000;
	s29 =	rddreg [dreg:$0xf]  }
0x2fe: {  	[tilespmem:s23], [sflag:$0x4] =	stream.linear.gather [hbm4b:s29+s9], $0x1000, $0x38;
	[tilespmem:$0x1E000] =	vst v63  }
0x2ff: {  	_ =	swait.ge [sflag:s14], $0x4000  }
0x300: {  	[sflag:s14] =	ssyncset.done $0x0  }
0x301: {  	[sflag:s14] =	ssyncadd.s32 $0xFFFFC000  }
0x302: {  	[spmem:s3] =	stream.indirect.scatter.add.f32 [tilespmem:s8], [sflag:$0x5], $0x80, s10, s10, $0xb8;
	[tilespmem:$0x1E000] =	vst v63  }
0x303: {  	_ =	swait.ge [sflag:s7], $0x4000  }
0x304: {  	[sflag:s7] =	ssyncset.done $0x0  }
0x305: {  	s4 =	simm.s32 $0x200;
	[sflag:s7] =	ssyncadd.s32 $0xFFFFC000  }
0x306: {  	[tilespmem:s8], [sflag:$0x1] =	stream.indirect.gather [hbm4b:s1+s10], $0x80, s4, s10, $0xb8;
	[tilespmem:$0x1E000] =	vst v63  }
0x307: {  	_ =	swait.ge [sflag:s16], $0x4000  }
0x308: {  	[sflag:s16] =	ssyncset.done $0x0  }
0x309: {  	s5 =	simm.s32 $0x180;
	[sflag:s16] =	ssyncadd.s32 $0xFFFFC000  }
0x30a: {  	[spmem:s3] =	stream.indirect.scatter.add.f32 [tilespmem:s12], [sflag:$0x5], $0x80, s5, s10, $0xb8;
	[tilespmem:$0x1E000] =	vst v63  }
0x30b: {  	_ =	swait.ge [sflag:s7], $0x4000  }
0x30c: {  	[sflag:s7] =	ssyncset.done $0x0  }
0x30d: {  	s28 =	simm.s32 $0x300;
	[sflag:s7] =	ssyncadd.s32 $0xFFFFC000  }
0x30e: {  	[tilespmem:s12], [sflag:$0x2] =	stream.indirect.gather [hbm4b:s1+s10], $0x80, s28, s10, $0xb8;
	[tilespmem:$0x1E000] =	vst v63  }
0x30f: {  	_ =	swait.ge [sflag:s14], $0x4000  }
0x310: {  	[sflag:s14] =	ssyncset.done $0x0  }
0x311: {  	s29 =	simm.s32 $0x280;
	[sflag:s14] =	ssyncadd.s32 $0xFFFFC000  }
0x312: {  	[spmem:s3] =	stream.indirect.scatter.add.f32 [tilespmem:s8], [sflag:$0x5], $0x80, s29, s10, $0xb8;
	[tilespmem:$0x1E000] =	vst v63  }
0x313: {  	_ =	swait.ge [sflag:s7], $0x4000  }
0x314: {  	[sflag:s7] =	ssyncset.done $0x0  }
0x315: {  	s4 =	simm.s32 $0x400;
	[sflag:s7] =	ssyncadd.s32 $0xFFFFC000  }
0x316: {  	[tilespmem:s8], [sflag:$0x1] =	stream.indirect.gather [hbm4b:s1+s10], $0x80, s4, s10, $0xb8;
	[tilespmem:$0x1E000] =	vst v63  }
0x317: {  	_ =	swait.ge [sflag:s16], $0x4000  }
0x318: {  	[sflag:s16] =	ssyncset.done $0x0  }
0x319: {  	s5 =	simm.s32 $0x380;
	[sflag:s16] =	ssyncadd.s32 $0xFFFFC000  }
0x31a: {  	[spmem:s3] =	stream.indirect.scatter.add.f32 [tilespmem:s12], [sflag:$0x5], $0x80, s5, s10, $0xb8;
	[tilespmem:$0x1E000] =	vst v63  }
0x31b: {  	_ =	swait.ge [sflag:s7], $0x4000  }
0x31c: {  	[sflag:s7] =	ssyncset.done $0x0  }
0x31d: {  	s28 =	simm.s32 $0x500;
	[sflag:s7] =	ssyncadd.s32 $0xFFFFC000  }
0x31e: {  	[tilespmem:s12], [sflag:$0x2] =	stream.indirect.gather [hbm4b:s1+s10], $0x80, s28, s10, $0xb8;
	[tilespmem:$0x1E000] =	vst v63  }
0x31f: {  	_ =	swait.ge [sflag:s14], $0x4000  }
0x320: {  	[sflag:s14] =	ssyncset.done $0x0  }
0x321: {  	s29 =	simm.s32 $0x480;
	[sflag:s14] =	ssyncadd.s32 $0xFFFFC000  }
0x322: {  	[spmem:s3] =	stream.indirect.scatter.add.f32 [tilespmem:s8], [sflag:$0x5], $0x80, s29, s10, $0xb8;
	[tilespmem:$0x1E000] =	vst v63  }
0x323: {  	_ =	swait.ge [sflag:s7], $0x4000  }
0x324: {  	[sflag:s7] =	ssyncset.done $0x0  }
0x325: {  	s4 =	simm.s32 $0x600;
	[sflag:s7] =	ssyncadd.s32 $0xFFFFC000  }
0x326: {  	[tilespmem:s8], [sflag:$0x1] =	stream.indirect.gather [hbm4b:s1+s10], $0x80, s4, s10, $0xb8;
	[tilespmem:$0x1E000] =	vst v63  }
0x327: {  	_ =	swait.ge [sflag:s16], $0x4000  }
0x328: {  	[sflag:s16] =	ssyncset.done $0x0  }
0x329: {  	s5 =	simm.s32 $0x580;
	[sflag:s16] =	ssyncadd.s32 $0xFFFFC000  }
0x32a: {  	[spmem:s3] =	stream.indirect.scatter.add.f32 [tilespmem:s12], [sflag:$0x5], $0x80, s5, s10, $0xb8;
	[tilespmem:$0x1E000] =	vst v63  }
0x32b: {  	_ =	swait.ge [sflag:s7], $0x4000  }
0x32c: {  	[sflag:s7] =	ssyncset.done $0x0  }
0x32d: {  	s28 =	simm.s32 $0x700;
	[sflag:s7] =	ssyncadd.s32 $0xFFFFC000  }
0x32e: {  	[tilespmem:s12], [sflag:$0x2] =	stream.indirect.gather [hbm4b:s1+s10], $0x80, s28, s10, $0xb8;
	[tilespmem:$0x1E000] =	vst v63  }
0x32f: {  	_ =	swait.ge [sflag:s14], $0x4000  }
0x330: {  	[sflag:s14] =	ssyncset.done $0x0  }
0x331: {  	s29 =	simm.s32 $0x680;
	[sflag:s14] =	ssyncadd.s32 $0xFFFFC000  }
0x332: {  	[spmem:s3] =	stream.indirect.scatter.add.f32 [tilespmem:s8], [sflag:$0x5], $0x80, s29, s10, $0xb8;
	[tilespmem:$0x1E000] =	vst v63  }
0x333: {  	_ =	swait.ge [sflag:s7], $0x4000  }
0x334: {  	[sflag:s7] =	ssyncset.done $0x0  }
0x335: {  	s4 =	simm.s32 $0x800;
	[sflag:s7] =	ssyncadd.s32 $0xFFFFC000  }
0x336: {  	[tilespmem:s8], [sflag:$0x1] =	stream.indirect.gather [hbm4b:s1+s10], $0x80, s4, s10, $0xb8;
	[tilespmem:$0x1E000] =	vst v63  }
0x337: {  	_ =	swait.ge [sflag:s16], $0x4000  }
0x338: {  	[sflag:s16] =	ssyncset.done $0x0  }
0x339: {  	s5 =	simm.s32 $0x780;
	[sflag:s16] =	ssyncadd.s32 $0xFFFFC000  }
0x33a: {  	[spmem:s3] =	stream.indirect.scatter.add.f32 [tilespmem:s12], [sflag:$0x5], $0x80, s5, s10, $0xb8;
	[tilespmem:$0x1E000] =	vst v63  }
0x33b: {  	_ =	swait.ge [sflag:s7], $0x4000  }
0x33c: {  	[sflag:s7] =	ssyncset.done $0x0  }
0x33d: {  	s28 =	simm.s32 $0x900;
	[sflag:s7] =	ssyncadd.s32 $0xFFFFC000  }
0x33e: {  	[tilespmem:s12], [sflag:$0x2] =	stream.indirect.gather [hbm4b:s1+s10], $0x80, s28, s10, $0xb8;
	[tilespmem:$0x1E000] =	vst v63  }
0x33f: {  	_ =	swait.ge [sflag:s14], $0x4000  }
0x340: {  	[sflag:s14] =	ssyncset.done $0x0  }
0x341: {  	s29 =	simm.s32 $0x880;
	[sflag:s14] =	ssyncadd.s32 $0xFFFFC000  }
0x342: {  	[spmem:s3] =	stream.indirect.scatter.add.f32 [tilespmem:s8], [sflag:$0x5], $0x80, s29, s10, $0xb8;
	[tilespmem:$0x1E000] =	vst v63  }
0x343: {  	_ =	swait.ge [sflag:s7], $0x4000  }
0x344: {  	[sflag:s7] =	ssyncset.done $0x0  }
0x345: {  	s4 =	simm.s32 $0xA00;
	[sflag:s7] =	ssyncadd.s32 $0xFFFFC000  }
0x346: {  	[tilespmem:s8], [sflag:$0x1] =	stream.indirect.gather [hbm4b:s1+s10], $0x80, s4, s10, $0xb8;
	[tilespmem:$0x1E000] =	vst v63  }
0x347: {  	_ =	swait.ge [sflag:s16], $0x4000  }
0x348: {  	[sflag:s16] =	ssyncset.done $0x0  }
0x349: {  	s5 =	simm.s32 $0x980;
	[sflag:s16] =	ssyncadd.s32 $0xFFFFC000  }
0x34a: {  	[spmem:s3] =	stream.indirect.scatter.add.f32 [tilespmem:s12], [sflag:$0x5], $0x80, s5, s10, $0xb8;
	[tilespmem:$0x1E000] =	vst v63  }
0x34b: {  	_ =	swait.ge [sflag:s7], $0x4000  }
0x34c: {  	[sflag:s7] =	ssyncset.done $0x0  }
0x34d: {  	s28 =	simm.s32 $0xB00;
	[sflag:s7] =	ssyncadd.s32 $0xFFFFC000  }
0x34e: {  	[tilespmem:s12], [sflag:$0x2] =	stream.indirect.gather [hbm4b:s1+s10], $0x80, s28, s10, $0xb8;
	[tilespmem:$0x1E000] =	vst v63  }
0x34f: {  	_ =	swait.ge [sflag:s14], $0x4000  }
0x350: {  	[sflag:s14] =	ssyncset.done $0x0  }
0x351: {  	s29 =	simm.s32 $0xA80;
	[sflag:s14] =	ssyncadd.s32 $0xFFFFC000  }
0x352: {  	[spmem:s3] =	stream.indirect.scatter.add.f32 [tilespmem:s8], [sflag:$0x5], $0x80, s29, s10, $0xb8;
	[tilespmem:$0x1E000] =	vst v63  }
0x353: {  	_ =	swait.ge [sflag:s7], $0x4000  }
0x354: {  	[sflag:s7] =	ssyncset.done $0x0  }
0x355: {  	s4 =	simm.s32 $0xC00;
	[sflag:s7] =	ssyncadd.s32 $0xFFFFC000  }
0x356: {  	[tilespmem:s8], [sflag:$0x1] =	stream.indirect.gather [hbm4b:s1+s10], $0x80, s4, s10, $0xb8;
	[tilespmem:$0x1E000] =	vst v63  }
0x357: {  	_ =	swait.ge [sflag:s16], $0x4000  }
0x358: {  	[sflag:s16] =	ssyncset.done $0x0  }
0x359: {  	s5 =	simm.s32 $0xB80;
	[sflag:s16] =	ssyncadd.s32 $0xFFFFC000  }
0x35a: {  	[spmem:s3] =	stream.indirect.scatter.add.f32 [tilespmem:s12], [sflag:$0x5], $0x80, s5, s10, $0xb8;
	[tilespmem:$0x1E000] =	vst v63  }
0x35b: {  	_ =	swait.ge [sflag:s7], $0x4000  }
0x35c: {  	[sflag:s7] =	ssyncset.done $0x0  }
0x35d: {  	s28 =	simm.s32 $0xD00;
	[sflag:s7] =	ssyncadd.s32 $0xFFFFC000  }
0x35e: {  	[tilespmem:s12], [sflag:$0x2] =	stream.indirect.gather [hbm4b:s1+s10], $0x80, s28, s10, $0xb8;
	[tilespmem:$0x1E000] =	vst v63  }
0x35f: {  	_ =	swait.ge [sflag:s14], $0x4000  }
0x360: {  	[sflag:s14] =	ssyncset.done $0x0  }
0x361: {  	s29 =	simm.s32 $0xC80;
	[sflag:s14] =	ssyncadd.s32 $0xFFFFC000  }
0x362: {  	[spmem:s3] =	stream.indirect.scatter.add.f32 [tilespmem:s8], [sflag:$0x5], $0x80, s29, s10, $0xb8;
	[tilespmem:$0x1E000] =	vst v63  }
0x363: {  	_ =	swait.ge [sflag:s7], $0x4000  }
0x364: {  	[sflag:s7] =	ssyncset.done $0x0  }
0x365: {  	s4 =	simm.s32 $0xE00;
	[sflag:s7] =	ssyncadd.s32 $0xFFFFC000  }
0x366: {  	[tilespmem:s8], [sflag:$0x1] =	stream.indirect.gather [hbm4b:s1+s10], $0x80, s4, s10, $0xb8;
	[tilespmem:$0x1E000] =	vst v63  }
0x367: {  	_ =	swait.ge [sflag:s16], $0x4000  }
0x368: {  	[sflag:s16] =	ssyncset.done $0x0  }
0x369: {  	s5 =	simm.s32 $0xD80;
	[sflag:s16] =	ssyncadd.s32 $0xFFFFC000  }
0x36a: {  	[spmem:s3] =	stream.indirect.scatter.add.f32 [tilespmem:s12], [sflag:$0x5], $0x80, s5, s10, $0xb8;
	[tilespmem:$0x1E000] =	vst v63  }
0x36b: {  	_ =	swait.ge [sflag:s7], $0x4000  }
0x36c: {  	[sflag:s7] =	ssyncset.done $0x0  }
0x36d: {  	s0 =	simm.s32 $0x4;
	s28 =	simm.s32 $0xF00;
	[sflag:s7] =	ssyncadd.s32 $0xFFFFC000  }
0x36e: {  	[tilespmem:s12], [sflag:$0x2] =	stream.indirect.gather [hbm4b:s1+s10], $0x80, s28, s10, $0xb8;
	[tilespmem:$0x1E000] =	vst v63  }
0x36f: {  	_ =	swait.ge [sflag:s0], $0x1000  }
0x370: {  	[sflag:s0] =	ssyncset.done $0x0  }
0x371: {  	[sflag:s0] =	ssyncadd.s32 $0xFFFFF000  }
0x372: {  	_ =	swait.ge [sflag:s14], $0x4000  }
0x373: {  	[sflag:s14] =	ssyncset.done $0x0  }
0x374: {  	s4 =	simm.s32 $0xE80;
	[sflag:s14] =	ssyncadd.s32 $0xFFFFC000  }
0x375: {  	[spmem:s3] =	stream.indirect.scatter.add.f32 [tilespmem:s8], [sflag:$0x5], $0x80, s4, s10, $0xb8;
	[tilespmem:$0x1E000] =	vst v63  }
0x376: {  	_ =	swait.ge [sflag:s7], $0x4000  }
0x377: {  	[sflag:s7] =	ssyncset.done $0x0  }
0x378: {  	[sflag:s7] =	ssyncadd.s32 $0xFFFFC000  }
0x379: {  	[tilespmem:s8], [sflag:$0x1] =	stream.indirect.gather [hbm4b:s1+s10], $0x80, s23, s10, $0xb8;
	[tilespmem:$0x1E000] =	vst v63  }
0x37a: {  	_ =	swait.ge [sflag:s16], $0x4000  }
0x37b: {  	[sflag:s16] =	ssyncset.done $0x0  }
0x37c: {  	s29 =	simm.s32 $0xF80;
	[sflag:s16] =	ssyncadd.s32 $0xFFFFC000  }
0x37d: {  	[spmem:s3] =	stream.indirect.scatter.add.f32 [tilespmem:s12], [sflag:$0x5], $0x80, s29, s10, $0xb8;
	[tilespmem:$0x1E000] =	vst v63  }
0x37e: {  	_ =	swait.ge [sflag:s7], $0x4000  }
0x37f: {  	[sflag:s7] =	ssyncset.done $0x0  }
0x380: {  	s29 =	simm.s32 $0x1100;
	[sflag:s7] =	ssyncadd.s32 $0xFFFFC000  }
0x381: {  	[tilespmem:s12], [sflag:$0x2] =	stream.indirect.gather [hbm4b:s1+s10], $0x80, s29, s10, $0xb8;
	[tilespmem:$0x1E000] =	vst v63  }
0x382: {  	s4 =	rddreg [dreg:$0xe]  }
0x383: {  	[tilespmem:s9], [sflag:$0x3] =	stream.linear.gather [hbm4b:s4+s9], $0x1000, $0x38;
	[tilespmem:$0x1E000] =	vst v63  }
0x384: {  	_ =	swait.ge [sflag:s14], $0x4000  }
0x385: {  	[sflag:s14] =	ssyncset.done $0x0  }
0x386: {  	s5 =	simm.s32 $0x1080;
	[sflag:s14] =	ssyncadd.s32 $0xFFFFC000  }
0x387: {  	[spmem:s3] =	stream.indirect.scatter.add.f32 [tilespmem:s8], [sflag:$0x5], $0x80, s5, s10, $0xb8;
	[tilespmem:$0x1E000] =	vst v63  }
0x388: {  	_ =	swait.ge [sflag:s7], $0x4000  }
0x389: {  	[sflag:s7] =	ssyncset.done $0x0  }
0x38a: {  	s5 =	simm.s32 $0x1200;
	[sflag:s7] =	ssyncadd.s32 $0xFFFFC000  }
0x38b: {  	[tilespmem:s8], [sflag:$0x1] =	stream.indirect.gather [hbm4b:s1+s10], $0x80, s5, s10, $0xb8;
	[tilespmem:$0x1E000] =	vst v63  }
0x38c: {  	_ =	swait.ge [sflag:s16], $0x4000  }
0x38d: {  	[sflag:s16] =	ssyncset.done $0x0  }
0x38e: {  	[sflag:s16] =	ssyncadd.s32 $0xFFFFC000  }
0x38f: {  	[spmem:s3] =	stream.indirect.scatter.add.f32 [tilespmem:s12], [sflag:$0x5], $0x80, s6, s10, $0xb8;
	[tilespmem:$0x1E000] =	vst v63  }
0x390: {  	_ =	swait.ge [sflag:s7], $0x4000  }
0x391: {  	[sflag:s7] =	ssyncset.done $0x0  }
0x392: {  	[sflag:s7] =	ssyncadd.s32 $0xFFFFC000  }
0x393: {  	[tilespmem:s12], [sflag:$0x2] =	stream.indirect.gather [hbm4b:s1+s10], $0x80, s11, s10, $0xb8;
	[tilespmem:$0x1E000] =	vst v63  }
0x394: {  	_ =	swait.ge [sflag:s14], $0x4000  }
0x395: {  	[sflag:s14] =	ssyncset.done $0x0  }
0x396: {  	[sflag:s14] =	ssyncadd.s32 $0xFFFFC000  }
0x397: {  	[spmem:s3] =	stream.indirect.scatter.add.f32 [tilespmem:s8], [sflag:$0x5], $0x80, s17, s10, $0xb8;
	[tilespmem:$0x1E000] =	vst v63  }
0x398: {  	_ =	swait.ge [sflag:s7], $0x4000  }
0x399: {  	[sflag:s7] =	ssyncset.done $0x0  }
0x39a: {  	[sflag:s7] =	ssyncadd.s32 $0xFFFFC000  }
0x39b: {  	[tilespmem:s8], [sflag:$0x1] =	stream.indirect.gather [hbm4b:s1+s10], $0x80, s18, s10, $0xb8;
	[tilespmem:$0x1E000] =	vst v63  }
0x39c: {  	_ =	swait.ge [sflag:s16], $0x4000  }
0x39d: {  	[sflag:s16] =	ssyncset.done $0x0  }
0x39e: {  	[sflag:s16] =	ssyncadd.s32 $0xFFFFC000  }
0x39f: {  	[spmem:s3] =	stream.indirect.scatter.add.f32 [tilespmem:s12], [sflag:$0x5], $0x80, s19, s10, $0xb8;
	[tilespmem:$0x1E000] =	vst v63  }
0x3a0: {  	_ =	swait.ge [sflag:s7], $0x4000  }
0x3a1: {  	[sflag:s7] =	ssyncset.done $0x0  }
0x3a2: {  	[sflag:s7] =	ssyncadd.s32 $0xFFFFC000  }
0x3a3: {  	[tilespmem:s12], [sflag:$0x2] =	stream.indirect.gather [hbm4b:s1+s10], $0x80, s20, s10, $0xb8;
	[tilespmem:$0x1E000] =	vst v63  }
0x3a4: {  	_ =	swait.ge [sflag:s14], $0x4000  }
0x3a5: {  	[sflag:s14] =	ssyncset.done $0x0  }
0x3a6: {  	[sflag:s14] =	ssyncadd.s32 $0xFFFFC000  }
0x3a7: {  	[spmem:s3] =	stream.indirect.scatter.add.f32 [tilespmem:s8], [sflag:$0x5], $0x80, s21, s10, $0xb8;
	[tilespmem:$0x1E000] =	vst v63  }
0x3a8: {  	_ =	swait.ge [sflag:s7], $0x4000  }
0x3a9: {  	[sflag:s7] =	ssyncset.done $0x0  }
0x3aa: {  	[sflag:s7] =	ssyncadd.s32 $0xFFFFC000  }
0x3ab: {  	[tilespmem:s8], [sflag:$0x1] =	stream.indirect.gather [hbm4b:s1+s10], $0x80, s22, s10, $0xb8;
	[tilespmem:$0x1E000] =	vst v63  }
0x3ac: {  	_ =	swait.ge [sflag:s16], $0x4000  }
0x3ad: {  	[sflag:s16] =	ssyncset.done $0x0  }
0x3ae: {  	[sflag:s16] =	ssyncadd.s32 $0xFFFFC000  }
0x3af: {  	[spmem:s3] =	stream.indirect.scatter.add.f32 [tilespmem:s12], [sflag:$0x5], $0x80, s24, s10, $0xb8;
	[tilespmem:$0x1E000] =	vst v63  }
0x3b0: {  	_ =	swait.ge [sflag:s7], $0x4000  }
0x3b1: {  	[sflag:s7] =	ssyncset.done $0x0  }
0x3b2: {  	[sflag:s7] =	ssyncadd.s32 $0xFFFFC000  }
0x3b3: {  	[tilespmem:s12], [sflag:$0x2] =	stream.indirect.gather [hbm4b:s1+s10], $0x80, s25, s10, $0xb8;
	[tilespmem:$0x1E000] =	vst v63  }
0x3b4: {  	_ =	swait.ge [sflag:s14], $0x4000  }
0x3b5: {  	[sflag:s14] =	ssyncset.done $0x0  }
0x3b6: {  	[sflag:s14] =	ssyncadd.s32 $0xFFFFC000  }
0x3b7: {  	[spmem:s3] =	stream.indirect.scatter.add.f32 [tilespmem:s8], [sflag:$0x5], $0x80, s30, s10, $0xb8;
	[tilespmem:$0x1E000] =	vst v63  }
0x3b8: {  	_ =	swait.ge [sflag:s7], $0x4000  }
0x3b9: {  	[sflag:s7] =	ssyncset.done $0x0  }
0x3ba: {  	[sflag:s7] =	ssyncadd.s32 $0xFFFFC000  }
0x3bb: {  	[tilespmem:s8], [sflag:$0x1] =	stream.indirect.gather [hbm4b:s1+s10], $0x80, s31, s10, $0xb8;
	[tilespmem:$0x1E000] =	vst v63  }
0x3bc: {  	_ =	swait.ge [sflag:s16], $0x4000  }
0x3bd: {  	[sflag:s16] =	ssyncset.done $0x0  }
0x3be: {  	[sflag:s16] =	ssyncadd.s32 $0xFFFFC000  }
0x3bf: {  	[spmem:s3] =	stream.indirect.scatter.add.f32 [tilespmem:s12], [sflag:$0x5], $0x80, s15, s10, $0xb8;
	[tilespmem:$0x1E000] =	vst v63  }
0x3c0: {  	_ =	swait.ge [sflag:s7], $0x4000  }
0x3c1: {  	[sflag:s7] =	ssyncset.done $0x0  }
0x3c2: {  	[sflag:s7] =	ssyncadd.s32 $0xFFFFC000  }
0x3c3: {  	[tilespmem:s12], [sflag:$0x2] =	stream.indirect.gather [hbm4b:s1+s10], $0x80, s13, s10, $0xb8;
	[tilespmem:$0x1E000] =	vst v63  }
0x3c4: {  	_ =	swait.ge [sflag:s14], $0x4000  }
0x3c5: {  	[sflag:s14] =	ssyncset.done $0x0  }
0x3c6: {  	s28 =	simm.s32 $0x1880;
	[sflag:s14] =	ssyncadd.s32 $0xFFFFC000  }
0x3c7: {  	[spmem:s3] =	stream.indirect.scatter.add.f32 [tilespmem:s8], [sflag:$0x5], $0x80, s28, s10, $0xb8;
	[tilespmem:$0x1E000] =	vst v63  }
0x3c8: {  	_ =	swait.ge [sflag:s7], $0x4000  }
0x3c9: {  	[sflag:s7] =	ssyncset.done $0x0  }
0x3ca: {  	s28 =	simm.s32 $0x1A00;
	[sflag:s7] =	ssyncadd.s32 $0xFFFFC000  }
0x3cb: {  	[tilespmem:s8], [sflag:$0x1] =	stream.indirect.gather [hbm4b:s1+s10], $0x80, s28, s10, $0xb8;
	[tilespmem:$0x1E000] =	vst v63  }
0x3cc: {  	_ =	swait.ge [sflag:s16], $0x4000  }
0x3cd: {  	[sflag:s16] =	ssyncset.done $0x0  }
0x3ce: {  	s28 =	simm.s32 $0x1980;
	[sflag:s16] =	ssyncadd.s32 $0xFFFFC000  }
0x3cf: {  	[spmem:s3] =	stream.indirect.scatter.add.f32 [tilespmem:s12], [sflag:$0x5], $0x80, s28, s10, $0xb8;
	[tilespmem:$0x1E000] =	vst v63  }
0x3d0: {  	_ =	swait.ge [sflag:s7], $0x4000  }
0x3d1: {  	[sflag:s7] =	ssyncset.done $0x0  }
0x3d2: {  	s28 =	simm.s32 $0x1B00;
	[sflag:s7] =	ssyncadd.s32 $0xFFFFC000  }
0x3d3: {  	[tilespmem:s12], [sflag:$0x2] =	stream.indirect.gather [hbm4b:s1+s10], $0x80, s28, s10, $0xb8;
	[tilespmem:$0x1E000] =	vst v63  }
0x3d4: {  	_ =	swait.ge [sflag:s14], $0x4000  }
0x3d5: {  	[sflag:s14] =	ssyncset.done $0x0  }
0x3d6: {  	s28 =	simm.s32 $0x1A80;
	[sflag:s14] =	ssyncadd.s32 $0xFFFFC000  }
0x3d7: {  	[spmem:s3] =	stream.indirect.scatter.add.f32 [tilespmem:s8], [sflag:$0x5], $0x80, s28, s10, $0xb8;
	[tilespmem:$0x1E000] =	vst v63  }
0x3d8: {  	_ =	swait.ge [sflag:s7], $0x4000  }
0x3d9: {  	[sflag:s7] =	ssyncset.done $0x0  }
0x3da: {  	s28 =	simm.s32 $0x1C00;
	[sflag:s7] =	ssyncadd.s32 $0xFFFFC000  }
0x3db: {  	[tilespmem:s8], [sflag:$0x1] =	stream.indirect.gather [hbm4b:s1+s10], $0x80, s28, s10, $0xb8;
	[tilespmem:$0x1E000] =	vst v63  }
0x3dc: {  	_ =	swait.ge [sflag:s16], $0x4000  }
0x3dd: {  	[sflag:s16] =	ssyncset.done $0x0  }
0x3de: {  	s28 =	simm.s32 $0x1B80;
	[sflag:s16] =	ssyncadd.s32 $0xFFFFC000  }
0x3df: {  	[spmem:s3] =	stream.indirect.scatter.add.f32 [tilespmem:s12], [sflag:$0x5], $0x80, s28, s10, $0xb8;
	[tilespmem:$0x1E000] =	vst v63  }
0x3e0: {  	_ =	swait.ge [sflag:s7], $0x4000  }
0x3e1: {  	[sflag:s7] =	ssyncset.done $0x0  }
0x3e2: {  	s28 =	simm.s32 $0x1D00;
	[sflag:s7] =	ssyncadd.s32 $0xFFFFC000  }
0x3e3: {  	[tilespmem:s12], [sflag:$0x2] =	stream.indirect.gather [hbm4b:s1+s10], $0x80, s28, s10, $0xb8;
	[tilespmem:$0x1E000] =	vst v63  }
0x3e4: {  	_ =	swait.ge [sflag:s14], $0x4000  }
0x3e5: {  	[sflag:s14] =	ssyncset.done $0x0  }
0x3e6: {  	s28 =	simm.s32 $0x1C80;
	[sflag:s14] =	ssyncadd.s32 $0xFFFFC000  }
0x3e7: {  	[spmem:s3] =	stream.indirect.scatter.add.f32 [tilespmem:s8], [sflag:$0x5], $0x80, s28, s10, $0xb8;
	[tilespmem:$0x1E000] =	vst v63  }
0x3e8: {  	_ =	swait.ge [sflag:s7], $0x4000  }
0x3e9: {  	[sflag:s7] =	ssyncset.done $0x0  }
0x3ea: {  	s28 =	simm.s32 $0x1E00;
	[sflag:s7] =	ssyncadd.s32 $0xFFFFC000  }
0x3eb: {  	[tilespmem:s8], [sflag:$0x1] =	stream.indirect.gather [hbm4b:s1+s10], $0x80, s28, s10, $0xb8;
	[tilespmem:$0x1E000] =	vst v63  }
0x3ec: {  	_ =	swait.ge [sflag:s16], $0x4000  }
0x3ed: {  	[sflag:s16] =	ssyncset.done $0x0  }
0x3ee: {  	s28 =	simm.s32 $0x1D80;
	[sflag:s16] =	ssyncadd.s32 $0xFFFFC000  }
0x3ef: {  	[spmem:s3] =	stream.indirect.scatter.add.f32 [tilespmem:s12], [sflag:$0x5], $0x80, s28, s10, $0xb8;
	[tilespmem:$0x1E000] =	vst v63  }
0x3f0: {  	_ =	swait.ge [sflag:s7], $0x4000  }
0x3f1: {  	[sflag:s7] =	ssyncset.done $0x0  }
0x3f2: {  	s28 =	simm.s32 $0x1F00;
	[sflag:s7] =	ssyncadd.s32 $0xFFFFC000  }
0x3f3: {  	[tilespmem:s12], [sflag:$0x2] =	stream.indirect.gather [hbm4b:s1+s10], $0x80, s28, s10, $0xb8;
	[tilespmem:$0x1E000] =	vst v63  }
0x3f4: {  	_ =	swait.ge [sflag:s2], $0x1000  }
0x3f5: {  	[sflag:s2] =	ssyncset.done $0x0  }
0x3f6: {  	[sflag:s2] =	ssyncadd.s32 $0xFFFFF000  }
0x3f7: {  	_ =	swait.ge [sflag:s14], $0x4000  }
0x3f8: {  	[sflag:s14] =	ssyncset.done $0x0  }
0x3f9: {  	s28 =	simm.s32 $0x1E80;
	[sflag:s14] =	ssyncadd.s32 $0xFFFFC000  }
0x3fa: {  	[spmem:s3] =	stream.indirect.scatter.add.f32 [tilespmem:s8], [sflag:$0x5], $0x80, s28, s10, $0xb8;
	[tilespmem:$0x1E000] =	vst v63  }
0x3fb: {  	_ =	swait.ge [sflag:s7], $0x4000  }
0x3fc: {  	[sflag:s7] =	ssyncset.done $0x0  }
0x3fd: {  	[sflag:s7] =	ssyncadd.s32 $0xFFFFC000  }
0x3fe: {  	[tilespmem:s8], [sflag:$0x1] =	stream.indirect.gather [hbm4b:s1+s10], $0x80, s9, s10, $0xb8;
	[tilespmem:$0x1E000] =	vst v63  }
0x3ff: {  	_ =	swait.ge [sflag:s16], $0x4000  }
0x400: {  	[sflag:s16] =	ssyncset.done $0x0  }
0x401: {  	s28 =	simm.s32 $0x1F80;
	[sflag:s16] =	ssyncadd.s32 $0xFFFFC000  }
0x402: {  	[spmem:s3] =	stream.indirect.scatter.add.f32 [tilespmem:s12], [sflag:$0x5], $0x80, s28, s10, $0xb8;
	[tilespmem:$0x1E000] =	vst v63  }
0x403: {  	_ =	swait.ge [sflag:s7], $0x4000  }
0x404: {  	[sflag:s7] =	ssyncset.done $0x0  }
0x405: {  	s4 =	simm.s32 $0x100;
	[sflag:s7] =	ssyncadd.s32 $0xFFFFC000  }
0x406: {  	[tilespmem:s12], [sflag:$0x2] =	stream.indirect.gather [hbm4b:s1+s10], $0x80, s4, s10, $0xb8;
	[tilespmem:$0x1E000] =	vst v63  }
0x407: {  	s28 =	rddreg [dreg:$0xd]  }
0x408: {  	[tilespmem:s23], [sflag:$0x4] =	stream.linear.gather [hbm4b:s28+s9], $0x1000, $0x38;
	[tilespmem:$0x1E000] =	vst v63  }
0x409: {  	_ =	swait.ge [sflag:s14], $0x4000  }
0x40a: {  	[sflag:s14] =	ssyncset.done $0x0  }
0x40b: {  	[sflag:s14] =	ssyncadd.s32 $0xFFFFC000  }
0x40c: {  	[spmem:s3] =	stream.indirect.scatter.add.f32 [tilespmem:s8], [sflag:$0x5], $0x80, s10, s10, $0xb8;
	[tilespmem:$0x1E000] =	vst v63  }
0x40d: {  	_ =	swait.ge [sflag:s7], $0x4000  }
0x40e: {  	[sflag:s7] =	ssyncset.done $0x0  }
0x40f: {  	s4 =	simm.s32 $0x200;
	[sflag:s7] =	ssyncadd.s32 $0xFFFFC000  }
0x410: {  	[tilespmem:s8], [sflag:$0x1] =	stream.indirect.gather [hbm4b:s1+s10], $0x80, s4, s10, $0xb8;
	[tilespmem:$0x1E000] =	vst v63  }
0x411: {  	_ =	swait.ge [sflag:s16], $0x4000  }
0x412: {  	[sflag:s16] =	ssyncset.done $0x0  }
0x413: {  	s28 =	simm.s32 $0x180;
	[sflag:s16] =	ssyncadd.s32 $0xFFFFC000  }
0x414: {  	[spmem:s3] =	stream.indirect.scatter.add.f32 [tilespmem:s12], [sflag:$0x5], $0x80, s28, s10, $0xb8;
	[tilespmem:$0x1E000] =	vst v63  }
0x415: {  	_ =	swait.ge [sflag:s7], $0x4000  }
0x416: {  	[sflag:s7] =	ssyncset.done $0x0  }
0x417: {  	s28 =	simm.s32 $0x300;
	[sflag:s7] =	ssyncadd.s32 $0xFFFFC000  }
0x418: {  	[tilespmem:s12], [sflag:$0x2] =	stream.indirect.gather [hbm4b:s1+s10], $0x80, s28, s10, $0xb8;
	[tilespmem:$0x1E000] =	vst v63  }
0x419: {  	_ =	swait.ge [sflag:s14], $0x4000  }
0x41a: {  	[sflag:s14] =	ssyncset.done $0x0  }
0x41b: {  	s28 =	simm.s32 $0x280;
	[sflag:s14] =	ssyncadd.s32 $0xFFFFC000  }
0x41c: {  	[spmem:s3] =	stream.indirect.scatter.add.f32 [tilespmem:s8], [sflag:$0x5], $0x80, s28, s10, $0xb8;
	[tilespmem:$0x1E000] =	vst v63  }
0x41d: {  	_ =	swait.ge [sflag:s7], $0x4000  }
0x41e: {  	[sflag:s7] =	ssyncset.done $0x0  }
0x41f: {  	s28 =	simm.s32 $0x400;
	[sflag:s7] =	ssyncadd.s32 $0xFFFFC000  }
0x420: {  	[tilespmem:s8], [sflag:$0x1] =	stream.indirect.gather [hbm4b:s1+s10], $0x80, s28, s10, $0xb8;
	[tilespmem:$0x1E000] =	vst v63  }
0x421: {  	_ =	swait.ge [sflag:s16], $0x4000  }
0x422: {  	[sflag:s16] =	ssyncset.done $0x0  }
0x423: {  	s28 =	simm.s32 $0x380;
	[sflag:s16] =	ssyncadd.s32 $0xFFFFC000  }
0x424: {  	[spmem:s3] =	stream.indirect.scatter.add.f32 [tilespmem:s12], [sflag:$0x5], $0x80, s28, s10, $0xb8;
	[tilespmem:$0x1E000] =	vst v63  }
0x425: {  	_ =	swait.ge [sflag:s7], $0x4000  }
0x426: {  	[sflag:s7] =	ssyncset.done $0x0  }
0x427: {  	s28 =	simm.s32 $0x500;
	[sflag:s7] =	ssyncadd.s32 $0xFFFFC000  }
0x428: {  	[tilespmem:s12], [sflag:$0x2] =	stream.indirect.gather [hbm4b:s1+s10], $0x80, s28, s10, $0xb8;
	[tilespmem:$0x1E000] =	vst v63  }
0x429: {  	_ =	swait.ge [sflag:s14], $0x4000  }
0x42a: {  	[sflag:s14] =	ssyncset.done $0x0  }
0x42b: {  	s28 =	simm.s32 $0x480;
	[sflag:s14] =	ssyncadd.s32 $0xFFFFC000  }
0x42c: {  	[spmem:s3] =	stream.indirect.scatter.add.f32 [tilespmem:s8], [sflag:$0x5], $0x80, s28, s10, $0xb8;
	[tilespmem:$0x1E000] =	vst v63  }
0x42d: {  	_ =	swait.ge [sflag:s7], $0x4000  }
0x42e: {  	[sflag:s7] =	ssyncset.done $0x0  }
0x42f: {  	s28 =	simm.s32 $0x600;
	[sflag:s7] =	ssyncadd.s32 $0xFFFFC000  }
0x430: {  	[tilespmem:s8], [sflag:$0x1] =	stream.indirect.gather [hbm4b:s1+s10], $0x80, s28, s10, $0xb8;
	[tilespmem:$0x1E000] =	vst v63  }
0x431: {  	_ =	swait.ge [sflag:s16], $0x4000  }
0x432: {  	[sflag:s16] =	ssyncset.done $0x0  }
0x433: {  	s28 =	simm.s32 $0x580;
	[sflag:s16] =	ssyncadd.s32 $0xFFFFC000  }
0x434: {  	[spmem:s3] =	stream.indirect.scatter.add.f32 [tilespmem:s12], [sflag:$0x5], $0x80, s28, s10, $0xb8;
	[tilespmem:$0x1E000] =	vst v63  }
0x435: {  	_ =	swait.ge [sflag:s7], $0x4000  }
0x436: {  	[sflag:s7] =	ssyncset.done $0x0  }
0x437: {  	s28 =	simm.s32 $0x700;
	[sflag:s7] =	ssyncadd.s32 $0xFFFFC000  }
0x438: {  	[tilespmem:s12], [sflag:$0x2] =	stream.indirect.gather [hbm4b:s1+s10], $0x80, s28, s10, $0xb8;
	[tilespmem:$0x1E000] =	vst v63  }
0x439: {  	_ =	swait.ge [sflag:s14], $0x4000  }
0x43a: {  	[sflag:s14] =	ssyncset.done $0x0  }
0x43b: {  	s28 =	simm.s32 $0x680;
	[sflag:s14] =	ssyncadd.s32 $0xFFFFC000  }
0x43c: {  	[spmem:s3] =	stream.indirect.scatter.add.f32 [tilespmem:s8], [sflag:$0x5], $0x80, s28, s10, $0xb8;
	[tilespmem:$0x1E000] =	vst v63  }
0x43d: {  	_ =	swait.ge [sflag:s7], $0x4000  }
0x43e: {  	[sflag:s7] =	ssyncset.done $0x0  }
0x43f: {  	s28 =	simm.s32 $0x800;
	[sflag:s7] =	ssyncadd.s32 $0xFFFFC000  }
0x440: {  	[tilespmem:s8], [sflag:$0x1] =	stream.indirect.gather [hbm4b:s1+s10], $0x80, s28, s10, $0xb8;
	[tilespmem:$0x1E000] =	vst v63  }
0x441: {  	_ =	swait.ge [sflag:s16], $0x4000  }
0x442: {  	[sflag:s16] =	ssyncset.done $0x0  }
0x443: {  	s28 =	simm.s32 $0x780;
	[sflag:s16] =	ssyncadd.s32 $0xFFFFC000  }
0x444: {  	[spmem:s3] =	stream.indirect.scatter.add.f32 [tilespmem:s12], [sflag:$0x5], $0x80, s28, s10, $0xb8;
	[tilespmem:$0x1E000] =	vst v63  }
0x445: {  	_ =	swait.ge [sflag:s7], $0x4000  }
0x446: {  	[sflag:s7] =	ssyncset.done $0x0  }
0x447: {  	s28 =	simm.s32 $0x900;
	[sflag:s7] =	ssyncadd.s32 $0xFFFFC000  }
0x448: {  	[tilespmem:s12], [sflag:$0x2] =	stream.indirect.gather [hbm4b:s1+s10], $0x80, s28, s10, $0xb8;
	[tilespmem:$0x1E000] =	vst v63  }
0x449: {  	_ =	swait.ge [sflag:s14], $0x4000  }
0x44a: {  	[sflag:s14] =	ssyncset.done $0x0  }
0x44b: {  	s28 =	simm.s32 $0x880;
	[sflag:s14] =	ssyncadd.s32 $0xFFFFC000  }
0x44c: {  	[spmem:s3] =	stream.indirect.scatter.add.f32 [tilespmem:s8], [sflag:$0x5], $0x80, s28, s10, $0xb8;
	[tilespmem:$0x1E000] =	vst v63  }
0x44d: {  	_ =	swait.ge [sflag:s7], $0x4000  }
0x44e: {  	[sflag:s7] =	ssyncset.done $0x0  }
0x44f: {  	s28 =	simm.s32 $0xA00;
	[sflag:s7] =	ssyncadd.s32 $0xFFFFC000  }
0x450: {  	[tilespmem:s8], [sflag:$0x1] =	stream.indirect.gather [hbm4b:s1+s10], $0x80, s28, s10, $0xb8;
	[tilespmem:$0x1E000] =	vst v63  }
0x451: {  	_ =	swait.ge [sflag:s16], $0x4000  }
0x452: {  	[sflag:s16] =	ssyncset.done $0x0  }
0x453: {  	s28 =	simm.s32 $0x980;
	[sflag:s16] =	ssyncadd.s32 $0xFFFFC000  }
0x454: {  	[spmem:s3] =	stream.indirect.scatter.add.f32 [tilespmem:s12], [sflag:$0x5], $0x80, s28, s10, $0xb8;
	[tilespmem:$0x1E000] =	vst v63  }
0x455: {  	_ =	swait.ge [sflag:s7], $0x4000  }
0x456: {  	[sflag:s7] =	ssyncset.done $0x0  }
0x457: {  	s28 =	simm.s32 $0xB00;
	[sflag:s7] =	ssyncadd.s32 $0xFFFFC000  }
0x458: {  	[tilespmem:s12], [sflag:$0x2] =	stream.indirect.gather [hbm4b:s1+s10], $0x80, s28, s10, $0xb8;
	[tilespmem:$0x1E000] =	vst v63  }
0x459: {  	_ =	swait.ge [sflag:s14], $0x4000  }
0x45a: {  	[sflag:s14] =	ssyncset.done $0x0  }
0x45b: {  	s28 =	simm.s32 $0xA80;
	[sflag:s14] =	ssyncadd.s32 $0xFFFFC000  }
0x45c: {  	[spmem:s3] =	stream.indirect.scatter.add.f32 [tilespmem:s8], [sflag:$0x5], $0x80, s28, s10, $0xb8;
	[tilespmem:$0x1E000] =	vst v63  }
0x45d: {  	_ =	swait.ge [sflag:s7], $0x4000  }
0x45e: {  	[sflag:s7] =	ssyncset.done $0x0  }
0x45f: {  	s28 =	simm.s32 $0xC00;
	[sflag:s7] =	ssyncadd.s32 $0xFFFFC000  }
0x460: {  	[tilespmem:s8], [sflag:$0x1] =	stream.indirect.gather [hbm4b:s1+s10], $0x80, s28, s10, $0xb8;
	[tilespmem:$0x1E000] =	vst v63  }
0x461: {  	_ =	swait.ge [sflag:s16], $0x4000  }
0x462: {  	[sflag:s16] =	ssyncset.done $0x0  }
0x463: {  	s28 =	simm.s32 $0xB80;
	[sflag:s16] =	ssyncadd.s32 $0xFFFFC000  }
0x464: {  	[spmem:s3] =	stream.indirect.scatter.add.f32 [tilespmem:s12], [sflag:$0x5], $0x80, s28, s10, $0xb8;
	[tilespmem:$0x1E000] =	vst v63  }
0x465: {  	_ =	swait.ge [sflag:s7], $0x4000  }
0x466: {  	[sflag:s7] =	ssyncset.done $0x0  }
0x467: {  	s28 =	simm.s32 $0xD00;
	[sflag:s7] =	ssyncadd.s32 $0xFFFFC000  }
0x468: {  	[tilespmem:s12], [sflag:$0x2] =	stream.indirect.gather [hbm4b:s1+s10], $0x80, s28, s10, $0xb8;
	[tilespmem:$0x1E000] =	vst v63  }
0x469: {  	_ =	swait.ge [sflag:s14], $0x4000  }
0x46a: {  	[sflag:s14] =	ssyncset.done $0x0  }
0x46b: {  	s28 =	simm.s32 $0xC80;
	[sflag:s14] =	ssyncadd.s32 $0xFFFFC000  }
0x46c: {  	[spmem:s3] =	stream.indirect.scatter.add.f32 [tilespmem:s8], [sflag:$0x5], $0x80, s28, s10, $0xb8;
	[tilespmem:$0x1E000] =	vst v63  }
0x46d: {  	_ =	swait.ge [sflag:s7], $0x4000  }
0x46e: {  	[sflag:s7] =	ssyncset.done $0x0  }
0x46f: {  	s28 =	simm.s32 $0xE00;
	[sflag:s7] =	ssyncadd.s32 $0xFFFFC000  }
0x470: {  	[tilespmem:s8], [sflag:$0x1] =	stream.indirect.gather [hbm4b:s1+s10], $0x80, s28, s10, $0xb8;
	[tilespmem:$0x1E000] =	vst v63  }
0x471: {  	_ =	swait.ge [sflag:s16], $0x4000  }
0x472: {  	[sflag:s16] =	ssyncset.done $0x0  }
0x473: {  	s28 =	simm.s32 $0xD80;
	[sflag:s16] =	ssyncadd.s32 $0xFFFFC000  }
0x474: {  	[spmem:s3] =	stream.indirect.scatter.add.f32 [tilespmem:s12], [sflag:$0x5], $0x80, s28, s10, $0xb8;
	[tilespmem:$0x1E000] =	vst v63  }
0x475: {  	_ =	swait.ge [sflag:s7], $0x4000  }
0x476: {  	[sflag:s7] =	ssyncset.done $0x0  }
0x477: {  	s28 =	simm.s32 $0xF00;
	[sflag:s7] =	ssyncadd.s32 $0xFFFFC000  }
0x478: {  	[tilespmem:s12], [sflag:$0x2] =	stream.indirect.gather [hbm4b:s1+s10], $0x80, s28, s10, $0xb8;
	[tilespmem:$0x1E000] =	vst v63  }
0x479: {  	_ =	swait.ge [sflag:s0], $0x1000  }
0x47a: {  	[sflag:s0] =	ssyncset.done $0x0  }
0x47b: {  	[sflag:s0] =	ssyncadd.s32 $0xFFFFF000  }
0x47c: {  	_ =	swait.ge [sflag:s14], $0x4000  }
0x47d: {  	[sflag:s14] =	ssyncset.done $0x0  }
0x47e: {  	s0 =	simm.s32 $0xE80;
	[sflag:s14] =	ssyncadd.s32 $0xFFFFC000  }
0x47f: {  	[spmem:s3] =	stream.indirect.scatter.add.f32 [tilespmem:s8], [sflag:$0x5], $0x80, s0, s10, $0xb8;
	[tilespmem:$0x1E000] =	vst v63  }
0x480: {  	_ =	swait.ge [sflag:s7], $0x4000  }
0x481: {  	[sflag:s7] =	ssyncset.done $0x0  }
0x482: {  	[sflag:s7] =	ssyncadd.s32 $0xFFFFC000  }
0x483: {  	[tilespmem:s8], [sflag:$0x1] =	stream.indirect.gather [hbm4b:s1+s10], $0x80, s23, s10, $0xb8;
	[tilespmem:$0x1E000] =	vst v63  }
0x484: {  	_ =	swait.ge [sflag:s16], $0x4000  }
0x485: {  	[sflag:s16] =	ssyncset.done $0x0  }
0x486: {  	s23 =	simm.s32 $0xF80;
	[sflag:s16] =	ssyncadd.s32 $0xFFFFC000  }
0x487: {  	[spmem:s3] =	stream.indirect.scatter.add.f32 [tilespmem:s12], [sflag:$0x5], $0x80, s23, s10, $0xb8;
	[tilespmem:$0x1E000] =	vst v63  }
0x488: {  	_ =	swait.ge [sflag:s7], $0x4000  }
0x489: {  	[sflag:s7] =	ssyncset.done $0x0  }
0x48a: {  	[sflag:s7] =	ssyncadd.s32 $0xFFFFC000  }
0x48b: {  	[tilespmem:s12], [sflag:$0x2] =	stream.indirect.gather [hbm4b:s1+s10], $0x80, s29, s10, $0xb8;
	[tilespmem:$0x1E000] =	vst v63  }
0x48c: {  	s28 =	rddreg [dreg:$0xc]  }
0x48d: {  	[tilespmem:s9], [sflag:$0x3] =	stream.linear.gather [hbm4b:s28+s9], $0x1000, $0x38;
	[tilespmem:$0x1E000] =	vst v63  }
0x48e: {  	_ =	swait.ge [sflag:s14], $0x4000  }
0x48f: {  	[sflag:s14] =	ssyncset.done $0x0  }
0x490: {  	s29 =	simm.s32 $0x1080;
	[sflag:s14] =	ssyncadd.s32 $0xFFFFC000  }
0x491: {  	[spmem:s3] =	stream.indirect.scatter.add.f32 [tilespmem:s8], [sflag:$0x5], $0x80, s29, s10, $0xb8;
	[tilespmem:$0x1E000] =	vst v63  }
0x492: {  	_ =	swait.ge [sflag:s7], $0x4000  }
0x493: {  	[sflag:s7] =	ssyncset.done $0x0  }
0x494: {  	[sflag:s7] =	ssyncadd.s32 $0xFFFFC000  }
0x495: {  	[tilespmem:s8], [sflag:$0x1] =	stream.indirect.gather [hbm4b:s1+s10], $0x80, s5, s10, $0xb8;
	[tilespmem:$0x1E000] =	vst v63  }
0x496: {  	_ =	swait.ge [sflag:s16], $0x4000  }
0x497: {  	[sflag:s16] =	ssyncset.done $0x0  }
0x498: {  	[sflag:s16] =	ssyncadd.s32 $0xFFFFC000  }
0x499: {  	[spmem:s3] =	stream.indirect.scatter.add.f32 [tilespmem:s12], [sflag:$0x5], $0x80, s6, s10, $0xb8;
	[tilespmem:$0x1E000] =	vst v63  }
0x49a: {  	_ =	swait.ge [sflag:s7], $0x4000  }
0x49b: {  	[sflag:s7] =	ssyncset.done $0x0  }
0x49c: {  	[sflag:s7] =	ssyncadd.s32 $0xFFFFC000  }
0x49d: {  	[tilespmem:s12], [sflag:$0x2] =	stream.indirect.gather [hbm4b:s1+s10], $0x80, s11, s10, $0xb8;
	[tilespmem:$0x1E000] =	vst v63  }
0x49e: {  	_ =	swait.ge [sflag:s14], $0x4000  }
0x49f: {  	[sflag:s14] =	ssyncset.done $0x0  }
0x4a0: {  	[sflag:s14] =	ssyncadd.s32 $0xFFFFC000  }
0x4a1: {  	[spmem:s3] =	stream.indirect.scatter.add.f32 [tilespmem:s8], [sflag:$0x5], $0x80, s17, s10, $0xb8;
	[tilespmem:$0x1E000] =	vst v63  }
0x4a2: {  	_ =	swait.ge [sflag:s7], $0x4000  }
0x4a3: {  	[sflag:s7] =	ssyncset.done $0x0  }
0x4a4: {  	[sflag:s7] =	ssyncadd.s32 $0xFFFFC000  }
0x4a5: {  	[tilespmem:s8], [sflag:$0x1] =	stream.indirect.gather [hbm4b:s1+s10], $0x80, s18, s10, $0xb8;
	[tilespmem:$0x1E000] =	vst v63  }
0x4a6: {  	_ =	swait.ge [sflag:s16], $0x4000  }
0x4a7: {  	[sflag:s16] =	ssyncset.done $0x0  }
0x4a8: {  	[sflag:s16] =	ssyncadd.s32 $0xFFFFC000  }
0x4a9: {  	[spmem:s3] =	stream.indirect.scatter.add.f32 [tilespmem:s12], [sflag:$0x5], $0x80, s19, s10, $0xb8;
	[tilespmem:$0x1E000] =	vst v63  }
0x4aa: {  	_ =	swait.ge [sflag:s7], $0x4000  }
0x4ab: {  	[sflag:s7] =	ssyncset.done $0x0  }
0x4ac: {  	[sflag:s7] =	ssyncadd.s32 $0xFFFFC000  }
0x4ad: {  	[tilespmem:s12], [sflag:$0x2] =	stream.indirect.gather [hbm4b:s1+s10], $0x80, s20, s10, $0xb8;
	[tilespmem:$0x1E000] =	vst v63  }
0x4ae: {  	_ =	swait.ge [sflag:s14], $0x4000  }
0x4af: {  	[sflag:s14] =	ssyncset.done $0x0  }
0x4b0: {  	[sflag:s14] =	ssyncadd.s32 $0xFFFFC000  }
0x4b1: {  	[spmem:s3] =	stream.indirect.scatter.add.f32 [tilespmem:s8], [sflag:$0x5], $0x80, s21, s10, $0xb8;
	[tilespmem:$0x1E000] =	vst v63  }
0x4b2: {  	_ =	swait.ge [sflag:s7], $0x4000  }
0x4b3: {  	[sflag:s7] =	ssyncset.done $0x0  }
0x4b4: {  	[sflag:s7] =	ssyncadd.s32 $0xFFFFC000  }
0x4b5: {  	[tilespmem:s8], [sflag:$0x1] =	stream.indirect.gather [hbm4b:s1+s10], $0x80, s22, s10, $0xb8;
	[tilespmem:$0x1E000] =	vst v63  }
0x4b6: {  	_ =	swait.ge [sflag:s16], $0x4000  }
0x4b7: {  	[sflag:s16] =	ssyncset.done $0x0  }
0x4b8: {  	[sflag:s16] =	ssyncadd.s32 $0xFFFFC000  }
0x4b9: {  	[spmem:s3] =	stream.indirect.scatter.add.f32 [tilespmem:s12], [sflag:$0x5], $0x80, s24, s10, $0xb8;
	[tilespmem:$0x1E000] =	vst v63  }
0x4ba: {  	_ =	swait.ge [sflag:s7], $0x4000  }
0x4bb: {  	[sflag:s7] =	ssyncset.done $0x0  }
0x4bc: {  	[sflag:s7] =	ssyncadd.s32 $0xFFFFC000  }
0x4bd: {  	[tilespmem:s12], [sflag:$0x2] =	stream.indirect.gather [hbm4b:s1+s10], $0x80, s25, s10, $0xb8;
	[tilespmem:$0x1E000] =	vst v63  }
0x4be: {  	_ =	swait.ge [sflag:s14], $0x4000  }
0x4bf: {  	[sflag:s14] =	ssyncset.done $0x0  }
0x4c0: {  	[sflag:s14] =	ssyncadd.s32 $0xFFFFC000  }
0x4c1: {  	[spmem:s3] =	stream.indirect.scatter.add.f32 [tilespmem:s8], [sflag:$0x5], $0x80, s30, s10, $0xb8;
	[tilespmem:$0x1E000] =	vst v63  }
0x4c2: {  	_ =	swait.ge [sflag:s7], $0x4000  }
0x4c3: {  	[sflag:s7] =	ssyncset.done $0x0  }
0x4c4: {  	[sflag:s7] =	ssyncadd.s32 $0xFFFFC000  }
0x4c5: {  	[tilespmem:s8], [sflag:$0x1] =	stream.indirect.gather [hbm4b:s1+s10], $0x80, s31, s10, $0xb8;
	[tilespmem:$0x1E000] =	vst v63  }
0x4c6: {  	_ =	swait.ge [sflag:s16], $0x4000  }
0x4c7: {  	[sflag:s16] =	ssyncset.done $0x0  }
0x4c8: {  	[sflag:s16] =	ssyncadd.s32 $0xFFFFC000  }
0x4c9: {  	[spmem:s3] =	stream.indirect.scatter.add.f32 [tilespmem:s12], [sflag:$0x5], $0x80, s15, s10, $0xb8;
	[tilespmem:$0x1E000] =	vst v63  }
0x4ca: {  	_ =	swait.ge [sflag:s7], $0x4000  }
0x4cb: {  	[sflag:s7] =	ssyncset.done $0x0  }
0x4cc: {  	[sflag:s7] =	ssyncadd.s32 $0xFFFFC000  }
0x4cd: {  	[tilespmem:s12], [sflag:$0x2] =	stream.indirect.gather [hbm4b:s1+s10], $0x80, s13, s10, $0xb8;
	[tilespmem:$0x1E000] =	vst v63  }
0x4ce: {  	_ =	swait.ge [sflag:s14], $0x4000  }
0x4cf: {  	[sflag:s14] =	ssyncset.done $0x0  }
0x4d0: {  	s29 =	simm.s32 $0x1880;
	[sflag:s14] =	ssyncadd.s32 $0xFFFFC000  }
0x4d1: {  	[spmem:s3] =	stream.indirect.scatter.add.f32 [tilespmem:s8], [sflag:$0x5], $0x80, s29, s10, $0xb8;
	[tilespmem:$0x1E000] =	vst v63  }
0x4d2: {  	_ =	swait.ge [sflag:s7], $0x4000  }
0x4d3: {  	[sflag:s7] =	ssyncset.done $0x0  }
0x4d4: {  	s28 =	simm.s32 $0x1A00;
	[sflag:s7] =	ssyncadd.s32 $0xFFFFC000  }
0x4d5: {  	[tilespmem:s8], [sflag:$0x1] =	stream.indirect.gather [hbm4b:s1+s10], $0x80, s28, s10, $0xb8;
	[tilespmem:$0x1E000] =	vst v63  }
0x4d6: {  	_ =	swait.ge [sflag:s16], $0x4000  }
0x4d7: {  	[sflag:s16] =	ssyncset.done $0x0  }
0x4d8: {  	s29 =	simm.s32 $0x1980;
	[sflag:s16] =	ssyncadd.s32 $0xFFFFC000  }
0x4d9: {  	[spmem:s3] =	stream.indirect.scatter.add.f32 [tilespmem:s12], [sflag:$0x5], $0x80, s29, s10, $0xb8;
	[tilespmem:$0x1E000] =	vst v63  }
0x4da: {  	_ =	swait.ge [sflag:s7], $0x4000  }
0x4db: {  	[sflag:s7] =	ssyncset.done $0x0  }
0x4dc: {  	s28 =	simm.s32 $0x1B00;
	[sflag:s7] =	ssyncadd.s32 $0xFFFFC000  }
0x4dd: {  	[tilespmem:s12], [sflag:$0x2] =	stream.indirect.gather [hbm4b:s1+s10], $0x80, s28, s10, $0xb8;
	[tilespmem:$0x1E000] =	vst v63  }
0x4de: {  	_ =	swait.ge [sflag:s14], $0x4000  }
0x4df: {  	[sflag:s14] =	ssyncset.done $0x0  }
0x4e0: {  	s29 =	simm.s32 $0x1A80;
	[sflag:s14] =	ssyncadd.s32 $0xFFFFC000  }
0x4e1: {  	[spmem:s3] =	stream.indirect.scatter.add.f32 [tilespmem:s8], [sflag:$0x5], $0x80, s29, s10, $0xb8;
	[tilespmem:$0x1E000] =	vst v63  }
0x4e2: {  	_ =	swait.ge [sflag:s7], $0x4000  }
0x4e3: {  	[sflag:s7] =	ssyncset.done $0x0  }
0x4e4: {  	s28 =	simm.s32 $0x1C00;
	[sflag:s7] =	ssyncadd.s32 $0xFFFFC000  }
0x4e5: {  	[tilespmem:s8], [sflag:$0x1] =	stream.indirect.gather [hbm4b:s1+s10], $0x80, s28, s10, $0xb8;
	[tilespmem:$0x1E000] =	vst v63  }
0x4e6: {  	_ =	swait.ge [sflag:s16], $0x4000  }
0x4e7: {  	[sflag:s16] =	ssyncset.done $0x0  }
0x4e8: {  	s29 =	simm.s32 $0x1B80;
	[sflag:s16] =	ssyncadd.s32 $0xFFFFC000  }
0x4e9: {  	[spmem:s3] =	stream.indirect.scatter.add.f32 [tilespmem:s12], [sflag:$0x5], $0x80, s29, s10, $0xb8;
	[tilespmem:$0x1E000] =	vst v63  }
0x4ea: {  	_ =	swait.ge [sflag:s7], $0x4000  }
0x4eb: {  	[sflag:s7] =	ssyncset.done $0x0  }
0x4ec: {  	s28 =	simm.s32 $0x1D00;
	[sflag:s7] =	ssyncadd.s32 $0xFFFFC000  }
0x4ed: {  	[tilespmem:s12], [sflag:$0x2] =	stream.indirect.gather [hbm4b:s1+s10], $0x80, s28, s10, $0xb8;
	[tilespmem:$0x1E000] =	vst v63  }
0x4ee: {  	_ =	swait.ge [sflag:s14], $0x4000  }
0x4ef: {  	[sflag:s14] =	ssyncset.done $0x0  }
0x4f0: {  	s29 =	simm.s32 $0x1C80;
	[sflag:s14] =	ssyncadd.s32 $0xFFFFC000  }
0x4f1: {  	[spmem:s3] =	stream.indirect.scatter.add.f32 [tilespmem:s8], [sflag:$0x5], $0x80, s29, s10, $0xb8;
	[tilespmem:$0x1E000] =	vst v63  }
0x4f2: {  	_ =	swait.ge [sflag:s7], $0x4000  }
0x4f3: {  	[sflag:s7] =	ssyncset.done $0x0  }
0x4f4: {  	s28 =	simm.s32 $0x1E00;
	[sflag:s7] =	ssyncadd.s32 $0xFFFFC000  }
0x4f5: {  	[tilespmem:s8], [sflag:$0x1] =	stream.indirect.gather [hbm4b:s1+s10], $0x80, s28, s10, $0xb8;
	[tilespmem:$0x1E000] =	vst v63  }
0x4f6: {  	_ =	swait.ge [sflag:s16], $0x4000  }
0x4f7: {  	[sflag:s16] =	ssyncset.done $0x0  }
0x4f8: {  	s29 =	simm.s32 $0x1D80;
	[sflag:s16] =	ssyncadd.s32 $0xFFFFC000  }
0x4f9: {  	[spmem:s3] =	stream.indirect.scatter.add.f32 [tilespmem:s12], [sflag:$0x5], $0x80, s29, s10, $0xb8;
	[tilespmem:$0x1E000] =	vst v63  }
0x4fa: {  	_ =	swait.ge [sflag:s7], $0x4000  }
0x4fb: {  	[sflag:s7] =	ssyncset.done $0x0  }
0x4fc: {  	s28 =	simm.s32 $0x1F00;
	[sflag:s7] =	ssyncadd.s32 $0xFFFFC000  }
0x4fd: {  	[tilespmem:s12], [sflag:$0x2] =	stream.indirect.gather [hbm4b:s1+s10], $0x80, s28, s10, $0xb8;
	[tilespmem:$0x1E000] =	vst v63  }
0x4fe: {  	_ =	swait.ge [sflag:s2], $0x1000  }
0x4ff: {  	[sflag:s2] =	ssyncset.done $0x0  }
0x500: {  	[sflag:s2] =	ssyncadd.s32 $0xFFFFF000  }
0x501: {  	_ =	swait.ge [sflag:s14], $0x4000  }
0x502: {  	[sflag:s14] =	ssyncset.done $0x0  }
0x503: {  	s29 =	simm.s32 $0x1E80;
	[sflag:s14] =	ssyncadd.s32 $0xFFFFC000  }
0x504: {  	[spmem:s3] =	stream.indirect.scatter.add.f32 [tilespmem:s8], [sflag:$0x5], $0x80, s29, s10, $0xb8;
	[tilespmem:$0x1E000] =	vst v63  }
0x505: {  	_ =	swait.ge [sflag:s7], $0x4000  }
0x506: {  	[sflag:s7] =	ssyncset.done $0x0  }
0x507: {  	[sflag:s7] =	ssyncadd.s32 $0xFFFFC000  }
0x508: {  	[tilespmem:s8], [sflag:$0x1] =	stream.indirect.gather [hbm4b:s1+s10], $0x80, s9, s10, $0xb8;
	[tilespmem:$0x1E000] =	vst v63  }
0x509: {  	_ =	swait.ge [sflag:s16], $0x4000  }
0x50a: {  	[sflag:s16] =	ssyncset.done $0x0  }
0x50b: {  	s5 =	simm.s32 $0x1F80;
	[sflag:s16] =	ssyncadd.s32 $0xFFFFC000  }
0x50c: {  	[spmem:s3] =	stream.indirect.scatter.add.f32 [tilespmem:s12], [sflag:$0x5], $0x80, s5, s10, $0xb8;
	[tilespmem:$0x1E000] =	vst v63  }
0x50d: {  	_ =	swait.ge [sflag:s7], $0x4000  }
0x50e: {  	[sflag:s7] =	ssyncset.done $0x0  }
0x50f: {  	s28 =	simm.s32 $0x100;
	[sflag:s7] =	ssyncadd.s32 $0xFFFFC000  }
0x510: {  	[tilespmem:s12], [sflag:$0x2] =	stream.indirect.gather [hbm4b:s1+s10], $0x80, s28, s10, $0xb8;
	[tilespmem:$0x1E000] =	vst v63  }
0x511: {  	_ =	swait.ge [sflag:s14], $0x4000  }
0x512: {  	[sflag:s14] =	ssyncset.done $0x0  }
0x513: {  	[sflag:s14] =	ssyncadd.s32 $0xFFFFC000  }
0x514: {  	[spmem:s3] =	stream.indirect.scatter.add.f32 [tilespmem:s8], [sflag:$0x5], $0x80, s10, s10, $0xb8;
	[tilespmem:$0x1E000] =	vst v63  }
0x515: {  	_ =	swait.ge [sflag:s7], $0x4000  }
0x516: {  	[sflag:s7] =	ssyncset.done $0x0  }
0x517: {  	[sflag:s7] =	ssyncadd.s32 $0xFFFFC000  }
0x518: {  	[tilespmem:s8], [sflag:$0x1] =	stream.indirect.gather [hbm4b:s1+s10], $0x80, s4, s10, $0xb8;
	[tilespmem:$0x1E000] =	vst v63  }
0x519: {  	_ =	swait.ge [sflag:s16], $0x4000  }
0x51a: {  	[sflag:s16] =	ssyncset.done $0x0  }
0x51b: {  	s29 =	simm.s32 $0x180;
	[sflag:s16] =	ssyncadd.s32 $0xFFFFC000  }
0x51c: {  	[spmem:s3] =	stream.indirect.scatter.add.f32 [tilespmem:s12], [sflag:$0x5], $0x80, s29, s10, $0xb8;
	[tilespmem:$0x1E000] =	vst v63  }
0x51d: {  	_ =	swait.ge [sflag:s7], $0x4000  }
0x51e: {  	[sflag:s7] =	ssyncset.done $0x0  }
0x51f: {  	s4 =	simm.s32 $0x300;
	[sflag:s7] =	ssyncadd.s32 $0xFFFFC000  }
0x520: {  	[tilespmem:s12], [sflag:$0x2] =	stream.indirect.gather [hbm4b:s1+s10], $0x80, s4, s10, $0xb8;
	[tilespmem:$0x1E000] =	vst v63  }
0x521: {  	_ =	swait.ge [sflag:s14], $0x4000  }
0x522: {  	[sflag:s14] =	ssyncset.done $0x0  }
0x523: {  	s5 =	simm.s32 $0x280;
	[sflag:s14] =	ssyncadd.s32 $0xFFFFC000  }
0x524: {  	[spmem:s3] =	stream.indirect.scatter.add.f32 [tilespmem:s8], [sflag:$0x5], $0x80, s5, s10, $0xb8;
	[tilespmem:$0x1E000] =	vst v63  }
0x525: {  	_ =	swait.ge [sflag:s7], $0x4000  }
0x526: {  	[sflag:s7] =	ssyncset.done $0x0  }
0x527: {  	s28 =	simm.s32 $0x400;
	[sflag:s7] =	ssyncadd.s32 $0xFFFFC000  }
0x528: {  	[tilespmem:s8], [sflag:$0x1] =	stream.indirect.gather [hbm4b:s1+s10], $0x80, s28, s10, $0xb8;
	[tilespmem:$0x1E000] =	vst v63  }
0x529: {  	_ =	swait.ge [sflag:s16], $0x4000  }
0x52a: {  	[sflag:s16] =	ssyncset.done $0x0  }
0x52b: {  	s29 =	simm.s32 $0x380;
	[sflag:s16] =	ssyncadd.s32 $0xFFFFC000  }
0x52c: {  	[spmem:s3] =	stream.indirect.scatter.add.f32 [tilespmem:s12], [sflag:$0x5], $0x80, s29, s10, $0xb8;
	[tilespmem:$0x1E000] =	vst v63  }
0x52d: {  	_ =	swait.ge [sflag:s7], $0x4000  }
0x52e: {  	[sflag:s7] =	ssyncset.done $0x0  }
0x52f: {  	s4 =	simm.s32 $0x500;
	[sflag:s7] =	ssyncadd.s32 $0xFFFFC000  }
0x530: {  	[tilespmem:s12], [sflag:$0x2] =	stream.indirect.gather [hbm4b:s1+s10], $0x80, s4, s10, $0xb8;
	[tilespmem:$0x1E000] =	vst v63  }
0x531: {  	_ =	swait.ge [sflag:s14], $0x4000  }
0x532: {  	[sflag:s14] =	ssyncset.done $0x0  }
0x533: {  	s5 =	simm.s32 $0x480;
	[sflag:s14] =	ssyncadd.s32 $0xFFFFC000  }
0x534: {  	[spmem:s3] =	stream.indirect.scatter.add.f32 [tilespmem:s8], [sflag:$0x5], $0x80, s5, s10, $0xb8;
	[tilespmem:$0x1E000] =	vst v63  }
0x535: {  	_ =	swait.ge [sflag:s7], $0x4000  }
0x536: {  	[sflag:s7] =	ssyncset.done $0x0  }
0x537: {  	s28 =	simm.s32 $0x600;
	[sflag:s7] =	ssyncadd.s32 $0xFFFFC000  }
0x538: {  	[tilespmem:s8], [sflag:$0x1] =	stream.indirect.gather [hbm4b:s1+s10], $0x80, s28, s10, $0xb8;
	[tilespmem:$0x1E000] =	vst v63  }
0x539: {  	_ =	swait.ge [sflag:s16], $0x4000  }
0x53a: {  	[sflag:s16] =	ssyncset.done $0x0  }
0x53b: {  	s29 =	simm.s32 $0x580;
	[sflag:s16] =	ssyncadd.s32 $0xFFFFC000  }
0x53c: {  	[spmem:s3] =	stream.indirect.scatter.add.f32 [tilespmem:s12], [sflag:$0x5], $0x80, s29, s10, $0xb8;
	[tilespmem:$0x1E000] =	vst v63  }
0x53d: {  	_ =	swait.ge [sflag:s7], $0x4000  }
0x53e: {  	[sflag:s7] =	ssyncset.done $0x0  }
0x53f: {  	s4 =	simm.s32 $0x700;
	[sflag:s7] =	ssyncadd.s32 $0xFFFFC000  }
0x540: {  	[tilespmem:s12], [sflag:$0x2] =	stream.indirect.gather [hbm4b:s1+s10], $0x80, s4, s10, $0xb8;
	[tilespmem:$0x1E000] =	vst v63  }
0x541: {  	_ =	swait.ge [sflag:s14], $0x4000  }
0x542: {  	[sflag:s14] =	ssyncset.done $0x0  }
0x543: {  	s5 =	simm.s32 $0x680;
	[sflag:s14] =	ssyncadd.s32 $0xFFFFC000  }
0x544: {  	[spmem:s3] =	stream.indirect.scatter.add.f32 [tilespmem:s8], [sflag:$0x5], $0x80, s5, s10, $0xb8;
	[tilespmem:$0x1E000] =	vst v63  }
0x545: {  	_ =	swait.ge [sflag:s7], $0x4000  }
0x546: {  	[sflag:s7] =	ssyncset.done $0x0  }
0x547: {  	s28 =	simm.s32 $0x800;
	[sflag:s7] =	ssyncadd.s32 $0xFFFFC000  }
0x548: {  	[tilespmem:s8], [sflag:$0x1] =	stream.indirect.gather [hbm4b:s1+s10], $0x80, s28, s10, $0xb8;
	[tilespmem:$0x1E000] =	vst v63  }
0x549: {  	_ =	swait.ge [sflag:s16], $0x4000  }
0x54a: {  	[sflag:s16] =	ssyncset.done $0x0  }
0x54b: {  	s29 =	simm.s32 $0x780;
	[sflag:s16] =	ssyncadd.s32 $0xFFFFC000  }
0x54c: {  	[spmem:s3] =	stream.indirect.scatter.add.f32 [tilespmem:s12], [sflag:$0x5], $0x80, s29, s10, $0xb8;
	[tilespmem:$0x1E000] =	vst v63  }
0x54d: {  	_ =	swait.ge [sflag:s7], $0x4000  }
0x54e: {  	[sflag:s7] =	ssyncset.done $0x0  }
0x54f: {  	s4 =	simm.s32 $0x900;
	[sflag:s7] =	ssyncadd.s32 $0xFFFFC000  }
0x550: {  	[tilespmem:s12], [sflag:$0x2] =	stream.indirect.gather [hbm4b:s1+s10], $0x80, s4, s10, $0xb8;
	[tilespmem:$0x1E000] =	vst v63  }
0x551: {  	_ =	swait.ge [sflag:s14], $0x4000  }
0x552: {  	[sflag:s14] =	ssyncset.done $0x0  }
0x553: {  	s5 =	simm.s32 $0x880;
	[sflag:s14] =	ssyncadd.s32 $0xFFFFC000  }
0x554: {  	[spmem:s3] =	stream.indirect.scatter.add.f32 [tilespmem:s8], [sflag:$0x5], $0x80, s5, s10, $0xb8;
	[tilespmem:$0x1E000] =	vst v63  }
0x555: {  	_ =	swait.ge [sflag:s7], $0x4000  }
0x556: {  	[sflag:s7] =	ssyncset.done $0x0  }
0x557: {  	s28 =	simm.s32 $0xA00;
	[sflag:s7] =	ssyncadd.s32 $0xFFFFC000  }
0x558: {  	[tilespmem:s8], [sflag:$0x1] =	stream.indirect.gather [hbm4b:s1+s10], $0x80, s28, s10, $0xb8;
	[tilespmem:$0x1E000] =	vst v63  }
0x559: {  	_ =	swait.ge [sflag:s16], $0x4000  }
0x55a: {  	[sflag:s16] =	ssyncset.done $0x0  }
0x55b: {  	s29 =	simm.s32 $0x980;
	[sflag:s16] =	ssyncadd.s32 $0xFFFFC000  }
0x55c: {  	[spmem:s3] =	stream.indirect.scatter.add.f32 [tilespmem:s12], [sflag:$0x5], $0x80, s29, s10, $0xb8;
	[tilespmem:$0x1E000] =	vst v63  }
0x55d: {  	_ =	swait.ge [sflag:s7], $0x4000  }
0x55e: {  	[sflag:s7] =	ssyncset.done $0x0  }
0x55f: {  	s4 =	simm.s32 $0xB00;
	[sflag:s7] =	ssyncadd.s32 $0xFFFFC000  }
0x560: {  	[tilespmem:s12], [sflag:$0x2] =	stream.indirect.gather [hbm4b:s1+s10], $0x80, s4, s10, $0xb8;
	[tilespmem:$0x1E000] =	vst v63  }
0x561: {  	_ =	swait.ge [sflag:s14], $0x4000  }
0x562: {  	[sflag:s14] =	ssyncset.done $0x0  }
0x563: {  	s5 =	simm.s32 $0xA80;
	[sflag:s14] =	ssyncadd.s32 $0xFFFFC000  }
0x564: {  	[spmem:s3] =	stream.indirect.scatter.add.f32 [tilespmem:s8], [sflag:$0x5], $0x80, s5, s10, $0xb8;
	[tilespmem:$0x1E000] =	vst v63  }
0x565: {  	_ =	swait.ge [sflag:s7], $0x4000  }
0x566: {  	[sflag:s7] =	ssyncset.done $0x0  }
0x567: {  	s28 =	simm.s32 $0xC00;
	[sflag:s7] =	ssyncadd.s32 $0xFFFFC000  }
0x568: {  	[tilespmem:s8], [sflag:$0x1] =	stream.indirect.gather [hbm4b:s1+s10], $0x80, s28, s10, $0xb8;
	[tilespmem:$0x1E000] =	vst v63  }
0x569: {  	_ =	swait.ge [sflag:s16], $0x4000  }
0x56a: {  	[sflag:s16] =	ssyncset.done $0x0  }
0x56b: {  	s29 =	simm.s32 $0xB80;
	[sflag:s16] =	ssyncadd.s32 $0xFFFFC000  }
0x56c: {  	[spmem:s3] =	stream.indirect.scatter.add.f32 [tilespmem:s12], [sflag:$0x5], $0x80, s29, s10, $0xb8;
	[tilespmem:$0x1E000] =	vst v63  }
0x56d: {  	_ =	swait.ge [sflag:s7], $0x4000  }
0x56e: {  	[sflag:s7] =	ssyncset.done $0x0  }
0x56f: {  	s4 =	simm.s32 $0xD00;
	[sflag:s7] =	ssyncadd.s32 $0xFFFFC000  }
0x570: {  	[tilespmem:s12], [sflag:$0x2] =	stream.indirect.gather [hbm4b:s1+s10], $0x80, s4, s10, $0xb8;
	[tilespmem:$0x1E000] =	vst v63  }
0x571: {  	_ =	swait.ge [sflag:s14], $0x4000  }
0x572: {  	[sflag:s14] =	ssyncset.done $0x0  }
0x573: {  	s5 =	simm.s32 $0xC80;
	[sflag:s14] =	ssyncadd.s32 $0xFFFFC000  }
0x574: {  	[spmem:s3] =	stream.indirect.scatter.add.f32 [tilespmem:s8], [sflag:$0x5], $0x80, s5, s10, $0xb8;
	[tilespmem:$0x1E000] =	vst v63  }
0x575: {  	_ =	swait.ge [sflag:s7], $0x4000  }
0x576: {  	[sflag:s7] =	ssyncset.done $0x0  }
0x577: {  	s28 =	simm.s32 $0xE00;
	[sflag:s7] =	ssyncadd.s32 $0xFFFFC000  }
0x578: {  	[tilespmem:s8], [sflag:$0x1] =	stream.indirect.gather [hbm4b:s1+s10], $0x80, s28, s10, $0xb8;
	[tilespmem:$0x1E000] =	vst v63  }
0x579: {  	_ =	swait.ge [sflag:s16], $0x4000  }
0x57a: {  	[sflag:s16] =	ssyncset.done $0x0  }
0x57b: {  	s29 =	simm.s32 $0xD80;
	[sflag:s16] =	ssyncadd.s32 $0xFFFFC000  }
0x57c: {  	[spmem:s3] =	stream.indirect.scatter.add.f32 [tilespmem:s12], [sflag:$0x5], $0x80, s29, s10, $0xb8;
	[tilespmem:$0x1E000] =	vst v63  }
0x57d: {  	_ =	swait.ge [sflag:s7], $0x4000  }
0x57e: {  	[sflag:s7] =	ssyncset.done $0x0  }
0x57f: {  	s4 =	simm.s32 $0xF00;
	[sflag:s7] =	ssyncadd.s32 $0xFFFFC000  }
0x580: {  	[tilespmem:s12], [sflag:$0x2] =	stream.indirect.gather [hbm4b:s1+s10], $0x80, s4, s10, $0xb8;
	[tilespmem:$0x1E000] =	vst v63  }
0x581: {  	_ =	swait.ge [sflag:s14], $0x4000  }
0x582: {  	[sflag:s14] =	ssyncset.done $0x0  }
0x583: {  	[sflag:s14] =	ssyncadd.s32 $0xFFFFC000  }
0x584: {  	[spmem:s3] =	stream.indirect.scatter.add.f32 [tilespmem:s8], [sflag:$0x5], $0x80, s0, s10, $0xb8;
	[tilespmem:$0x1E000] =	vst v63  }
0x585: {  	_ =	swait.ge [sflag:s7], $0x4000  }
0x586: {  	[sflag:s7] =	ssyncset.done $0x0  }
0x587: {  	[sflag:s7] =	ssyncadd.s32 $0xFFFFC000  }
0x588: {  	_ =	swait.ge [sflag:s16], $0x4000  }
0x589: {  	[sflag:s16] =	ssyncset.done $0x0  }
0x58a: {  	[sflag:s16] =	ssyncadd.s32 $0xFFFFC000  }
0x58b: {  	[spmem:s3] =	stream.indirect.scatter.add.f32 [tilespmem:s12], [sflag:$0x5], $0x80, s23, s10, $0xb8;
	[tilespmem:$0x1E000] =	vst v63  }
0x58c: {  	_ =	swait.ge [sflag:s7], $0x4000  }
0x58d: {  	[sflag:s7] =	ssyncset.done $0x0  }
0x58e: {  	[sflag:s7] =	ssyncadd.s32 $0xFFFFC000  }
0x58f: {  	s26 =	sadd.s32 $0xFFFFFFFF, s26;
	[bflag:$0x0] =	sbarrier.arrive $0xFFFF  }
0x590: {  	p0 =	sne.s32 s26, $0x0;
	s5 =	rddreg [dreg:$0x7]  }
.Ltmp1:
0x591: {  	s23 =	rddreg [dreg:$0x12];
	(pc) =	sbr.rel @p0 .LBB2_2-.Ltmp1, $4  }
0x592: {  	s29 =	rddreg [dreg:$0x13]  }
0x593: {  	[hbm:s5], [sflag:s23] =	dma.local [spmem:s29], $0x2800  }
0x594: {  	_ =	swait.ge [sflag:s7], $0x2800  }
0x595: {  	[sflag:s7] =	ssyncset.done $0x0  }
.LBB2_3:
0x596: {  	[sflag:s7] =	ssyncadd.s32 $0xFFFFD800  }
0x597: {  	_ =	sfence.sel $0x180000  }
0x598: {  	[bflag:$0x0] =	sbarrier.arrive $0xFFFF  }
0x599: {  	_ =	strace $0x90000047  }
0x59a: {  	s0 =	stileid.u32;
	[bflag:$0x2] =	sbarrier.arrive $0xFFFF  }
0x59b: {  	p0 =	sne.s32 s0, $0x0;
	s0 =	rddreg [dreg:$0x5]  }
0x59c: {  	s0 =	sadd.s32 @!p0 $0x100000, s0  }
0x59d: {  	[sflag:s0] =	ssyncadd.tile.s32 @!p0 $0x1;
	_ =	shalt  }
.Lfunc_end2:
_tile_overlayer_lowered:
.L_overlay_start_2:
0x59e: {  	(tag) =	ssettag $0x2  }
0x59f: {  	s0 =	rddreg [dreg:$0x0];
	s2 =	stileid.u32  }
0x5a0: {  	s1 =	rddreg [dreg:$0x1];
	p0 =	sne.s32 s2, $0x0  }
0x5a1: {  	s3 =	rddreg [dreg:$0x2];
	[bflag:$0x3] =	sbarrier.arrive $0xFFFF;
	s2 =	simm.s32 @!p0 $0x1C05  }
0x5a2: {  	[timem:s3], [sflag:s2] =	dma.local @!p0 [hbm:s0], s1  }
0x5a3: {  	s0 =	simm.s32 @!p0 $0x5  }
0x5a4: {  	_ =	swait.ge @!p0 [sflag:s0], s1  }
0x5a5: {  	s1 =	ssub.s32 @!p0 $0x0, s1;
	[sflag:s0] =	ssyncset.done @!p0 $0x0  }
0x5a6: {  	[sflag:s0] =	ssyncadd.s32 @!p0 s1  }
0x5a7: {  	[bflag:$0x3] =	sbarrier.arrive $0xFFFF  }
0x5a8: {  	_ =	shalt  }

</sc_bundles>
